<compile_context>
chip_gen: v7x
topology: tpu7x:2x2x1
jax: 0.10.2.dev20260603
libtpu: 0.0.44.dev20260713+nightly
codegen_flags: <defaults>
</compile_context>

<pallas_src>
import functools

import jax
import jax.numpy as jnp
from jax import lax
from jax.experimental import pallas as pl
from jax.experimental.pallas import tpu as pltpu
from jax.experimental.pallas import tpu_sc as plsc

_T, _B, _F, _H, _K = 24, 4096, 64, 16, 5
_TH = _T * _H
_D = 64
_KE = _K - 1
_NW = 32
_EPW = _B * _KE // _NW
_CH = 128
_NCH = _EPW // _CH
_RT1 = 512
_RT2 = 1024
_RT3 = 512

_PREC = lax.Precision.DEFAULT


def _dot(a, b):
    return jnp.dot(a, b, preferred_element_type=jnp.float32, precision=_PREC)



def _k1_body(x_ref, wihT_ref, whhT_ref, bl_ref, wgnn_ref, flat_ref, wflat_ref,
             bf_ref, out_ref, last_ref, xg_ref, fb_ref, xx_ref):
    bt = x_ref.shape[1]
    wih = [wihT_ref[:, k * _H:(k + 1) * _H] for k in range(4)]
    whh = [whhT_ref[:, k * _H:(k + 1) * _H] for k in range(4)]
    bls = [bl_ref[:, k * _H:(k + 1) * _H] for k in range(4)]
    h = jnp.zeros((bt, _H), jnp.float32)
    c = jnp.zeros((bt, _H), jnp.float32)
    hs = []
    for t in range(_T):
        xt = x_ref[t]
        g = [_dot(xt, wih[k]) + _dot(h, whh[k]) + bls[k] for k in range(4)]
        i_g = jax.nn.sigmoid(g[0])
        f_g = jax.nn.sigmoid(g[1])
        g_g = jnp.tanh(g[2])
        o_g = jax.nn.sigmoid(g[3])
        c = f_g * c + i_g * g_g
        h = o_g * jnp.tanh(c)
        hs.append(h)
    out = jnp.concatenate(hs, axis=1)
    out_ref[...] = out
    last_ref[...] = h
    xx_ref[...] = jnp.sum(out * out, axis=1, keepdims=True)
    xg_ref[...] = _dot(out, wgnn_ref[...])
    fb_ref[...] = _dot(flat_ref[...], wflat_ref[...]) + bf_ref[...]


def _run_k1(x, flat, wihT, whhT, bl, W_gnn, W_flat, bf):
    n = _B // _RT1
    return pl.pallas_call(
        _k1_body,
        grid=(n,),
        in_specs=[
            pl.BlockSpec((_T, _RT1, _F), lambda i: (0, i, 0)),
            pl.BlockSpec((_F, 4 * _H), lambda i: (0, 0)),
            pl.BlockSpec((_H, 4 * _H), lambda i: (0, 0)),
            pl.BlockSpec((1, 4 * _H), lambda i: (0, 0)),
            pl.BlockSpec((_TH, _D), lambda i: (0, 0)),
            pl.BlockSpec((_RT1, 32), lambda i: (i, 0)),
            pl.BlockSpec((32, 32), lambda i: (0, 0)),
            pl.BlockSpec((1, 32), lambda i: (0, 0)),
        ],
        out_specs=[
            pl.BlockSpec((_RT1, _TH), lambda i: (i, 0)),
            pl.BlockSpec((_RT1, _H), lambda i: (i, 0)),
            pl.BlockSpec((_RT1, _D), lambda i: (i, 0)),
            pl.BlockSpec((_RT1, 32), lambda i: (i, 0)),
            pl.BlockSpec((_RT1, 1), lambda i: (i, 0)),
        ],
        out_shape=[
            jax.ShapeDtypeStruct((_B, _TH), jnp.float32),
            jax.ShapeDtypeStruct((_B, _H), jnp.float32),
            jax.ShapeDtypeStruct((_B, _D), jnp.float32),
            jax.ShapeDtypeStruct((_B, 32), jnp.float32),
            jax.ShapeDtypeStruct((_B, 1), jnp.float32),
        ],
    )(x, wihT, whhT, bl, W_gnn, flat, W_flat, bf)



def _k2_body(outt_ref, outf_ref, xxt_ref, xxT_ref, xg_ref,
             w_ref, idx_ref, sin_ref):
    i = pl.program_id(0)
    r = outt_ref.shape[0]
    z = lax.dot_general(outt_ref[...], outf_ref[...], (((1,), (1,)), ((), ())),
                        preferred_element_type=jnp.float32, precision=_PREC)
    pd = (2.0 * z - xxt_ref[...]) - xxT_ref[...]
    iota = lax.broadcasted_iota(jnp.int32, (r, _B), 1)
    rowid = i * r + lax.broadcasted_iota(jnp.int32, (r, 1), 0)
    cur = jnp.where(iota == rowid, -jnp.inf, pd)
    vals_l, idx_l = [], []
    for l in range(_KE):
        m = jnp.max(cur, axis=1, keepdims=True)
        a = jnp.min(jnp.where(cur == m, iota, _B), axis=1, keepdims=True)
        vals_l.append(m)
        idx_l.append(a)
        if l < _KE - 1:
            cur = jnp.where(iota == a, -jnp.inf, cur)
    w = jnp.concatenate(vals_l, axis=1)
    w_ref[...] = w
    idx_ref[...] = jnp.concatenate(
        [jnp.reshape(a, (1, r)) for a in idx_l], axis=0)
    xgt = xg_ref[...]
    sin_ref[...] = jnp.concatenate(
        [jnp.reshape(vals_l[l] * xgt, (1, r, _D)) for l in range(_KE)], axis=0)


def _run_k2(out, xx, xxT, xg):
    n = _B // _RT2
    return pl.pallas_call(
        _k2_body,
        grid=(n,),
        in_specs=[
            pl.BlockSpec((_RT2, _TH), lambda i: (i, 0)),
            pl.BlockSpec((_B, _TH), lambda i: (0, 0)),
            pl.BlockSpec((_RT2, 1), lambda i: (i, 0)),
            pl.BlockSpec((1, _B), lambda i: (0, 0)),
            pl.BlockSpec((_RT2, _D), lambda i: (i, 0)),
        ],
        out_specs=[
            pl.BlockSpec((_RT2, _KE), lambda i: (i, 0)),
            pl.BlockSpec((_KE, _RT2), lambda i: (0, i)),
            pl.BlockSpec((_KE, _RT2, _D), lambda i: (0, i, 0)),
        ],
        out_shape=[
            jax.ShapeDtypeStruct((_B, _KE), jnp.float32),
            jax.ShapeDtypeStruct((_KE, _B), jnp.int32),
            jax.ShapeDtypeStruct((_KE, _B, _D), jnp.float32),
        ],
    )(out, out, xx, xxT, xg)



def _sc_edges(xg, idxT, sinT, zeros):
    mesh = plsc.VectorSubcoreMesh(core_axis_name="c", subcore_axis_name="s")
    stripe = _B // 16

    @functools.partial(
        pl.kernel, mesh=mesh,
        compiler_params=pltpu.CompilerParams(use_tc_tiling_on_sc=False),
        out_type=[
            jax.ShapeDtypeStruct((_KE, _B, _D), jnp.float32),
            jax.ShapeDtypeStruct((2, _B, _D), jnp.float32),
        ],
        scratch_types=[
            pltpu.VMEM((_KE, _CH), jnp.int32),
            pltpu.VMEM((_KE, _CH, _D), jnp.float32),
            pltpu.VMEM((_KE, _CH, _D), jnp.float32),
            pltpu.VMEM_SHARED((_B, _D), jnp.float32),
            pltpu.SemaphoreType.DMA,
            pltpu.SemaphoreType.DMA,
            pltpu.SemaphoreType.DMA,
        ],
    )
    def k(xh, idxh, sinh, zh, gh, ph, idx_v, sin_v, rows_v, psp,
          sem_g, sem_s, sem_o):
        c = lax.axis_index("c")
        s = lax.axis_index("s")
        wid = c * 16 + s
        base = wid * _CH
        zcp = pltpu.async_copy(zh.at[pl.ds(s * stripe, stripe)],
                               psp.at[pl.ds(s * stripe, stripe)], sem_o)
        scp = pltpu.async_copy(sinh.at[:, pl.ds(base, _CH)], sin_v, sem_s)
        pltpu.sync_copy(idxh.at[:, pl.ds(base, _CH)], idx_v)
        gathers = [pltpu.async_copy(xh.at[idx_v.at[l]], rows_v.at[l], sem_g)
                   for l in range(_KE)]
        zcp.wait()
        scp.wait()
        plsc.subcore_barrier()
        outs = []
        for l in range(_KE):
            gathers[l].wait()
            outs.append(pltpu.async_copy(rows_v.at[l],
                                         gh.at[l, pl.ds(base, _CH)], sem_o))
            pltpu.sync_copy(sin_v.at[l], psp.at[idx_v.at[l]], add=True)
        for o in outs:
            o.wait()
        plsc.subcore_barrier()
        pltpu.sync_copy(psp.at[pl.ds(s * stripe, stripe)],
                        ph.at[c, pl.ds(s * stripe, stripe)])

    return k(xg, idxT, sinT, zeros)



def _k3_body(g3_ref, w_ref, p0_ref, p1_ref, fb_ref, last_ref, bg_ref,
             wog_ref, wof_ref, wol_ref, bo_ref, wlo_ref, blo_ref,
             outf_ref, ly_ref):
    agg = p0_ref[...] + p1_ref[...]
    for l in range(_KE):
        agg = agg + w_ref[:, l:l + 1] * g3_ref[l]
    gnn = jnp.maximum(agg + bg_ref[...], 0.0)
    logits = (_dot(gnn, wog_ref[...]) + _dot(fb_ref[...], wof_ref[...])
              + _dot(last_ref[...], wol_ref[...]) + bo_ref[...])
    outf_ref[...] = jax.nn.sigmoid(logits)
    ly_ref[...] = jax.nn.sigmoid(_dot(last_ref[...], wlo_ref[...]) + blo_ref[...])


def _run_k3(g3, w, p0, p1, fb, last, bg, wog, wof, wol, bo, wlo, blo):
    n = _B // _RT3
    return pl.pallas_call(
        _k3_body,
        grid=(n,),
        in_specs=[
            pl.BlockSpec((_KE, _RT3, _D), lambda i: (0, i, 0)),
            pl.BlockSpec((_RT3, _KE), lambda i: (i, 0)),
            pl.BlockSpec((_RT3, _D), lambda i: (i, 0)),
            pl.BlockSpec((_RT3, _D), lambda i: (i, 0)),
            pl.BlockSpec((_RT3, 32), lambda i: (i, 0)),
            pl.BlockSpec((_RT3, _H), lambda i: (i, 0)),
            pl.BlockSpec((1, _D), lambda i: (0, 0)),
            pl.BlockSpec((_D, 1), lambda i: (0, 0)),
            pl.BlockSpec((32, 1), lambda i: (0, 0)),
            pl.BlockSpec((_H, 1), lambda i: (0, 0)),
            pl.BlockSpec((1, 1), lambda i: (0, 0)),
            pl.BlockSpec((_H, 1), lambda i: (0, 0)),
            pl.BlockSpec((1, 1), lambda i: (0, 0)),
        ],
        out_specs=[
            pl.BlockSpec((_RT3, 1), lambda i: (i, 0)),
            pl.BlockSpec((_RT3, 1), lambda i: (i, 0)),
        ],
        out_shape=[
            jax.ShapeDtypeStruct((_B, 1), jnp.float32),
            jax.ShapeDtypeStruct((_B, 1), jnp.float32),
        ],
    )(g3, w, p0, p1, fb, last, bg, wog, wof, wol, bo, wlo, blo)



def kernel(x, flat, W_ih, W_hh, b_lstm, W_gnn, b_gnn, W_flat, b_flat,
           W_out, b_out, W_lo, b_lo):
    wihT = W_ih.T
    whhT = W_hh.T
    bl = b_lstm.reshape(1, 4 * _H)
    bf = b_flat.reshape(1, 32)
    bg = b_gnn.reshape(1, _D)
    bo = b_out.reshape(1, 1)
    blo = b_lo.reshape(1, 1)

    out, last, xg, fb, xx = _run_k1(x, flat, wihT, whhT, bl, W_gnn, W_flat, bf)
    xxT = xx.reshape(1, _B)
    w, idxT, sinT = _run_k2(out, xx, xxT, xg)

    zeros = jnp.zeros((_B, _D), jnp.float32)
    g3, P = _sc_edges(xg, idxT, sinT, zeros)

    out_final, lstm_y = _run_k3(g3, w, P[0], P[1], fb, last, bg,
                                W_out[0:_D], W_out[_D:_D + 32],
                                W_out[_D + 32:_D + 32 + _H], bo, W_lo, blo)
    return (out_final, lstm_y)

# --- scband reference (transcript-rebuilt; emitter-appended) ---
"""Pipeline reference for scband-dynamic-lstm-gnn-30073361007040 (READ-ONLY COPY).

The authoritative reference and input builder live on the scoring server;
editing this copy changes nothing except your own understanding.
"""

import jax, jax.numpy as jnp
import numpy as np

T, B, F, H, K = 24, 4096, 64, 16, 5
FLAT, FLAT_DIM, GNN_OUT, NUM_CLS = 32, 32, 64, 1


def setup_inputs(seed: int = 0) -> dict:
    key = jax.random.key(seed)
    ks = jax.random.split(key, 12)
    s = 0.05
    return {
        "x": jax.random.normal(ks[0], (T, B, F), dtype=jnp.float32),
        "flat": jax.random.normal(ks[1], (B, FLAT), dtype=jnp.float32),
        "W_ih": jax.random.normal(ks[2], (4 * H, F), dtype=jnp.float32) * s,
        "W_hh": jax.random.normal(ks[3], (4 * H, H), dtype=jnp.float32) * s,
        "b_lstm": jnp.zeros((4 * H,), dtype=jnp.float32),
        "W_gnn": jax.random.normal(ks[4], (T * H, GNN_OUT), dtype=jnp.float32) * s,
        "b_gnn": jnp.zeros((GNN_OUT,), dtype=jnp.float32),
        "W_flat": jax.random.normal(ks[5], (FLAT, FLAT_DIM), dtype=jnp.float32) * s,
        "b_flat": jnp.zeros((FLAT_DIM,), dtype=jnp.float32),
        "W_out": jax.random.normal(ks[6], (GNN_OUT + FLAT_DIM + H, NUM_CLS), dtype=jnp.float32) * s,
        "b_out": jnp.zeros((NUM_CLS,), dtype=jnp.float32),
        "W_lo": jax.random.normal(ks[7], (H, NUM_CLS), dtype=jnp.float32) * s,
        "b_lo": jnp.zeros((NUM_CLS,), dtype=jnp.float32),
    }


def _lstm(x, W_ih, W_hh, b):
    Bn = x.shape[1]
    Hh = W_hh.shape[1]

    def step(carry, xt):
        h, c = carry
        g = xt @ W_ih.T + h @ W_hh.T + b
        i, f, gg, o = jnp.split(g, 4, axis=1)
        i = jax.nn.sigmoid(i)
        f = jax.nn.sigmoid(f)
        gg = jnp.tanh(gg)
        o = jax.nn.sigmoid(o)
        c = f * c + i * gg
        h = o * jnp.tanh(c)
        return (h, c), h

    h0 = jnp.zeros((Bn, Hh), dtype=x.dtype)
    c0 = jnp.zeros((Bn, Hh), dtype=x.dtype)
    _, hs = jax.lax.scan(step, (h0, c0), x)
    return hs  # [T, B, H]


def _knn_to_graph(out, k):
    # pairwise_distance = -||xi - xj||^2
    inner = -2.0 * (out @ out.T)
    xx = jnp.sum(out ** 2, axis=1, keepdims=True)
    pd = -xx - inner - xx.T
    vals, idx = jax.lax.top_k(pd, k)  # [B, k]
    Bn = out.shape[0]
    idx_prime = jnp.repeat(jnp.arange(Bn), k)
    # torch.sparse to_dense sums duplicate indices -> scatter-add
    edges = jnp.zeros((Bn, Bn), dtype=out.dtype).at[idx_prime, idx.reshape(-1)].add(vals.reshape(-1))
    edges_int = (edges > 0).astype(out.dtype)
    reflected_int = edges_int + edges_int.T
    reflected_edges = edges + edges.T
    reflected_int = jnp.where(reflected_int == 0, jnp.asarray(1.0, out.dtype), reflected_int)
    adj = reflected_edges / reflected_int
    adj = adj * (1.0 - jnp.eye(Bn, dtype=out.dtype))  # fill_diagonal_(0)
    return adj


def reference(x, flat, W_ih, W_hh, b_lstm, W_gnn, b_gnn, W_flat, b_flat, W_out, b_out, W_lo, b_lo):
    hs = _lstm(x, W_ih, W_hh, b_lstm)            # [T, B, H]
    out = jnp.transpose(hs, (1, 0, 2))           # [B, T, H]
    last = out[:, -1, :]                         # [B, H]
    out = out.reshape(out.shape[0], -1)          # [B, T*H]
    adj = _knn_to_graph(out, K)                  # dense weighted adjacency [B, B]
    # GNN encoder: edge-weighted neighbor aggregation + linear + relu
    gnn_out = jax.nn.relu(adj @ (out @ W_gnn) + b_gnn)
    flat_bsz = flat @ W_flat + b_flat
    cat = jnp.concatenate([gnn_out, flat_bsz, last], axis=1)
    logits = cat @ W_out + b_out                 # dropout is identity at inference
    out_final = jax.nn.sigmoid(logits)
    lstm_y = jax.nn.sigmoid(last @ W_lo + b_lo)
    return (out_final, lstm_y)

if __name__ == "__main__":
    import jax
    _d = setup_inputs()
    print(jax.jit(kernel)(*tuple(_d.values())))

</pallas_src>

<mosaic_0001>
#map = affine_map<(d0, d1) -> (0, 0)>
#map1 = affine_map<(d0, d1) -> (0, 0, 0)>
module attributes {stable_mosaic.version = 14 : i64} {
  func.func @k(%arg0: i32, %arg1: i32, %arg2: memref<4096x64xf32, #tpu.memory_space<hbm>>, %arg3: memref<4x4096xi32, #tpu.memory_space<hbm>>, %arg4: memref<4x4096x64xf32, #tpu.memory_space<hbm>>, %arg5: memref<4096x64xf32, #tpu.memory_space<hbm>>, %arg6: memref<4x4096x64xf32, #tpu.memory_space<hbm>>, %arg7: memref<2x4096x64xf32, #tpu.memory_space<hbm>>, %arg8: memref<4x128xi32, #tpu.memory_space<vmem>>, %arg9: memref<4x128x64xf32, #tpu.memory_space<vmem>>, %arg10: memref<4x128x64xf32, #tpu.memory_space<vmem>>, %arg11: memref<4096x64xf32, #tpu.memory_space<vmem_shared>>, %arg12: memref<!tpu.dma_semaphore, #tpu.memory_space<semaphore_mem>>, %arg13: memref<!tpu.dma_semaphore, #tpu.memory_space<semaphore_mem>>, %arg14: memref<!tpu.dma_semaphore, #tpu.memory_space<semaphore_mem>>) attributes {dimension_semantics = [#tpu.dimension_semantics<core_parallel>, #tpu.dimension_semantics<subcore_parallel>], iteration_bounds = array<i64: 2, 16>, scalar_prefetch = 0 : i64, scratch_operands = 7 : i64, tpu.core_type = #tpu.core_type<sc_vector_subcore>, window_params = [{transform_indices = #map}, {transform_indices = #map}, {transform_indices = #map1}, {transform_indices = #map}, {transform_indices = #map1}, {transform_indices = #map1}]} {
    %mul3A = arith.constant 16 : i32
    %mul3A_0 = arith.muli %arg0, %mul3A : i32
    %add3A = arith.addi %mul3A_0, %arg1 : i32
    %mul3A_1 = arith.constant 128 : i32
    %mul3A_2 = arith.muli %add3A, %mul3A_1 : i32
    %mul3A_3 = arith.constant 256 : i32
    %mul3A_4 = arith.muli %arg1, %mul3A_3 : i32
    %mul3A_5 = arith.constant 256 : i32
    %mul3A_6 = arith.muli %arg1, %mul3A_5 : i32
    %dma_start3A = arith.constant 0 : i32
    %dma_start3A_7 = tpu.memref_slice %arg11[%mul3A_6, %dma_start3A] : memref<4096x64xf32, #tpu.memory_space<vmem_shared>> -> memref<256x64xf32, #tpu.memory_space<vmem_shared>>
    %dma_start3A_8 = arith.constant 0 : i32
    %dma_start3A_9 = tpu.memref_slice %arg5[%mul3A_4, %dma_start3A_8] : memref<4096x64xf32, #tpu.memory_space<hbm>> -> memref<256x64xf32, #tpu.memory_space<hbm>>
    tpu.enqueue_dma source(%dma_start3A_9 : memref<256x64xf32, #tpu.memory_space<hbm>>) target(%dma_start3A_7 : memref<256x64xf32, #tpu.memory_space<vmem_shared>>) target_semaphore(%arg14 : memref<!tpu.dma_semaphore, #tpu.memory_space<semaphore_mem>>)
    %dma_start3A_10 = arith.constant 0 : i32
    %dma_start3A_11 = arith.constant 0 : i32
    %dma_start3A_12 = tpu.memref_slice %arg4[%dma_start3A_10, %mul3A_2, %dma_start3A_11] : memref<4x4096x64xf32, #tpu.memory_space<hbm>> -> memref<4x128x64xf32, #tpu.memory_space<hbm>>
    %dma_start3A_13 = arith.constant 0 : i32
    %dma_start3A_14 = arith.constant 0 : i32
    %dma_start3A_15 = tpu.memref_slice %arg4[%dma_start3A_13, %mul3A_2, %dma_start3A_14] : memref<4x4096x64xf32, #tpu.memory_space<hbm>> -> memref<4x128x64xf32, #tpu.memory_space<hbm>>
    tpu.enqueue_dma source(%dma_start3A_15 : memref<4x128x64xf32, #tpu.memory_space<hbm>>) target(%arg9 : memref<4x128x64xf32, #tpu.memory_space<vmem>>) target_semaphore(%arg13 : memref<!tpu.dma_semaphore, #tpu.memory_space<semaphore_mem>>)
    "tpu.region"() ({
      %run_scoped3A_261 = tpu.sem_alloc : memref<!tpu.dma_semaphore, #tpu.memory_space<semaphore_mem>>
      %dma_start3A_262 = arith.constant 0 : i32
      %dma_start3A_263 = tpu.memref_slice %arg3[%dma_start3A_262, %mul3A_2] : memref<4x4096xi32, #tpu.memory_space<hbm>> -> memref<4x128xi32, #tpu.memory_space<hbm>>
      %dma_start3A_264 = arith.constant 0 : i32
      %dma_start3A_265 = tpu.memref_slice %arg3[%dma_start3A_264, %mul3A_2] : memref<4x4096xi32, #tpu.memory_space<hbm>> -> memref<4x128xi32, #tpu.memory_space<hbm>>
      tpu.enqueue_dma source(%dma_start3A_265 : memref<4x128xi32, #tpu.memory_space<hbm>>) target(%arg8 : memref<4x128xi32, #tpu.memory_space<vmem>>) target_semaphore(%run_scoped3A_261 : memref<!tpu.dma_semaphore, #tpu.memory_space<semaphore_mem>>)
      %dma_wait3A_266 = arith.constant 0 : i32
      %dma_wait3A_267 = tpu.memref_slice %arg3[%dma_wait3A_266, %mul3A_2] : memref<4x4096xi32, #tpu.memory_space<hbm>> -> memref<4x128xi32, #tpu.memory_space<hbm>>
      %dma_wait3A_268 = arith.constant 0 : i32
      %dma_wait3A_269 = tpu.memref_slice %arg3[%dma_wait3A_268, %mul3A_2] : memref<4x4096xi32, #tpu.memory_space<hbm>> -> memref<4x128xi32, #tpu.memory_space<hbm>>
      tpu.wait_dma2 semaphore(%run_scoped3A_261 : memref<!tpu.dma_semaphore, #tpu.memory_space<semaphore_mem>>) src(%dma_wait3A_269 : memref<4x128xi32, #tpu.memory_space<hbm>>) dst(%arg8 : memref<4x128xi32, #tpu.memory_space<vmem>>)
      tpu.yield
    }) : () -> ()
    %dma_start3A_16 = arith.constant 0 : i32
    %dma_start3A_17 = arith.constant 0 : i32
    %dma_start3A_18 = arith.constant 0 : i32
    %dma_start3A_19 = arith.constant 0 : i32
    %dma_start3A_20 = tpu.memref_slice %arg10[%dma_start3A_17, %dma_start3A_18, %dma_start3A_19] : memref<4x128x64xf32, #tpu.memory_space<vmem>> -> memref<1x128x64xf32, #tpu.memory_space<vmem>>
    %dma_start3A_21 = tpu.memref_squeeze %dma_start3A_20 : memref<1x128x64xf32, #tpu.memory_space<vmem>> -> memref<128x64xf32, #tpu.memory_space<vmem>>
    %dma_start3A_22 = arith.constant 0 : i32
    %dma_start3A_23 = tpu.memref_slice %arg8[%dma_start3A_16, %dma_start3A_22] : memref<4x128xi32, #tpu.memory_space<vmem>> -> memref<1x128xi32, #tpu.memory_space<vmem>>
    %dma_start3A_24 = tpu.memref_squeeze %dma_start3A_23 : memref<1x128xi32, #tpu.memory_space<vmem>> -> memref<128xi32, #tpu.memory_space<vmem>>
    %dma_start3A_25 = arith.constant 0 : i32
    %dma_start3A_26 = arith.constant 0 : i32
    %dma_start3A_27 = tpu.memref_slice %arg2[%dma_start3A_25, %dma_start3A_26] : memref<4096x64xf32, #tpu.memory_space<hbm>> -> memref<4096x64xf32, #tpu.memory_space<hbm>>
    tpu.enqueue_indirect_dma source(%dma_start3A_27 : memref<4096x64xf32, #tpu.memory_space<hbm>>) target(%dma_start3A_21 : memref<128x64xf32, #tpu.memory_space<vmem>>) offsets(%dma_start3A_24 : memref<128xi32, #tpu.memory_space<vmem>>) semaphore(%arg12 : memref<!tpu.dma_semaphore, #tpu.memory_space<semaphore_mem>>)
    %dma_start3A_28 = arith.constant 1 : i32
    %dma_start3A_29 = arith.constant 1 : i32
    %dma_start3A_30 = arith.constant 0 : i32
    %dma_start3A_31 = arith.constant 0 : i32
    %dma_start3A_32 = tpu.memref_slice %arg10[%dma_start3A_29, %dma_start3A_30, %dma_start3A_31] : memref<4x128x64xf32, #tpu.memory_space<vmem>> -> memref<1x128x64xf32, #tpu.memory_space<vmem>>
    %dma_start3A_33 = tpu.memref_squeeze %dma_start3A_32 : memref<1x128x64xf32, #tpu.memory_space<vmem>> -> memref<128x64xf32, #tpu.memory_space<vmem>>
    %dma_start3A_34 = arith.constant 0 : i32
    %dma_start3A_35 = tpu.memref_slice %arg8[%dma_start3A_28, %dma_start3A_34] : memref<4x128xi32, #tpu.memory_space<vmem>> -> memref<1x128xi32, #tpu.memory_space<vmem>>
    %dma_start3A_36 = tpu.memref_squeeze %dma_start3A_35 : memref<1x128xi32, #tpu.memory_space<vmem>> -> memref<128xi32, #tpu.memory_space<vmem>>
    %dma_start3A_37 = arith.constant 0 : i32
    %dma_start3A_38 = arith.constant 0 : i32
    %dma_start3A_39 = tpu.memref_slice %arg2[%dma_start3A_37, %dma_start3A_38] : memref<4096x64xf32, #tpu.memory_space<hbm>> -> memref<4096x64xf32, #tpu.memory_space<hbm>>
    tpu.enqueue_indirect_dma source(%dma_start3A_39 : memref<4096x64xf32, #tpu.memory_space<hbm>>) target(%dma_start3A_33 : memref<128x64xf32, #tpu.memory_space<vmem>>) offsets(%dma_start3A_36 : memref<128xi32, #tpu.memory_space<vmem>>) semaphore(%arg12 : memref<!tpu.dma_semaphore, #tpu.memory_space<semaphore_mem>>)
    %dma_start3A_40 = arith.constant 2 : i32
    %dma_start3A_41 = arith.constant 2 : i32
    %dma_start3A_42 = arith.constant 0 : i32
    %dma_start3A_43 = arith.constant 0 : i32
    %dma_start3A_44 = tpu.memref_slice %arg10[%dma_start3A_41, %dma_start3A_42, %dma_start3A_43] : memref<4x128x64xf32, #tpu.memory_space<vmem>> -> memref<1x128x64xf32, #tpu.memory_space<vmem>>
    %dma_start3A_45 = tpu.memref_squeeze %dma_start3A_44 : memref<1x128x64xf32, #tpu.memory_space<vmem>> -> memref<128x64xf32, #tpu.memory_space<vmem>>
    %dma_start3A_46 = arith.constant 0 : i32
    %dma_start3A_47 = tpu.memref_slice %arg8[%dma_start3A_40, %dma_start3A_46] : memref<4x128xi32, #tpu.memory_space<vmem>> -> memref<1x128xi32, #tpu.memory_space<vmem>>
    %dma_start3A_48 = tpu.memref_squeeze %dma_start3A_47 : memref<1x128xi32, #tpu.memory_space<vmem>> -> memref<128xi32, #tpu.memory_space<vmem>>
    %dma_start3A_49 = arith.constant 0 : i32
    %dma_start3A_50 = arith.constant 0 : i32
    %dma_start3A_51 = tpu.memref_slice %arg2[%dma_start3A_49, %dma_start3A_50] : memref<4096x64xf32, #tpu.memory_space<hbm>> -> memref<4096x64xf32, #tpu.memory_space<hbm>>
    tpu.enqueue_indirect_dma source(%dma_start3A_51 : memref<4096x64xf32, #tpu.memory_space<hbm>>) target(%dma_start3A_45 : memref<128x64xf32, #tpu.memory_space<vmem>>) offsets(%dma_start3A_48 : memref<128xi32, #tpu.memory_space<vmem>>) semaphore(%arg12 : memref<!tpu.dma_semaphore, #tpu.memory_space<semaphore_mem>>)
    %dma_start3A_52 = arith.constant 3 : i32
    %dma_start3A_53 = arith.constant 3 : i32
    %dma_start3A_54 = arith.constant 0 : i32
    %dma_start3A_55 = arith.constant 0 : i32
    %dma_start3A_56 = tpu.memref_slice %arg10[%dma_start3A_53, %dma_start3A_54, %dma_start3A_55] : memref<4x128x64xf32, #tpu.memory_space<vmem>> -> memref<1x128x64xf32, #tpu.memory_space<vmem>>
    %dma_start3A_57 = tpu.memref_squeeze %dma_start3A_56 : memref<1x128x64xf32, #tpu.memory_space<vmem>> -> memref<128x64xf32, #tpu.memory_space<vmem>>
    %dma_start3A_58 = arith.constant 0 : i32
    %dma_start3A_59 = tpu.memref_slice %arg8[%dma_start3A_52, %dma_start3A_58] : memref<4x128xi32, #tpu.memory_space<vmem>> -> memref<1x128xi32, #tpu.memory_space<vmem>>
    %dma_start3A_60 = tpu.memref_squeeze %dma_start3A_59 : memref<1x128xi32, #tpu.memory_space<vmem>> -> memref<128xi32, #tpu.memory_space<vmem>>
    %dma_start3A_61 = arith.constant 0 : i32
    %dma_start3A_62 = arith.constant 0 : i32
    %dma_start3A_63 = tpu.memref_slice %arg2[%dma_start3A_61, %dma_start3A_62] : memref<4096x64xf32, #tpu.memory_space<hbm>> -> memref<4096x64xf32, #tpu.memory_space<hbm>>
    tpu.enqueue_indirect_dma source(%dma_start3A_63 : memref<4096x64xf32, #tpu.memory_space<hbm>>) target(%dma_start3A_57 : memref<128x64xf32, #tpu.memory_space<vmem>>) offsets(%dma_start3A_60 : memref<128xi32, #tpu.memory_space<vmem>>) semaphore(%arg12 : memref<!tpu.dma_semaphore, #tpu.memory_space<semaphore_mem>>)
    %dma_wait3A = arith.constant 0 : i32
    %dma_wait3A_64 = tpu.memref_slice %arg11[%mul3A_6, %dma_wait3A] : memref<4096x64xf32, #tpu.memory_space<vmem_shared>> -> memref<256x64xf32, #tpu.memory_space<vmem_shared>>
    %dma_wait3A_65 = arith.constant 0 : i32
    %dma_wait3A_66 = tpu.memref_slice %arg5[%mul3A_4, %dma_wait3A_65] : memref<4096x64xf32, #tpu.memory_space<hbm>> -> memref<256x64xf32, #tpu.memory_space<hbm>>
    tpu.wait_dma2 semaphore(%arg14 : memref<!tpu.dma_semaphore, #tpu.memory_space<semaphore_mem>>) src(%dma_wait3A_66 : memref<256x64xf32, #tpu.memory_space<hbm>>) dst(%dma_wait3A_64 : memref<256x64xf32, #tpu.memory_space<vmem_shared>>)
    %dma_wait3A_67 = arith.constant 0 : i32
    %dma_wait3A_68 = arith.constant 0 : i32
    %dma_wait3A_69 = tpu.memref_slice %arg4[%dma_wait3A_67, %mul3A_2, %dma_wait3A_68] : memref<4x4096x64xf32, #tpu.memory_space<hbm>> -> memref<4x128x64xf32, #tpu.memory_space<hbm>>
    %dma_wait3A_70 = arith.constant 0 : i32
    %dma_wait3A_71 = arith.constant 0 : i32
    %dma_wait3A_72 = tpu.memref_slice %arg4[%dma_wait3A_70, %mul3A_2, %dma_wait3A_71] : memref<4x4096x64xf32, #tpu.memory_space<hbm>> -> memref<4x128x64xf32, #tpu.memory_space<hbm>>
    tpu.wait_dma2 semaphore(%arg13 : memref<!tpu.dma_semaphore, #tpu.memory_space<semaphore_mem>>) src(%dma_wait3A_72 : memref<4x128x64xf32, #tpu.memory_space<hbm>>) dst(%arg9 : memref<4x128x64xf32, #tpu.memory_space<vmem>>)
    %barrier3A = arith.constant 0 : index
    tpu.barrier barrier_id(%barrier3A)
    %dma_wait3A_73 = arith.constant 0 : i32
    %dma_wait3A_74 = arith.constant 0 : i32
    %dma_wait3A_75 = arith.constant 0 : i32
    %dma_wait3A_76 = arith.constant 0 : i32
    %dma_wait3A_77 = tpu.memref_slice %arg10[%dma_wait3A_74, %dma_wait3A_75, %dma_wait3A_76] : memref<4x128x64xf32, #tpu.memory_space<vmem>> -> memref<1x128x64xf32, #tpu.memory_space<vmem>>
    %dma_wait3A_78 = tpu.memref_squeeze %dma_wait3A_77 : memref<1x128x64xf32, #tpu.memory_space<vmem>> -> memref<128x64xf32, #tpu.memory_space<vmem>>
    %dma_wait3A_79 = arith.constant 0 : i32
    %dma_wait3A_80 = tpu.memref_slice %arg8[%dma_wait3A_73, %dma_wait3A_79] : memref<4x128xi32, #tpu.memory_space<vmem>> -> memref<1x128xi32, #tpu.memory_space<vmem>>
    %dma_wait3A_81 = tpu.memref_squeeze %dma_wait3A_80 : memref<1x128xi32, #tpu.memory_space<vmem>> -> memref<128xi32, #tpu.memory_space<vmem>>
    %dma_wait3A_82 = arith.constant 0 : i32
    %dma_wait3A_83 = arith.constant 0 : i32
    %dma_wait3A_84 = tpu.memref_slice %arg2[%dma_wait3A_82, %dma_wait3A_83] : memref<4096x64xf32, #tpu.memory_space<hbm>> -> memref<4096x64xf32, #tpu.memory_space<hbm>>
    tpu.wait_indirect_dma semaphore(%arg12 : memref<!tpu.dma_semaphore, #tpu.memory_space<semaphore_mem>>) src(%dma_wait3A_84 : memref<4096x64xf32, #tpu.memory_space<hbm>>) dst(%dma_wait3A_78 : memref<128x64xf32, #tpu.memory_space<vmem>>)
    %dma_start3A_85 = arith.constant 0 : i32
    %dma_start3A_86 = arith.constant 0 : i32
    %dma_start3A_87 = arith.constant 0 : i32
    %dma_start3A_88 = arith.constant 0 : i32
    %dma_start3A_89 = tpu.memref_slice %arg10[%dma_start3A_85, %dma_start3A_87, %dma_start3A_88] : memref<4x128x64xf32, #tpu.memory_space<vmem>> -> memref<1x128x64xf32, #tpu.memory_space<vmem>>
    %dma_start3A_90 = tpu.memref_squeeze %dma_start3A_89 : memref<1x128x64xf32, #tpu.memory_space<vmem>> -> memref<128x64xf32, #tpu.memory_space<vmem>>
    %dma_start3A_91 = arith.constant 0 : i32
    %dma_start3A_92 = tpu.memref_slice %arg6[%dma_start3A_86, %mul3A_2, %dma_start3A_91] : memref<4x4096x64xf32, #tpu.memory_space<hbm>> -> memref<1x128x64xf32, #tpu.memory_space<hbm>>
    %dma_start3A_93 = tpu.memref_squeeze %dma_start3A_92 : memref<1x128x64xf32, #tpu.memory_space<hbm>> -> memref<128x64xf32, #tpu.memory_space<hbm>>
    %dma_start3A_94 = arith.constant 0 : i32
    %dma_start3A_95 = tpu.memref_slice %arg6[%dma_start3A_86, %mul3A_2, %dma_start3A_94] : memref<4x4096x64xf32, #tpu.memory_space<hbm>> -> memref<1x128x64xf32, #tpu.memory_space<hbm>>
    %dma_start3A_96 = tpu.memref_squeeze %dma_start3A_95 : memref<1x128x64xf32, #tpu.memory_space<hbm>> -> memref<128x64xf32, #tpu.memory_space<hbm>>
    %dma_start3A_97 = arith.constant 0 : i32
    %dma_start3A_98 = arith.constant 0 : i32
    %dma_start3A_99 = tpu.memref_slice %arg10[%dma_start3A_85, %dma_start3A_97, %dma_start3A_98] : memref<4x128x64xf32, #tpu.memory_space<vmem>> -> memref<1x128x64xf32, #tpu.memory_space<vmem>>
    %dma_start3A_100 = tpu.memref_squeeze %dma_start3A_99 : memref<1x128x64xf32, #tpu.memory_space<vmem>> -> memref<128x64xf32, #tpu.memory_space<vmem>>
    tpu.enqueue_dma source(%dma_start3A_100 : memref<128x64xf32, #tpu.memory_space<vmem>>) target(%dma_start3A_96 : memref<128x64xf32, #tpu.memory_space<hbm>>) target_semaphore(%arg14 : memref<!tpu.dma_semaphore, #tpu.memory_space<semaphore_mem>>)
    %run_scoped3A = arith.constant 0 : i32
    %run_scoped3A_101 = arith.constant 0 : i32
    "tpu.region"() ({
      %run_scoped3A_261 = tpu.sem_alloc : memref<!tpu.dma_semaphore, #tpu.memory_space<semaphore_mem>>
      %dma_start3A_262 = arith.constant 0 : i32
      %dma_start3A_263 = arith.constant 0 : i32
      %dma_start3A_264 = tpu.memref_slice %arg9[%run_scoped3A, %dma_start3A_262, %dma_start3A_263] : memref<4x128x64xf32, #tpu.memory_space<vmem>> -> memref<1x128x64xf32, #tpu.memory_space<vmem>>
      %dma_start3A_265 = tpu.memref_squeeze %dma_start3A_264 : memref<1x128x64xf32, #tpu.memory_space<vmem>> -> memref<128x64xf32, #tpu.memory_space<vmem>>
      %dma_start3A_266 = arith.constant 0 : i32
      %dma_start3A_267 = tpu.memref_slice %arg8[%run_scoped3A_101, %dma_start3A_266] : memref<4x128xi32, #tpu.memory_space<vmem>> -> memref<1x128xi32, #tpu.memory_space<vmem>>
      %dma_start3A_268 = tpu.memref_squeeze %dma_start3A_267 : memref<1x128xi32, #tpu.memory_space<vmem>> -> memref<128xi32, #tpu.memory_space<vmem>>
      %dma_start3A_269 = arith.constant 0 : i32
      %dma_start3A_270 = arith.constant 0 : i32
      %dma_start3A_271 = tpu.memref_slice %arg11[%dma_start3A_269, %dma_start3A_270] : memref<4096x64xf32, #tpu.memory_space<vmem_shared>> -> memref<4096x64xf32, #tpu.memory_space<vmem_shared>>
      tpu.enqueue_indirect_dma source(%dma_start3A_265 : memref<128x64xf32, #tpu.memory_space<vmem>>) target(%dma_start3A_271 : memref<4096x64xf32, #tpu.memory_space<vmem_shared>>) offsets(%dma_start3A_268 : memref<128xi32, #tpu.memory_space<vmem>>) semaphore(%run_scoped3A_261 : memref<!tpu.dma_semaphore, #tpu.memory_space<semaphore_mem>>) {add = true}
      %dma_wait3A_272 = arith.constant 0 : i32
      %dma_wait3A_273 = arith.constant 0 : i32
      %dma_wait3A_274 = tpu.memref_slice %arg9[%run_scoped3A, %dma_wait3A_272, %dma_wait3A_273] : memref<4x128x64xf32, #tpu.memory_space<vmem>> -> memref<1x128x64xf32, #tpu.memory_space<vmem>>
      %dma_wait3A_275 = tpu.memref_squeeze %dma_wait3A_274 : memref<1x128x64xf32, #tpu.memory_space<vmem>> -> memref<128x64xf32, #tpu.memory_space<vmem>>
      %dma_wait3A_276 = arith.constant 0 : i32
      %dma_wait3A_277 = tpu.memref_slice %arg8[%run_scoped3A_101, %dma_wait3A_276] : memref<4x128xi32, #tpu.memory_space<vmem>> -> memref<1x128xi32, #tpu.memory_space<vmem>>
      %dma_wait3A_278 = tpu.memref_squeeze %dma_wait3A_277 : memref<1x128xi32, #tpu.memory_space<vmem>> -> memref<128xi32, #tpu.memory_space<vmem>>
      %dma_wait3A_279 = arith.constant 0 : i32
      %dma_wait3A_280 = arith.constant 0 : i32
      %dma_wait3A_281 = tpu.memref_slice %arg11[%dma_wait3A_279, %dma_wait3A_280] : memref<4096x64xf32, #tpu.memory_space<vmem_shared>> -> memref<4096x64xf32, #tpu.memory_space<vmem_shared>>
      tpu.wait_indirect_dma semaphore(%run_scoped3A_261 : memref<!tpu.dma_semaphore, #tpu.memory_space<semaphore_mem>>) src(%dma_wait3A_275 : memref<128x64xf32, #tpu.memory_space<vmem>>) dst(%dma_wait3A_281 : memref<4096x64xf32, #tpu.memory_space<vmem_shared>>)
      tpu.yield
    }) : () -> ()
    %dma_wait3A_102 = arith.constant 1 : i32
    %dma_wait3A_103 = arith.constant 1 : i32
    %dma_wait3A_104 = arith.constant 0 : i32
    %dma_wait3A_105 = arith.constant 0 : i32
    %dma_wait3A_106 = tpu.memref_slice %arg10[%dma_wait3A_103, %dma_wait3A_104, %dma_wait3A_105] : memref<4x128x64xf32, #tpu.memory_space<vmem>> -> memref<1x128x64xf32, #tpu.memory_space<vmem>>
    %dma_wait3A_107 = tpu.memref_squeeze %dma_wait3A_106 : memref<1x128x64xf32, #tpu.memory_space<vmem>> -> memref<128x64xf32, #tpu.memory_space<vmem>>
    %dma_wait3A_108 = arith.constant 0 : i32
    %dma_wait3A_109 = tpu.memref_slice %arg8[%dma_wait3A_102, %dma_wait3A_108] : memref<4x128xi32, #tpu.memory_space<vmem>> -> memref<1x128xi32, #tpu.memory_space<vmem>>
    %dma_wait3A_110 = tpu.memref_squeeze %dma_wait3A_109 : memref<1x128xi32, #tpu.memory_space<vmem>> -> memref<128xi32, #tpu.memory_space<vmem>>
    %dma_wait3A_111 = arith.constant 0 : i32
    %dma_wait3A_112 = arith.constant 0 : i32
    %dma_wait3A_113 = tpu.memref_slice %arg2[%dma_wait3A_111, %dma_wait3A_112] : memref<4096x64xf32, #tpu.memory_space<hbm>> -> memref<4096x64xf32, #tpu.memory_space<hbm>>
    tpu.wait_indirect_dma semaphore(%arg12 : memref<!tpu.dma_semaphore, #tpu.memory_space<semaphore_mem>>) src(%dma_wait3A_113 : memref<4096x64xf32, #tpu.memory_space<hbm>>) dst(%dma_wait3A_107 : memref<128x64xf32, #tpu.memory_space<vmem>>)
    %dma_start3A_114 = arith.constant 1 : i32
    %dma_start3A_115 = arith.constant 1 : i32
    %dma_start3A_116 = arith.constant 0 : i32
    %dma_start3A_117 = arith.constant 0 : i32
    %dma_start3A_118 = tpu.memref_slice %arg10[%dma_start3A_114, %dma_start3A_116, %dma_start3A_117] : memref<4x128x64xf32, #tpu.memory_space<vmem>> -> memref<1x128x64xf32, #tpu.memory_space<vmem>>
    %dma_start3A_119 = tpu.memref_squeeze %dma_start3A_118 : memref<1x128x64xf32, #tpu.memory_space<vmem>> -> memref<128x64xf32, #tpu.memory_space<vmem>>
    %dma_start3A_120 = arith.constant 0 : i32
    %dma_start3A_121 = tpu.memref_slice %arg6[%dma_start3A_115, %mul3A_2, %dma_start3A_120] : memref<4x4096x64xf32, #tpu.memory_space<hbm>> -> memref<1x128x64xf32, #tpu.memory_space<hbm>>
    %dma_start3A_122 = tpu.memref_squeeze %dma_start3A_121 : memref<1x128x64xf32, #tpu.memory_space<hbm>> -> memref<128x64xf32, #tpu.memory_space<hbm>>
    %dma_start3A_123 = arith.constant 0 : i32
    %dma_start3A_124 = tpu.memref_slice %arg6[%dma_start3A_115, %mul3A_2, %dma_start3A_123] : memref<4x4096x64xf32, #tpu.memory_space<hbm>> -> memref<1x128x64xf32, #tpu.memory_space<hbm>>
    %dma_start3A_125 = tpu.memref_squeeze %dma_start3A_124 : memref<1x128x64xf32, #tpu.memory_space<hbm>> -> memref<128x64xf32, #tpu.memory_space<hbm>>
    %dma_start3A_126 = arith.constant 0 : i32
    %dma_start3A_127 = arith.constant 0 : i32
    %dma_start3A_128 = tpu.memref_slice %arg10[%dma_start3A_114, %dma_start3A_126, %dma_start3A_127] : memref<4x128x64xf32, #tpu.memory_space<vmem>> -> memref<1x128x64xf32, #tpu.memory_space<vmem>>
    %dma_start3A_129 = tpu.memref_squeeze %dma_start3A_128 : memref<1x128x64xf32, #tpu.memory_space<vmem>> -> memref<128x64xf32, #tpu.memory_space<vmem>>
    tpu.enqueue_dma source(%dma_start3A_129 : memref<128x64xf32, #tpu.memory_space<vmem>>) target(%dma_start3A_125 : memref<128x64xf32, #tpu.memory_space<hbm>>) target_semaphore(%arg14 : memref<!tpu.dma_semaphore, #tpu.memory_space<semaphore_mem>>)
    %run_scoped3A_130 = arith.constant 1 : i32
    %run_scoped3A_131 = arith.constant 1 : i32
    "tpu.region"() ({
      %run_scoped3A_261 = tpu.sem_alloc : memref<!tpu.dma_semaphore, #tpu.memory_space<semaphore_mem>>
      %dma_start3A_262 = arith.constant 0 : i32
      %dma_start3A_263 = arith.constant 0 : i32
      %dma_start3A_264 = tpu.memref_slice %arg9[%run_scoped3A_130, %dma_start3A_262, %dma_start3A_263] : memref<4x128x64xf32, #tpu.memory_space<vmem>> -> memref<1x128x64xf32, #tpu.memory_space<vmem>>
      %dma_start3A_265 = tpu.memref_squeeze %dma_start3A_264 : memref<1x128x64xf32, #tpu.memory_space<vmem>> -> memref<128x64xf32, #tpu.memory_space<vmem>>
      %dma_start3A_266 = arith.constant 0 : i32
      %dma_start3A_267 = tpu.memref_slice %arg8[%run_scoped3A_131, %dma_start3A_266] : memref<4x128xi32, #tpu.memory_space<vmem>> -> memref<1x128xi32, #tpu.memory_space<vmem>>
      %dma_start3A_268 = tpu.memref_squeeze %dma_start3A_267 : memref<1x128xi32, #tpu.memory_space<vmem>> -> memref<128xi32, #tpu.memory_space<vmem>>
      %dma_start3A_269 = arith.constant 0 : i32
      %dma_start3A_270 = arith.constant 0 : i32
      %dma_start3A_271 = tpu.memref_slice %arg11[%dma_start3A_269, %dma_start3A_270] : memref<4096x64xf32, #tpu.memory_space<vmem_shared>> -> memref<4096x64xf32, #tpu.memory_space<vmem_shared>>
      tpu.enqueue_indirect_dma source(%dma_start3A_265 : memref<128x64xf32, #tpu.memory_space<vmem>>) target(%dma_start3A_271 : memref<4096x64xf32, #tpu.memory_space<vmem_shared>>) offsets(%dma_start3A_268 : memref<128xi32, #tpu.memory_space<vmem>>) semaphore(%run_scoped3A_261 : memref<!tpu.dma_semaphore, #tpu.memory_space<semaphore_mem>>) {add = true}
      %dma_wait3A_272 = arith.constant 0 : i32
      %dma_wait3A_273 = arith.constant 0 : i32
      %dma_wait3A_274 = tpu.memref_slice %arg9[%run_scoped3A_130, %dma_wait3A_272, %dma_wait3A_273] : memref<4x128x64xf32, #tpu.memory_space<vmem>> -> memref<1x128x64xf32, #tpu.memory_space<vmem>>
      %dma_wait3A_275 = tpu.memref_squeeze %dma_wait3A_274 : memref<1x128x64xf32, #tpu.memory_space<vmem>> -> memref<128x64xf32, #tpu.memory_space<vmem>>
      %dma_wait3A_276 = arith.constant 0 : i32
      %dma_wait3A_277 = tpu.memref_slice %arg8[%run_scoped3A_131, %dma_wait3A_276] : memref<4x128xi32, #tpu.memory_space<vmem>> -> memref<1x128xi32, #tpu.memory_space<vmem>>
      %dma_wait3A_278 = tpu.memref_squeeze %dma_wait3A_277 : memref<1x128xi32, #tpu.memory_space<vmem>> -> memref<128xi32, #tpu.memory_space<vmem>>
      %dma_wait3A_279 = arith.constant 0 : i32
      %dma_wait3A_280 = arith.constant 0 : i32
      %dma_wait3A_281 = tpu.memref_slice %arg11[%dma_wait3A_279, %dma_wait3A_280] : memref<4096x64xf32, #tpu.memory_space<vmem_shared>> -> memref<4096x64xf32, #tpu.memory_space<vmem_shared>>
      tpu.wait_indirect_dma semaphore(%run_scoped3A_261 : memref<!tpu.dma_semaphore, #tpu.memory_space<semaphore_mem>>) src(%dma_wait3A_275 : memref<128x64xf32, #tpu.memory_space<vmem>>) dst(%dma_wait3A_281 : memref<4096x64xf32, #tpu.memory_space<vmem_shared>>)
      tpu.yield
    }) : () -> ()
    %dma_wait3A_132 = arith.constant 2 : i32
    %dma_wait3A_133 = arith.constant 2 : i32
    %dma_wait3A_134 = arith.constant 0 : i32
    %dma_wait3A_135 = arith.constant 0 : i32
    %dma_wait3A_136 = tpu.memref_slice %arg10[%dma_wait3A_133, %dma_wait3A_134, %dma_wait3A_135] : memref<4x128x64xf32, #tpu.memory_space<vmem>> -> memref<1x128x64xf32, #tpu.memory_space<vmem>>
    %dma_wait3A_137 = tpu.memref_squeeze %dma_wait3A_136 : memref<1x128x64xf32, #tpu.memory_space<vmem>> -> memref<128x64xf32, #tpu.memory_space<vmem>>
    %dma_wait3A_138 = arith.constant 0 : i32
    %dma_wait3A_139 = tpu.memref_slice %arg8[%dma_wait3A_132, %dma_wait3A_138] : memref<4x128xi32, #tpu.memory_space<vmem>> -> memref<1x128xi32, #tpu.memory_space<vmem>>
    %dma_wait3A_140 = tpu.memref_squeeze %dma_wait3A_139 : memref<1x128xi32, #tpu.memory_space<vmem>> -> memref<128xi32, #tpu.memory_space<vmem>>
    %dma_wait3A_141 = arith.constant 0 : i32
    %dma_wait3A_142 = arith.constant 0 : i32
    %dma_wait3A_143 = tpu.memref_slice %arg2[%dma_wait3A_141, %dma_wait3A_142] : memref<4096x64xf32, #tpu.memory_space<hbm>> -> memref<4096x64xf32, #tpu.memory_space<hbm>>
    tpu.wait_indirect_dma semaphore(%arg12 : memref<!tpu.dma_semaphore, #tpu.memory_space<semaphore_mem>>) src(%dma_wait3A_143 : memref<4096x64xf32, #tpu.memory_space<hbm>>) dst(%dma_wait3A_137 : memref<128x64xf32, #tpu.memory_space<vmem>>)
    %dma_start3A_144 = arith.constant 2 : i32
    %dma_start3A_145 = arith.constant 2 : i32
    %dma_start3A_146 = arith.constant 0 : i32
    %dma_start3A_147 = arith.constant 0 : i32
    %dma_start3A_148 = tpu.memref_slice %arg10[%dma_start3A_144, %dma_start3A_146, %dma_start3A_147] : memref<4x128x64xf32, #tpu.memory_space<vmem>> -> memref<1x128x64xf32, #tpu.memory_space<vmem>>
    %dma_start3A_149 = tpu.memref_squeeze %dma_start3A_148 : memref<1x128x64xf32, #tpu.memory_space<vmem>> -> memref<128x64xf32, #tpu.memory_space<vmem>>
    %dma_start3A_150 = arith.constant 0 : i32
    %dma_start3A_151 = tpu.memref_slice %arg6[%dma_start3A_145, %mul3A_2, %dma_start3A_150] : memref<4x4096x64xf32, #tpu.memory_space<hbm>> -> memref<1x128x64xf32, #tpu.memory_space<hbm>>
    %dma_start3A_152 = tpu.memref_squeeze %dma_start3A_151 : memref<1x128x64xf32, #tpu.memory_space<hbm>> -> memref<128x64xf32, #tpu.memory_space<hbm>>
    %dma_start3A_153 = arith.constant 0 : i32
    %dma_start3A_154 = tpu.memref_slice %arg6[%dma_start3A_145, %mul3A_2, %dma_start3A_153] : memref<4x4096x64xf32, #tpu.memory_space<hbm>> -> memref<1x128x64xf32, #tpu.memory_space<hbm>>
    %dma_start3A_155 = tpu.memref_squeeze %dma_start3A_154 : memref<1x128x64xf32, #tpu.memory_space<hbm>> -> memref<128x64xf32, #tpu.memory_space<hbm>>
    %dma_start3A_156 = arith.constant 0 : i32
    %dma_start3A_157 = arith.constant 0 : i32
    %dma_start3A_158 = tpu.memref_slice %arg10[%dma_start3A_144, %dma_start3A_156, %dma_start3A_157] : memref<4x128x64xf32, #tpu.memory_space<vmem>> -> memref<1x128x64xf32, #tpu.memory_space<vmem>>
    %dma_start3A_159 = tpu.memref_squeeze %dma_start3A_158 : memref<1x128x64xf32, #tpu.memory_space<vmem>> -> memref<128x64xf32, #tpu.memory_space<vmem>>
    tpu.enqueue_dma source(%dma_start3A_159 : memref<128x64xf32, #tpu.memory_space<vmem>>) target(%dma_start3A_155 : memref<128x64xf32, #tpu.memory_space<hbm>>) target_semaphore(%arg14 : memref<!tpu.dma_semaphore, #tpu.memory_space<semaphore_mem>>)
    %run_scoped3A_160 = arith.constant 2 : i32
    %run_scoped3A_161 = arith.constant 2 : i32
    "tpu.region"() ({
      %run_scoped3A_261 = tpu.sem_alloc : memref<!tpu.dma_semaphore, #tpu.memory_space<semaphore_mem>>
      %dma_start3A_262 = arith.constant 0 : i32
      %dma_start3A_263 = arith.constant 0 : i32
      %dma_start3A_264 = tpu.memref_slice %arg9[%run_scoped3A_160, %dma_start3A_262, %dma_start3A_263] : memref<4x128x64xf32, #tpu.memory_space<vmem>> -> memref<1x128x64xf32, #tpu.memory_space<vmem>>
      %dma_start3A_265 = tpu.memref_squeeze %dma_start3A_264 : memref<1x128x64xf32, #tpu.memory_space<vmem>> -> memref<128x64xf32, #tpu.memory_space<vmem>>
      %dma_start3A_266 = arith.constant 0 : i32
      %dma_start3A_267 = tpu.memref_slice %arg8[%run_scoped3A_161, %dma_start3A_266] : memref<4x128xi32, #tpu.memory_space<vmem>> -> memref<1x128xi32, #tpu.memory_space<vmem>>
      %dma_start3A_268 = tpu.memref_squeeze %dma_start3A_267 : memref<1x128xi32, #tpu.memory_space<vmem>> -> memref<128xi32, #tpu.memory_space<vmem>>
      %dma_start3A_269 = arith.constant 0 : i32
      %dma_start3A_270 = arith.constant 0 : i32
      %dma_start3A_271 = tpu.memref_slice %arg11[%dma_start3A_269, %dma_start3A_270] : memref<4096x64xf32, #tpu.memory_space<vmem_shared>> -> memref<4096x64xf32, #tpu.memory_space<vmem_shared>>
      tpu.enqueue_indirect_dma source(%dma_start3A_265 : memref<128x64xf32, #tpu.memory_space<vmem>>) target(%dma_start3A_271 : memref<4096x64xf32, #tpu.memory_space<vmem_shared>>) offsets(%dma_start3A_268 : memref<128xi32, #tpu.memory_space<vmem>>) semaphore(%run_scoped3A_261 : memref<!tpu.dma_semaphore, #tpu.memory_space<semaphore_mem>>) {add = true}
      %dma_wait3A_272 = arith.constant 0 : i32
      %dma_wait3A_273 = arith.constant 0 : i32
      %dma_wait3A_274 = tpu.memref_slice %arg9[%run_scoped3A_160, %dma_wait3A_272, %dma_wait3A_273] : memref<4x128x64xf32, #tpu.memory_space<vmem>> -> memref<1x128x64xf32, #tpu.memory_space<vmem>>
      %dma_wait3A_275 = tpu.memref_squeeze %dma_wait3A_274 : memref<1x128x64xf32, #tpu.memory_space<vmem>> -> memref<128x64xf32, #tpu.memory_space<vmem>>
      %dma_wait3A_276 = arith.constant 0 : i32
      %dma_wait3A_277 = tpu.memref_slice %arg8[%run_scoped3A_161, %dma_wait3A_276] : memref<4x128xi32, #tpu.memory_space<vmem>> -> memref<1x128xi32, #tpu.memory_space<vmem>>
      %dma_wait3A_278 = tpu.memref_squeeze %dma_wait3A_277 : memref<1x128xi32, #tpu.memory_space<vmem>> -> memref<128xi32, #tpu.memory_space<vmem>>
      %dma_wait3A_279 = arith.constant 0 : i32
      %dma_wait3A_280 = arith.constant 0 : i32
      %dma_wait3A_281 = tpu.memref_slice %arg11[%dma_wait3A_279, %dma_wait3A_280] : memref<4096x64xf32, #tpu.memory_space<vmem_shared>> -> memref<4096x64xf32, #tpu.memory_space<vmem_shared>>
      tpu.wait_indirect_dma semaphore(%run_scoped3A_261 : memref<!tpu.dma_semaphore, #tpu.memory_space<semaphore_mem>>) src(%dma_wait3A_275 : memref<128x64xf32, #tpu.memory_space<vmem>>) dst(%dma_wait3A_281 : memref<4096x64xf32, #tpu.memory_space<vmem_shared>>)
      tpu.yield
    }) : () -> ()
    %dma_wait3A_162 = arith.constant 3 : i32
    %dma_wait3A_163 = arith.constant 3 : i32
    %dma_wait3A_164 = arith.constant 0 : i32
    %dma_wait3A_165 = arith.constant 0 : i32
    %dma_wait3A_166 = tpu.memref_slice %arg10[%dma_wait3A_163, %dma_wait3A_164, %dma_wait3A_165] : memref<4x128x64xf32, #tpu.memory_space<vmem>> -> memref<1x128x64xf32, #tpu.memory_space<vmem>>
    %dma_wait3A_167 = tpu.memref_squeeze %dma_wait3A_166 : memref<1x128x64xf32, #tpu.memory_space<vmem>> -> memref<128x64xf32, #tpu.memory_space<vmem>>
    %dma_wait3A_168 = arith.constant 0 : i32
    %dma_wait3A_169 = tpu.memref_slice %arg8[%dma_wait3A_162, %dma_wait3A_168] : memref<4x128xi32, #tpu.memory_space<vmem>> -> memref<1x128xi32, #tpu.memory_space<vmem>>
    %dma_wait3A_170 = tpu.memref_squeeze %dma_wait3A_169 : memref<1x128xi32, #tpu.memory_space<vmem>> -> memref<128xi32, #tpu.memory_space<vmem>>
    %dma_wait3A_171 = arith.constant 0 : i32
    %dma_wait3A_172 = arith.constant 0 : i32
    %dma_wait3A_173 = tpu.memref_slice %arg2[%dma_wait3A_171, %dma_wait3A_172] : memref<4096x64xf32, #tpu.memory_space<hbm>> -> memref<4096x64xf32, #tpu.memory_space<hbm>>
    tpu.wait_indirect_dma semaphore(%arg12 : memref<!tpu.dma_semaphore, #tpu.memory_space<semaphore_mem>>) src(%dma_wait3A_173 : memref<4096x64xf32, #tpu.memory_space<hbm>>) dst(%dma_wait3A_167 : memref<128x64xf32, #tpu.memory_space<vmem>>)
    %dma_start3A_174 = arith.constant 3 : i32
    %dma_start3A_175 = arith.constant 3 : i32
    %dma_start3A_176 = arith.constant 0 : i32
    %dma_start3A_177 = arith.constant 0 : i32
    %dma_start3A_178 = tpu.memref_slice %arg10[%dma_start3A_174, %dma_start3A_176, %dma_start3A_177] : memref<4x128x64xf32, #tpu.memory_space<vmem>> -> memref<1x128x64xf32, #tpu.memory_space<vmem>>
    %dma_start3A_179 = tpu.memref_squeeze %dma_start3A_178 : memref<1x128x64xf32, #tpu.memory_space<vmem>> -> memref<128x64xf32, #tpu.memory_space<vmem>>
    %dma_start3A_180 = arith.constant 0 : i32
    %dma_start3A_181 = tpu.memref_slice %arg6[%dma_start3A_175, %mul3A_2, %dma_start3A_180] : memref<4x4096x64xf32, #tpu.memory_space<hbm>> -> memref<1x128x64xf32, #tpu.memory_space<hbm>>
    %dma_start3A_182 = tpu.memref_squeeze %dma_start3A_181 : memref<1x128x64xf32, #tpu.memory_space<hbm>> -> memref<128x64xf32, #tpu.memory_space<hbm>>
    %dma_start3A_183 = arith.constant 0 : i32
    %dma_start3A_184 = tpu.memref_slice %arg6[%dma_start3A_175, %mul3A_2, %dma_start3A_183] : memref<4x4096x64xf32, #tpu.memory_space<hbm>> -> memref<1x128x64xf32, #tpu.memory_space<hbm>>
    %dma_start3A_185 = tpu.memref_squeeze %dma_start3A_184 : memref<1x128x64xf32, #tpu.memory_space<hbm>> -> memref<128x64xf32, #tpu.memory_space<hbm>>
    %dma_start3A_186 = arith.constant 0 : i32
    %dma_start3A_187 = arith.constant 0 : i32
    %dma_start3A_188 = tpu.memref_slice %arg10[%dma_start3A_174, %dma_start3A_186, %dma_start3A_187] : memref<4x128x64xf32, #tpu.memory_space<vmem>> -> memref<1x128x64xf32, #tpu.memory_space<vmem>>
    %dma_start3A_189 = tpu.memref_squeeze %dma_start3A_188 : memref<1x128x64xf32, #tpu.memory_space<vmem>> -> memref<128x64xf32, #tpu.memory_space<vmem>>
    tpu.enqueue_dma source(%dma_start3A_189 : memref<128x64xf32, #tpu.memory_space<vmem>>) target(%dma_start3A_185 : memref<128x64xf32, #tpu.memory_space<hbm>>) target_semaphore(%arg14 : memref<!tpu.dma_semaphore, #tpu.memory_space<semaphore_mem>>)
    %run_scoped3A_190 = arith.constant 3 : i32
    %run_scoped3A_191 = arith.constant 3 : i32
    "tpu.region"() ({
      %run_scoped3A_261 = tpu.sem_alloc : memref<!tpu.dma_semaphore, #tpu.memory_space<semaphore_mem>>
      %dma_start3A_262 = arith.constant 0 : i32
      %dma_start3A_263 = arith.constant 0 : i32
      %dma_start3A_264 = tpu.memref_slice %arg9[%run_scoped3A_190, %dma_start3A_262, %dma_start3A_263] : memref<4x128x64xf32, #tpu.memory_space<vmem>> -> memref<1x128x64xf32, #tpu.memory_space<vmem>>
      %dma_start3A_265 = tpu.memref_squeeze %dma_start3A_264 : memref<1x128x64xf32, #tpu.memory_space<vmem>> -> memref<128x64xf32, #tpu.memory_space<vmem>>
      %dma_start3A_266 = arith.constant 0 : i32
      %dma_start3A_267 = tpu.memref_slice %arg8[%run_scoped3A_191, %dma_start3A_266] : memref<4x128xi32, #tpu.memory_space<vmem>> -> memref<1x128xi32, #tpu.memory_space<vmem>>
      %dma_start3A_268 = tpu.memref_squeeze %dma_start3A_267 : memref<1x128xi32, #tpu.memory_space<vmem>> -> memref<128xi32, #tpu.memory_space<vmem>>
      %dma_start3A_269 = arith.constant 0 : i32
      %dma_start3A_270 = arith.constant 0 : i32
      %dma_start3A_271 = tpu.memref_slice %arg11[%dma_start3A_269, %dma_start3A_270] : memref<4096x64xf32, #tpu.memory_space<vmem_shared>> -> memref<4096x64xf32, #tpu.memory_space<vmem_shared>>
      tpu.enqueue_indirect_dma source(%dma_start3A_265 : memref<128x64xf32, #tpu.memory_space<vmem>>) target(%dma_start3A_271 : memref<4096x64xf32, #tpu.memory_space<vmem_shared>>) offsets(%dma_start3A_268 : memref<128xi32, #tpu.memory_space<vmem>>) semaphore(%run_scoped3A_261 : memref<!tpu.dma_semaphore, #tpu.memory_space<semaphore_mem>>) {add = true}
      %dma_wait3A_272 = arith.constant 0 : i32
      %dma_wait3A_273 = arith.constant 0 : i32
      %dma_wait3A_274 = tpu.memref_slice %arg9[%run_scoped3A_190, %dma_wait3A_272, %dma_wait3A_273] : memref<4x128x64xf32, #tpu.memory_space<vmem>> -> memref<1x128x64xf32, #tpu.memory_space<vmem>>
      %dma_wait3A_275 = tpu.memref_squeeze %dma_wait3A_274 : memref<1x128x64xf32, #tpu.memory_space<vmem>> -> memref<128x64xf32, #tpu.memory_space<vmem>>
      %dma_wait3A_276 = arith.constant 0 : i32
      %dma_wait3A_277 = tpu.memref_slice %arg8[%run_scoped3A_191, %dma_wait3A_276] : memref<4x128xi32, #tpu.memory_space<vmem>> -> memref<1x128xi32, #tpu.memory_space<vmem>>
      %dma_wait3A_278 = tpu.memref_squeeze %dma_wait3A_277 : memref<1x128xi32, #tpu.memory_space<vmem>> -> memref<128xi32, #tpu.memory_space<vmem>>
      %dma_wait3A_279 = arith.constant 0 : i32
      %dma_wait3A_280 = arith.constant 0 : i32
      %dma_wait3A_281 = tpu.memref_slice %arg11[%dma_wait3A_279, %dma_wait3A_280] : memref<4096x64xf32, #tpu.memory_space<vmem_shared>> -> memref<4096x64xf32, #tpu.memory_space<vmem_shared>>
      tpu.wait_indirect_dma semaphore(%run_scoped3A_261 : memref<!tpu.dma_semaphore, #tpu.memory_space<semaphore_mem>>) src(%dma_wait3A_275 : memref<128x64xf32, #tpu.memory_space<vmem>>) dst(%dma_wait3A_281 : memref<4096x64xf32, #tpu.memory_space<vmem_shared>>)
      tpu.yield
    }) : () -> ()
    %dma_wait3A_192 = arith.constant 0 : i32
    %dma_wait3A_193 = arith.constant 0 : i32
    %dma_wait3A_194 = arith.constant 0 : i32
    %dma_wait3A_195 = arith.constant 0 : i32
    %dma_wait3A_196 = tpu.memref_slice %arg10[%dma_wait3A_192, %dma_wait3A_194, %dma_wait3A_195] : memref<4x128x64xf32, #tpu.memory_space<vmem>> -> memref<1x128x64xf32, #tpu.memory_space<vmem>>
    %dma_wait3A_197 = tpu.memref_squeeze %dma_wait3A_196 : memref<1x128x64xf32, #tpu.memory_space<vmem>> -> memref<128x64xf32, #tpu.memory_space<vmem>>
    %dma_wait3A_198 = arith.constant 0 : i32
    %dma_wait3A_199 = tpu.memref_slice %arg6[%dma_wait3A_193, %mul3A_2, %dma_wait3A_198] : memref<4x4096x64xf32, #tpu.memory_space<hbm>> -> memref<1x128x64xf32, #tpu.memory_space<hbm>>
    %dma_wait3A_200 = tpu.memref_squeeze %dma_wait3A_199 : memref<1x128x64xf32, #tpu.memory_space<hbm>> -> memref<128x64xf32, #tpu.memory_space<hbm>>
    %dma_wait3A_201 = arith.constant 0 : i32
    %dma_wait3A_202 = tpu.memref_slice %arg6[%dma_wait3A_193, %mul3A_2, %dma_wait3A_201] : memref<4x4096x64xf32, #tpu.memory_space<hbm>> -> memref<1x128x64xf32, #tpu.memory_space<hbm>>
    %dma_wait3A_203 = tpu.memref_squeeze %dma_wait3A_202 : memref<1x128x64xf32, #tpu.memory_space<hbm>> -> memref<128x64xf32, #tpu.memory_space<hbm>>
    %dma_wait3A_204 = arith.constant 0 : i32
    %dma_wait3A_205 = arith.constant 0 : i32
    %dma_wait3A_206 = tpu.memref_slice %arg10[%dma_wait3A_192, %dma_wait3A_204, %dma_wait3A_205] : memref<4x128x64xf32, #tpu.memory_space<vmem>> -> memref<1x128x64xf32, #tpu.memory_space<vmem>>
    %dma_wait3A_207 = tpu.memref_squeeze %dma_wait3A_206 : memref<1x128x64xf32, #tpu.memory_space<vmem>> -> memref<128x64xf32, #tpu.memory_space<vmem>>
    tpu.wait_dma2 semaphore(%arg14 : memref<!tpu.dma_semaphore, #tpu.memory_space<semaphore_mem>>) src(%dma_wait3A_207 : memref<128x64xf32, #tpu.memory_space<vmem>>) dst(%dma_wait3A_203 : memref<128x64xf32, #tpu.memory_space<hbm>>)
    %dma_wait3A_208 = arith.constant 1 : i32
    %dma_wait3A_209 = arith.constant 1 : i32
    %dma_wait3A_210 = arith.constant 0 : i32
    %dma_wait3A_211 = arith.constant 0 : i32
    %dma_wait3A_212 = tpu.memref_slice %arg10[%dma_wait3A_208, %dma_wait3A_210, %dma_wait3A_211] : memref<4x128x64xf32, #tpu.memory_space<vmem>> -> memref<1x128x64xf32, #tpu.memory_space<vmem>>
    %dma_wait3A_213 = tpu.memref_squeeze %dma_wait3A_212 : memref<1x128x64xf32, #tpu.memory_space<vmem>> -> memref<128x64xf32, #tpu.memory_space<vmem>>
    %dma_wait3A_214 = arith.constant 0 : i32
    %dma_wait3A_215 = tpu.memref_slice %arg6[%dma_wait3A_209, %mul3A_2, %dma_wait3A_214] : memref<4x4096x64xf32, #tpu.memory_space<hbm>> -> memref<1x128x64xf32, #tpu.memory_space<hbm>>
    %dma_wait3A_216 = tpu.memref_squeeze %dma_wait3A_215 : memref<1x128x64xf32, #tpu.memory_space<hbm>> -> memref<128x64xf32, #tpu.memory_space<hbm>>
    %dma_wait3A_217 = arith.constant 0 : i32
    %dma_wait3A_218 = tpu.memref_slice %arg6[%dma_wait3A_209, %mul3A_2, %dma_wait3A_217] : memref<4x4096x64xf32, #tpu.memory_space<hbm>> -> memref<1x128x64xf32, #tpu.memory_space<hbm>>
    %dma_wait3A_219 = tpu.memref_squeeze %dma_wait3A_218 : memref<1x128x64xf32, #tpu.memory_space<hbm>> -> memref<128x64xf32, #tpu.memory_space<hbm>>
    %dma_wait3A_220 = arith.constant 0 : i32
    %dma_wait3A_221 = arith.constant 0 : i32
    %dma_wait3A_222 = tpu.memref_slice %arg10[%dma_wait3A_208, %dma_wait3A_220, %dma_wait3A_221] : memref<4x128x64xf32, #tpu.memory_space<vmem>> -> memref<1x128x64xf32, #tpu.memory_space<vmem>>
    %dma_wait3A_223 = tpu.memref_squeeze %dma_wait3A_222 : memref<1x128x64xf32, #tpu.memory_space<vmem>> -> memref<128x64xf32, #tpu.memory_space<vmem>>
    tpu.wait_dma2 semaphore(%arg14 : memref<!tpu.dma_semaphore, #tpu.memory_space<semaphore_mem>>) src(%dma_wait3A_223 : memref<128x64xf32, #tpu.memory_space<vmem>>) dst(%dma_wait3A_219 : memref<128x64xf32, #tpu.memory_space<hbm>>)
    %dma_wait3A_224 = arith.constant 2 : i32
    %dma_wait3A_225 = arith.constant 2 : i32
    %dma_wait3A_226 = arith.constant 0 : i32
    %dma_wait3A_227 = arith.constant 0 : i32
    %dma_wait3A_228 = tpu.memref_slice %arg10[%dma_wait3A_224, %dma_wait3A_226, %dma_wait3A_227] : memref<4x128x64xf32, #tpu.memory_space<vmem>> -> memref<1x128x64xf32, #tpu.memory_space<vmem>>
    %dma_wait3A_229 = tpu.memref_squeeze %dma_wait3A_228 : memref<1x128x64xf32, #tpu.memory_space<vmem>> -> memref<128x64xf32, #tpu.memory_space<vmem>>
    %dma_wait3A_230 = arith.constant 0 : i32
    %dma_wait3A_231 = tpu.memref_slice %arg6[%dma_wait3A_225, %mul3A_2, %dma_wait3A_230] : memref<4x4096x64xf32, #tpu.memory_space<hbm>> -> memref<1x128x64xf32, #tpu.memory_space<hbm>>
    %dma_wait3A_232 = tpu.memref_squeeze %dma_wait3A_231 : memref<1x128x64xf32, #tpu.memory_space<hbm>> -> memref<128x64xf32, #tpu.memory_space<hbm>>
    %dma_wait3A_233 = arith.constant 0 : i32
    %dma_wait3A_234 = tpu.memref_slice %arg6[%dma_wait3A_225, %mul3A_2, %dma_wait3A_233] : memref<4x4096x64xf32, #tpu.memory_space<hbm>> -> memref<1x128x64xf32, #tpu.memory_space<hbm>>
    %dma_wait3A_235 = tpu.memref_squeeze %dma_wait3A_234 : memref<1x128x64xf32, #tpu.memory_space<hbm>> -> memref<128x64xf32, #tpu.memory_space<hbm>>
    %dma_wait3A_236 = arith.constant 0 : i32
    %dma_wait3A_237 = arith.constant 0 : i32
    %dma_wait3A_238 = tpu.memref_slice %arg10[%dma_wait3A_224, %dma_wait3A_236, %dma_wait3A_237] : memref<4x128x64xf32, #tpu.memory_space<vmem>> -> memref<1x128x64xf32, #tpu.memory_space<vmem>>
    %dma_wait3A_239 = tpu.memref_squeeze %dma_wait3A_238 : memref<1x128x64xf32, #tpu.memory_space<vmem>> -> memref<128x64xf32, #tpu.memory_space<vmem>>
    tpu.wait_dma2 semaphore(%arg14 : memref<!tpu.dma_semaphore, #tpu.memory_space<semaphore_mem>>) src(%dma_wait3A_239 : memref<128x64xf32, #tpu.memory_space<vmem>>) dst(%dma_wait3A_235 : memref<128x64xf32, #tpu.memory_space<hbm>>)
    %dma_wait3A_240 = arith.constant 3 : i32
    %dma_wait3A_241 = arith.constant 3 : i32
    %dma_wait3A_242 = arith.constant 0 : i32
    %dma_wait3A_243 = arith.constant 0 : i32
    %dma_wait3A_244 = tpu.memref_slice %arg10[%dma_wait3A_240, %dma_wait3A_242, %dma_wait3A_243] : memref<4x128x64xf32, #tpu.memory_space<vmem>> -> memref<1x128x64xf32, #tpu.memory_space<vmem>>
    %dma_wait3A_245 = tpu.memref_squeeze %dma_wait3A_244 : memref<1x128x64xf32, #tpu.memory_space<vmem>> -> memref<128x64xf32, #tpu.memory_space<vmem>>
    %dma_wait3A_246 = arith.constant 0 : i32
    %dma_wait3A_247 = tpu.memref_slice %arg6[%dma_wait3A_241, %mul3A_2, %dma_wait3A_246] : memref<4x4096x64xf32, #tpu.memory_space<hbm>> -> memref<1x128x64xf32, #tpu.memory_space<hbm>>
    %dma_wait3A_248 = tpu.memref_squeeze %dma_wait3A_247 : memref<1x128x64xf32, #tpu.memory_space<hbm>> -> memref<128x64xf32, #tpu.memory_space<hbm>>
    %dma_wait3A_249 = arith.constant 0 : i32
    %dma_wait3A_250 = tpu.memref_slice %arg6[%dma_wait3A_241, %mul3A_2, %dma_wait3A_249] : memref<4x4096x64xf32, #tpu.memory_space<hbm>> -> memref<1x128x64xf32, #tpu.memory_space<hbm>>
    %dma_wait3A_251 = tpu.memref_squeeze %dma_wait3A_250 : memref<1x128x64xf32, #tpu.memory_space<hbm>> -> memref<128x64xf32, #tpu.memory_space<hbm>>
    %dma_wait3A_252 = arith.constant 0 : i32
    %dma_wait3A_253 = arith.constant 0 : i32
    %dma_wait3A_254 = tpu.memref_slice %arg10[%dma_wait3A_240, %dma_wait3A_252, %dma_wait3A_253] : memref<4x128x64xf32, #tpu.memory_space<vmem>> -> memref<1x128x64xf32, #tpu.memory_space<vmem>>
    %dma_wait3A_255 = tpu.memref_squeeze %dma_wait3A_254 : memref<1x128x64xf32, #tpu.memory_space<vmem>> -> memref<128x64xf32, #tpu.memory_space<vmem>>
    tpu.wait_dma2 semaphore(%arg14 : memref<!tpu.dma_semaphore, #tpu.memory_space<semaphore_mem>>) src(%dma_wait3A_255 : memref<128x64xf32, #tpu.memory_space<vmem>>) dst(%dma_wait3A_251 : memref<128x64xf32, #tpu.memory_space<hbm>>)
    %barrier3A_256 = arith.constant 0 : index
    tpu.barrier barrier_id(%barrier3A_256)
    %mul3A_257 = arith.constant 256 : i32
    %mul3A_258 = arith.muli %arg1, %mul3A_257 : i32
    %mul3A_259 = arith.constant 256 : i32
    %mul3A_260 = arith.muli %arg1, %mul3A_259 : i32
    "tpu.region"() ({
      %run_scoped3A_261 = tpu.sem_alloc : memref<!tpu.dma_semaphore, #tpu.memory_space<semaphore_mem>>
      %dma_start3A_262 = arith.constant 0 : i32
      %dma_start3A_263 = tpu.memref_slice %arg7[%arg0, %mul3A_260, %dma_start3A_262] : memref<2x4096x64xf32, #tpu.memory_space<hbm>> -> memref<1x256x64xf32, #tpu.memory_space<hbm>>
      %dma_start3A_264 = tpu.memref_squeeze %dma_start3A_263 : memref<1x256x64xf32, #tpu.memory_space<hbm>> -> memref<256x64xf32, #tpu.memory_space<hbm>>
      %dma_start3A_265 = arith.constant 0 : i32
      %dma_start3A_266 = tpu.memref_slice %arg11[%mul3A_258, %dma_start3A_265] : memref<4096x64xf32, #tpu.memory_space<vmem_shared>> -> memref<256x64xf32, #tpu.memory_space<vmem_shared>>
      tpu.enqueue_dma source(%dma_start3A_266 : memref<256x64xf32, #tpu.memory_space<vmem_shared>>) target(%dma_start3A_264 : memref<256x64xf32, #tpu.memory_space<hbm>>) target_semaphore(%run_scoped3A_261 : memref<!tpu.dma_semaphore, #tpu.memory_space<semaphore_mem>>)
      %dma_wait3A_267 = arith.constant 0 : i32
      %dma_wait3A_268 = tpu.memref_slice %arg7[%arg0, %mul3A_260, %dma_wait3A_267] : memref<2x4096x64xf32, #tpu.memory_space<hbm>> -> memref<1x256x64xf32, #tpu.memory_space<hbm>>
      %dma_wait3A_269 = tpu.memref_squeeze %dma_wait3A_268 : memref<1x256x64xf32, #tpu.memory_space<hbm>> -> memref<256x64xf32, #tpu.memory_space<hbm>>
      %dma_wait3A_270 = arith.constant 0 : i32
      %dma_wait3A_271 = tpu.memref_slice %arg11[%mul3A_258, %dma_wait3A_270] : memref<4096x64xf32, #tpu.memory_space<vmem_shared>> -> memref<256x64xf32, #tpu.memory_space<vmem_shared>>
      tpu.wait_dma2 semaphore(%run_scoped3A_261 : memref<!tpu.dma_semaphore, #tpu.memory_space<semaphore_mem>>) src(%dma_wait3A_271 : memref<256x64xf32, #tpu.memory_space<vmem_shared>>) dst(%dma_wait3A_269 : memref<256x64xf32, #tpu.memory_space<hbm>>)
      tpu.yield
    }) : () -> ()
    return
  }
}

module attributes {stable_mosaic.version = 14 : i64} {
  func.func @_k1_body(%arg0: i32, %arg1: memref<24x512x64xf32, #tpu.memory_space<vmem>>, %arg2: memref<64x64xf32, #tpu.memory_space<vmem>>, %arg3: memref<16x64xf32, #tpu.memory_space<vmem>>, %arg4: memref<1x64xf32, #tpu.memory_space<vmem>>, %arg5: memref<384x64xf32, #tpu.memory_space<vmem>>, %arg6: memref<512x32xf32, #tpu.memory_space<vmem>>, %arg7: memref<32x32xf32, #tpu.memory_space<vmem>>, %arg8: memref<1x32xf32, #tpu.memory_space<vmem>>, %arg9: memref<512x384xf32, #tpu.memory_space<vmem>>, %arg10: memref<512x16xf32, #tpu.memory_space<vmem>>, %arg11: memref<512x64xf32, #tpu.memory_space<vmem>>, %arg12: memref<512x32xf32, #tpu.memory_space<vmem>>, %arg13: memref<512x1xf32, #tpu.memory_space<vmem>>) attributes {dimension_semantics = [#tpu.dimension_semantics<arbitrary>], iteration_bounds = array<i64: 8>, scalar_prefetch = 0 : i64, scratch_operands = 0 : i64, tpu.core_type = #tpu.core_type<tc>, window_params = [{transform_indices = @transform_0, window_bounds = array<i64: 24, 512, 64>}, {pipeline_mode = #tpu.pipeline_mode<synchronous>, transform_indices = @transform_1, window_bounds = array<i64: 64, 64>}, {pipeline_mode = #tpu.pipeline_mode<synchronous>, transform_indices = @transform_2, window_bounds = array<i64: 16, 64>}, {pipeline_mode = #tpu.pipeline_mode<synchronous>, transform_indices = @transform_3, window_bounds = array<i64: 1, 64>}, {pipeline_mode = #tpu.pipeline_mode<synchronous>, transform_indices = @transform_4, window_bounds = array<i64: 384, 64>}, {transform_indices = @transform_5, window_bounds = array<i64: 512, 32>}, {pipeline_mode = #tpu.pipeline_mode<synchronous>, transform_indices = @transform_6, window_bounds = array<i64: 32, 32>}, {pipeline_mode = #tpu.pipeline_mode<synchronous>, transform_indices = @transform_7, window_bounds = array<i64: 1, 32>}, {transform_indices = @transform_8, window_bounds = array<i64: 512, 384>}, {transform_indices = @transform_9, window_bounds = array<i64: 512, 16>}, {transform_indices = @transform_10, window_bounds = array<i64: 512, 64>}, {transform_indices = @transform_11, window_bounds = array<i64: 512, 32>}, {transform_indices = @transform_12, window_bounds = array<i64: 512, 1>}]} {
    %get3A = arith.constant 0 : index
    %get3A_0 = arith.constant 0 : index
    %get3A_1 = vector.load %arg2[%get3A, %get3A_0] : memref<64x64xf32, #tpu.memory_space<vmem>>, vector<64x16xf32>
    %get3A_2 = arith.constant 0 : index
    %get3A_3 = arith.constant 16 : index
    %get3A_4 = vector.load %arg2[%get3A_2, %get3A_3] : memref<64x64xf32, #tpu.memory_space<vmem>>, vector<64x16xf32>
    %get3A_5 = arith.constant 0 : index
    %get3A_6 = arith.constant 32 : index
    %get3A_7 = vector.load %arg2[%get3A_5, %get3A_6] : memref<64x64xf32, #tpu.memory_space<vmem>>, vector<64x16xf32>
    %get3A_8 = arith.constant 0 : index
    %get3A_9 = arith.constant 48 : index
    %get3A_10 = vector.load %arg2[%get3A_8, %get3A_9] : memref<64x64xf32, #tpu.memory_space<vmem>>, vector<64x16xf32>
    %get3A_11 = arith.constant 0 : index
    %get3A_12 = arith.constant 0 : index
    %get3A_13 = vector.load %arg3[%get3A_11, %get3A_12] : memref<16x64xf32, #tpu.memory_space<vmem>>, vector<16x16xf32>
    %get3A_14 = arith.constant 0 : index
    %get3A_15 = arith.constant 16 : index
    %get3A_16 = vector.load %arg3[%get3A_14, %get3A_15] : memref<16x64xf32, #tpu.memory_space<vmem>>, vector<16x16xf32>
    %get3A_17 = arith.constant 0 : index
    %get3A_18 = arith.constant 32 : index
    %get3A_19 = vector.load %arg3[%get3A_17, %get3A_18] : memref<16x64xf32, #tpu.memory_space<vmem>>, vector<16x16xf32>
    %get3A_20 = arith.constant 0 : index
    %get3A_21 = arith.constant 48 : index
    %get3A_22 = vector.load %arg3[%get3A_20, %get3A_21] : memref<16x64xf32, #tpu.memory_space<vmem>>, vector<16x16xf32>
    %get3A_23 = arith.constant 0 : index
    %get3A_24 = arith.constant 0 : index
    %get3A_25 = vector.load %arg4[%get3A_23, %get3A_24] : memref<1x64xf32, #tpu.memory_space<vmem>>, vector<1x16xf32>
    %get3A_26 = arith.constant 0 : index
    %get3A_27 = arith.constant 16 : index
    %get3A_28 = vector.load %arg4[%get3A_26, %get3A_27] : memref<1x64xf32, #tpu.memory_space<vmem>>, vector<1x16xf32>
    %get3A_29 = arith.constant 0 : index
    %get3A_30 = arith.constant 32 : index
    %get3A_31 = vector.load %arg4[%get3A_29, %get3A_30] : memref<1x64xf32, #tpu.memory_space<vmem>>, vector<1x16xf32>
    %get3A_32 = arith.constant 0 : index
    %get3A_33 = arith.constant 48 : index
    %get3A_34 = vector.load %arg4[%get3A_32, %get3A_33] : memref<1x64xf32, #tpu.memory_space<vmem>>, vector<1x16xf32>
    %broadcast_in_dim3A = arith.constant 0.000000e+00 : f32
    %broadcast_in_dim3A_35 = vector.broadcast %broadcast_in_dim3A : f32 to vector<512x16xf32>
    %broadcast_in_dim3A_36 = arith.constant 0.000000e+00 : f32
    %broadcast_in_dim3A_37 = vector.broadcast %broadcast_in_dim3A_36 : f32 to vector<512x16xf32>
    %get3A_38 = arith.constant 0 : index
    %get3A_39 = arith.constant 0 : index
    %get3A_40 = arith.constant 0 : index
    %get3A_41 = vector.load %arg1[%get3A_38, %get3A_39, %get3A_40] : memref<24x512x64xf32, #tpu.memory_space<vmem>>, vector<1x512x64xf32>
    %get3A_42 = vector.shape_cast %get3A_41 : vector<1x512x64xf32> to vector<512x64xf32>
    %dot_general3A = arith.constant dense<0.000000e+00> : vector<512x16xf32>
    %dot_general3A_43 = tpu.matmul %get3A_42, %get3A_1, %dot_general3A {dimension_numbers = #tpu.dot_dimension_numbers<[1], [0], [0], [1], [0, 0, 1, 1], [], []>, transpose_lhs_hint = false} : vector<512x64xf32>, vector<64x16xf32>, vector<512x16xf32> -> vector<512x16xf32>
    %dot_general3A_44 = arith.constant dense<0.000000e+00> : vector<512x16xf32>
    %dot_general3A_45 = tpu.matmul %broadcast_in_dim3A_35, %get3A_13, %dot_general3A_44 {dimension_numbers = #tpu.dot_dimension_numbers<[1], [0], [0], [1], [0, 0, 1, 1], [], []>, transpose_lhs_hint = false} : vector<512x16xf32>, vector<16x16xf32>, vector<512x16xf32> -> vector<512x16xf32>
    %add3A = arith.addf %dot_general3A_43, %dot_general3A_45 : vector<512x16xf32>
    %add3A_46 = vector.broadcast %get3A_25 : vector<1x16xf32> to vector<512x16xf32>
    %add3A_47 = arith.addf %add3A, %add3A_46 : vector<512x16xf32>
    %dot_general3A_48 = arith.constant dense<0.000000e+00> : vector<512x16xf32>
    %dot_general3A_49 = tpu.matmul %get3A_42, %get3A_4, %dot_general3A_48 {dimension_numbers = #tpu.dot_dimension_numbers<[1], [0], [0], [1], [0, 0, 1, 1], [], []>, transpose_lhs_hint = false} : vector<512x64xf32>, vector<64x16xf32>, vector<512x16xf32> -> vector<512x16xf32>
    %dot_general3A_50 = arith.constant dense<0.000000e+00> : vector<512x16xf32>
    %dot_general3A_51 = tpu.matmul %broadcast_in_dim3A_35, %get3A_16, %dot_general3A_50 {dimension_numbers = #tpu.dot_dimension_numbers<[1], [0], [0], [1], [0, 0, 1, 1], [], []>, transpose_lhs_hint = false} : vector<512x16xf32>, vector<16x16xf32>, vector<512x16xf32> -> vector<512x16xf32>
    %add3A_52 = arith.addf %dot_general3A_49, %dot_general3A_51 : vector<512x16xf32>
    %add3A_53 = vector.broadcast %get3A_28 : vector<1x16xf32> to vector<512x16xf32>
    %add3A_54 = arith.addf %add3A_52, %add3A_53 : vector<512x16xf32>
    %dot_general3A_55 = arith.constant dense<0.000000e+00> : vector<512x16xf32>
    %dot_general3A_56 = tpu.matmul %get3A_42, %get3A_7, %dot_general3A_55 {dimension_numbers = #tpu.dot_dimension_numbers<[1], [0], [0], [1], [0, 0, 1, 1], [], []>, transpose_lhs_hint = false} : vector<512x64xf32>, vector<64x16xf32>, vector<512x16xf32> -> vector<512x16xf32>
    %dot_general3A_57 = arith.constant dense<0.000000e+00> : vector<512x16xf32>
    %dot_general3A_58 = tpu.matmul %broadcast_in_dim3A_35, %get3A_19, %dot_general3A_57 {dimension_numbers = #tpu.dot_dimension_numbers<[1], [0], [0], [1], [0, 0, 1, 1], [], []>, transpose_lhs_hint = false} : vector<512x16xf32>, vector<16x16xf32>, vector<512x16xf32> -> vector<512x16xf32>
    %add3A_59 = arith.addf %dot_general3A_56, %dot_general3A_58 : vector<512x16xf32>
    %add3A_60 = vector.broadcast %get3A_31 : vector<1x16xf32> to vector<512x16xf32>
    %add3A_61 = arith.addf %add3A_59, %add3A_60 : vector<512x16xf32>
    %dot_general3A_62 = arith.constant dense<0.000000e+00> : vector<512x16xf32>
    %dot_general3A_63 = tpu.matmul %get3A_42, %get3A_10, %dot_general3A_62 {dimension_numbers = #tpu.dot_dimension_numbers<[1], [0], [0], [1], [0, 0, 1, 1], [], []>, transpose_lhs_hint = false} : vector<512x64xf32>, vector<64x16xf32>, vector<512x16xf32> -> vector<512x16xf32>
    %dot_general3A_64 = arith.constant dense<0.000000e+00> : vector<512x16xf32>
    %dot_general3A_65 = tpu.matmul %broadcast_in_dim3A_35, %get3A_22, %dot_general3A_64 {dimension_numbers = #tpu.dot_dimension_numbers<[1], [0], [0], [1], [0, 0, 1, 1], [], []>, transpose_lhs_hint = false} : vector<512x16xf32>, vector<16x16xf32>, vector<512x16xf32> -> vector<512x16xf32>
    %add3A_66 = arith.addf %dot_general3A_63, %dot_general3A_65 : vector<512x16xf32>
    %add3A_67 = vector.broadcast %get3A_34 : vector<1x16xf32> to vector<512x16xf32>
    %add3A_68 = arith.addf %add3A_66, %add3A_67 : vector<512x16xf32>
    %logistic3A = arith.negf %add3A_47 : vector<512x16xf32>
    %logistic3A_69 = math.exp %logistic3A : vector<512x16xf32>
    %logistic3A_70 = arith.constant 1.000000e+00 : f32
    %logistic3A_71 = vector.broadcast %logistic3A_70 : f32 to vector<512x16xf32>
    %logistic3A_72 = arith.addf %logistic3A_71, %logistic3A_69 : vector<512x16xf32>
    %logistic3A_73 = arith.divf %logistic3A_71, %logistic3A_72 : vector<512x16xf32>
    %logistic3A_74 = arith.negf %add3A_54 : vector<512x16xf32>
    %logistic3A_75 = math.exp %logistic3A_74 : vector<512x16xf32>
    %logistic3A_76 = arith.constant 1.000000e+00 : f32
    %logistic3A_77 = vector.broadcast %logistic3A_76 : f32 to vector<512x16xf32>
    %logistic3A_78 = arith.addf %logistic3A_77, %logistic3A_75 : vector<512x16xf32>
    %logistic3A_79 = arith.divf %logistic3A_77, %logistic3A_78 : vector<512x16xf32>
    %tanh3A = math.tanh %add3A_61 : vector<512x16xf32>
    %logistic3A_80 = arith.negf %add3A_68 : vector<512x16xf32>
    %logistic3A_81 = math.exp %logistic3A_80 : vector<512x16xf32>
    %logistic3A_82 = arith.constant 1.000000e+00 : f32
    %logistic3A_83 = vector.broadcast %logistic3A_82 : f32 to vector<512x16xf32>
    %logistic3A_84 = arith.addf %logistic3A_83, %logistic3A_81 : vector<512x16xf32>
    %logistic3A_85 = arith.divf %logistic3A_83, %logistic3A_84 : vector<512x16xf32>
    %mul3A = arith.mulf %logistic3A_79, %broadcast_in_dim3A_37 : vector<512x16xf32>
    %mul3A_86 = arith.mulf %logistic3A_73, %tanh3A : vector<512x16xf32>
    %add3A_87 = arith.addf %mul3A, %mul3A_86 : vector<512x16xf32>
    %tanh3A_88 = math.tanh %add3A_87 : vector<512x16xf32>
    %mul3A_89 = arith.mulf %logistic3A_85, %tanh3A_88 : vector<512x16xf32>
    %get3A_90 = arith.constant 1 : index
    %get3A_91 = arith.constant 0 : index
    %get3A_92 = arith.constant 0 : index
    %get3A_93 = vector.load %arg1[%get3A_90, %get3A_91, %get3A_92] : memref<24x512x64xf32, #tpu.memory_space<vmem>>, vector<1x512x64xf32>
    %get3A_94 = vector.shape_cast %get3A_93 : vector<1x512x64xf32> to vector<512x64xf32>
    %dot_general3A_95 = arith.constant dense<0.000000e+00> : vector<512x16xf32>
    %dot_general3A_96 = tpu.matmul %get3A_94, %get3A_1, %dot_general3A_95 {dimension_numbers = #tpu.dot_dimension_numbers<[1], [0], [0], [1], [0, 0, 1, 1], [], []>, transpose_lhs_hint = false} : vector<512x64xf32>, vector<64x16xf32>, vector<512x16xf32> -> vector<512x16xf32>
    %dot_general3A_97 = arith.constant dense<0.000000e+00> : vector<512x16xf32>
    %dot_general3A_98 = tpu.matmul %mul3A_89, %get3A_13, %dot_general3A_97 {dimension_numbers = #tpu.dot_dimension_numbers<[1], [0], [0], [1], [0, 0, 1, 1], [], []>, transpose_lhs_hint = false} : vector<512x16xf32>, vector<16x16xf32>, vector<512x16xf32> -> vector<512x16xf32>
    %add3A_99 = arith.addf %dot_general3A_96, %dot_general3A_98 : vector<512x16xf32>
    %add3A_100 = vector.broadcast %get3A_25 : vector<1x16xf32> to vector<512x16xf32>
    %add3A_101 = arith.addf %add3A_99, %add3A_100 : vector<512x16xf32>
    %dot_general3A_102 = arith.constant dense<0.000000e+00> : vector<512x16xf32>
    %dot_general3A_103 = tpu.matmul %get3A_94, %get3A_4, %dot_general3A_102 {dimension_numbers = #tpu.dot_dimension_numbers<[1], [0], [0], [1], [0, 0, 1, 1], [], []>, transpose_lhs_hint = false} : vector<512x64xf32>, vector<64x16xf32>, vector<512x16xf32> -> vector<512x16xf32>
    %dot_general3A_104 = arith.constant dense<0.000000e+00> : vector<512x16xf32>
    %dot_general3A_105 = tpu.matmul %mul3A_89, %get3A_16, %dot_general3A_104 {dimension_numbers = #tpu.dot_dimension_numbers<[1], [0], [0], [1], [0, 0, 1, 1], [], []>, transpose_lhs_hint = false} : vector<512x16xf32>, vector<16x16xf32>, vector<512x16xf32> -> vector<512x16xf32>
    %add3A_106 = arith.addf %dot_general3A_103, %dot_general3A_105 : vector<512x16xf32>
    %add3A_107 = vector.broadcast %get3A_28 : vector<1x16xf32> to vector<512x16xf32>
    %add3A_108 = arith.addf %add3A_106, %add3A_107 : vector<512x16xf32>
    %dot_general3A_109 = arith.constant dense<0.000000e+00> : vector<512x16xf32>
    %dot_general3A_110 = tpu.matmul %get3A_94, %get3A_7, %dot_general3A_109 {dimension_numbers = #tpu.dot_dimension_numbers<[1], [0], [0], [1], [0, 0, 1, 1], [], []>, transpose_lhs_hint = false} : vector<512x64xf32>, vector<64x16xf32>, vector<512x16xf32> -> vector<512x16xf32>
    %dot_general3A_111 = arith.constant dense<0.000000e+00> : vector<512x16xf32>
    %dot_general3A_112 = tpu.matmul %mul3A_89, %get3A_19, %dot_general3A_111 {dimension_numbers = #tpu.dot_dimension_numbers<[1], [0], [0], [1], [0, 0, 1, 1], [], []>, transpose_lhs_hint = false} : vector<512x16xf32>, vector<16x16xf32>, vector<512x16xf32> -> vector<512x16xf32>
    %add3A_113 = arith.addf %dot_general3A_110, %dot_general3A_112 : vector<512x16xf32>
    %add3A_114 = vector.broadcast %get3A_31 : vector<1x16xf32> to vector<512x16xf32>
    %add3A_115 = arith.addf %add3A_113, %add3A_114 : vector<512x16xf32>
    %dot_general3A_116 = arith.constant dense<0.000000e+00> : vector<512x16xf32>
    %dot_general3A_117 = tpu.matmul %get3A_94, %get3A_10, %dot_general3A_116 {dimension_numbers = #tpu.dot_dimension_numbers<[1], [0], [0], [1], [0, 0, 1, 1], [], []>, transpose_lhs_hint = false} : vector<512x64xf32>, vector<64x16xf32>, vector<512x16xf32> -> vector<512x16xf32>
    %dot_general3A_118 = arith.constant dense<0.000000e+00> : vector<512x16xf32>
    %dot_general3A_119 = tpu.matmul %mul3A_89, %get3A_22, %dot_general3A_118 {dimension_numbers = #tpu.dot_dimension_numbers<[1], [0], [0], [1], [0, 0, 1, 1], [], []>, transpose_lhs_hint = false} : vector<512x16xf32>, vector<16x16xf32>, vector<512x16xf32> -> vector<512x16xf32>
    %add3A_120 = arith.addf %dot_general3A_117, %dot_general3A_119 : vector<512x16xf32>
    %add3A_121 = vector.broadcast %get3A_34 : vector<1x16xf32> to vector<512x16xf32>
    %add3A_122 = arith.addf %add3A_120, %add3A_121 : vector<512x16xf32>
    %logistic3A_123 = arith.negf %add3A_101 : vector<512x16xf32>
    %logistic3A_124 = math.exp %logistic3A_123 : vector<512x16xf32>
    %logistic3A_125 = arith.constant 1.000000e+00 : f32
    %logistic3A_126 = vector.broadcast %logistic3A_125 : f32 to vector<512x16xf32>
    %logistic3A_127 = arith.addf %logistic3A_126, %logistic3A_124 : vector<512x16xf32>
    %logistic3A_128 = arith.divf %logistic3A_126, %logistic3A_127 : vector<512x16xf32>
    %logistic3A_129 = arith.negf %add3A_108 : vector<512x16xf32>
    %logistic3A_130 = math.exp %logistic3A_129 : vector<512x16xf32>
    %logistic3A_131 = arith.constant 1.000000e+00 : f32
    %logistic3A_132 = vector.broadcast %logistic3A_131 : f32 to vector<512x16xf32>
    %logistic3A_133 = arith.addf %logistic3A_132, %logistic3A_130 : vector<512x16xf32>
    %logistic3A_134 = arith.divf %logistic3A_132, %logistic3A_133 : vector<512x16xf32>
    %tanh3A_135 = math.tanh %add3A_115 : vector<512x16xf32>
    %logistic3A_136 = arith.negf %add3A_122 : vector<512x16xf32>
    %logistic3A_137 = math.exp %logistic3A_136 : vector<512x16xf32>
    %logistic3A_138 = arith.constant 1.000000e+00 : f32
    %logistic3A_139 = vector.broadcast %logistic3A_138 : f32 to vector<512x16xf32>
    %logistic3A_140 = arith.addf %logistic3A_139, %logistic3A_137 : vector<512x16xf32>
    %logistic3A_141 = arith.divf %logistic3A_139, %logistic3A_140 : vector<512x16xf32>
    %mul3A_142 = arith.mulf %logistic3A_134, %add3A_87 : vector<512x16xf32>
    %mul3A_143 = arith.mulf %logistic3A_128, %tanh3A_135 : vector<512x16xf32>
    %add3A_144 = arith.addf %mul3A_142, %mul3A_143 : vector<512x16xf32>
    %tanh3A_145 = math.tanh %add3A_144 : vector<512x16xf32>
    %mul3A_146 = arith.mulf %logistic3A_141, %tanh3A_145 : vector<512x16xf32>
    %get3A_147 = arith.constant 2 : index
    %get3A_148 = arith.constant 0 : index
    %get3A_149 = arith.constant 0 : index
    %get3A_150 = vector.load %arg1[%get3A_147, %get3A_148, %get3A_149] : memref<24x512x64xf32, #tpu.memory_space<vmem>>, vector<1x512x64xf32>
    %get3A_151 = vector.shape_cast %get3A_150 : vector<1x512x64xf32> to vector<512x64xf32>
    %dot_general3A_152 = arith.constant dense<0.000000e+00> : vector<512x16xf32>
    %dot_general3A_153 = tpu.matmul %get3A_151, %get3A_1, %dot_general3A_152 {dimension_numbers = #tpu.dot_dimension_numbers<[1], [0], [0], [1], [0, 0, 1, 1], [], []>, transpose_lhs_hint = false} : vector<512x64xf32>, vector<64x16xf32>, vector<512x16xf32> -> vector<512x16xf32>
    %dot_general3A_154 = arith.constant dense<0.000000e+00> : vector<512x16xf32>
    %dot_general3A_155 = tpu.matmul %mul3A_146, %get3A_13, %dot_general3A_154 {dimension_numbers = #tpu.dot_dimension_numbers<[1], [0], [0], [1], [0, 0, 1, 1], [], []>, transpose_lhs_hint = false} : vector<512x16xf32>, vector<16x16xf32>, vector<512x16xf32> -> vector<512x16xf32>
    %add3A_156 = arith.addf %dot_general3A_153, %dot_general3A_155 : vector<512x16xf32>
    %add3A_157 = vector.broadcast %get3A_25 : vector<1x16xf32> to vector<512x16xf32>
    %add3A_158 = arith.addf %add3A_156, %add3A_157 : vector<512x16xf32>
    %dot_general3A_159 = arith.constant dense<0.000000e+00> : vector<512x16xf32>
    %dot_general3A_160 = tpu.matmul %get3A_151, %get3A_4, %dot_general3A_159 {dimension_numbers = #tpu.dot_dimension_numbers<[1], [0], [0], [1], [0, 0, 1, 1], [], []>, transpose_lhs_hint = false} : vector<512x64xf32>, vector<64x16xf32>, vector<512x16xf32> -> vector<512x16xf32>
    %dot_general3A_161 = arith.constant dense<0.000000e+00> : vector<512x16xf32>
    %dot_general3A_162 = tpu.matmul %mul3A_146, %get3A_16, %dot_general3A_161 {dimension_numbers = #tpu.dot_dimension_numbers<[1], [0], [0], [1], [0, 0, 1, 1], [], []>, transpose_lhs_hint = false} : vector<512x16xf32>, vector<16x16xf32>, vector<512x16xf32> -> vector<512x16xf32>
    %add3A_163 = arith.addf %dot_general3A_160, %dot_general3A_162 : vector<512x16xf32>
    %add3A_164 = vector.broadcast %get3A_28 : vector<1x16xf32> to vector<512x16xf32>
    %add3A_165 = arith.addf %add3A_163, %add3A_164 : vector<512x16xf32>
    %dot_general3A_166 = arith.constant dense<0.000000e+00> : vector<512x16xf32>
    %dot_general3A_167 = tpu.matmul %get3A_151, %get3A_7, %dot_general3A_166 {dimension_numbers = #tpu.dot_dimension_numbers<[1], [0], [0], [1], [0, 0, 1, 1], [], []>, transpose_lhs_hint = false} : vector<512x64xf32>, vector<64x16xf32>, vector<512x16xf32> -> vector<512x16xf32>
    %dot_general3A_168 = arith.constant dense<0.000000e+00> : vector<512x16xf32>
    %dot_general3A_169 = tpu.matmul %mul3A_146, %get3A_19, %dot_general3A_168 {dimension_numbers = #tpu.dot_dimension_numbers<[1], [0], [0], [1], [0, 0, 1, 1], [], []>, transpose_lhs_hint = false} : vector<512x16xf32>, vector<16x16xf32>, vector<512x16xf32> -> vector<512x16xf32>
    %add3A_170 = arith.addf %dot_general3A_167, %dot_general3A_169 : vector<512x16xf32>
    %add3A_171 = vector.broadcast %get3A_31 : vector<1x16xf32> to vector<512x16xf32>
    %add3A_172 = arith.addf %add3A_170, %add3A_171 : vector<512x16xf32>
    %dot_general3A_173 = arith.constant dense<0.000000e+00> : vector<512x16xf32>
    %dot_general3A_174 = tpu.matmul %get3A_151, %get3A_10, %dot_general3A_173 {dimension_numbers = #tpu.dot_dimension_numbers<[1], [0], [0], [1], [0, 0, 1, 1], [], []>, transpose_lhs_hint = false} : vector<512x64xf32>, vector<64x16xf32>, vector<512x16xf32> -> vector<512x16xf32>
    %dot_general3A_175 = arith.constant dense<0.000000e+00> : vector<512x16xf32>
    %dot_general3A_176 = tpu.matmul %mul3A_146, %get3A_22, %dot_general3A_175 {dimension_numbers = #tpu.dot_dimension_numbers<[1], [0], [0], [1], [0, 0, 1, 1], [], []>, transpose_lhs_hint = false} : vector<512x16xf32>, vector<16x16xf32>, vector<512x16xf32> -> vector<512x16xf32>
    %add3A_177 = arith.addf %dot_general3A_174, %dot_general3A_176 : vector<512x16xf32>
    %add3A_178 = vector.broadcast %get3A_34 : vector<1x16xf32> to vector<512x16xf32>
    %add3A_179 = arith.addf %add3A_177, %add3A_178 : vector<512x16xf32>
    %logistic3A_180 = arith.negf %add3A_158 : vector<512x16xf32>
    %logistic3A_181 = math.exp %logistic3A_180 : vector<512x16xf32>
    %logistic3A_182 = arith.constant 1.000000e+00 : f32
    %logistic3A_183 = vector.broadcast %logistic3A_182 : f32 to vector<512x16xf32>
    %logistic3A_184 = arith.addf %logistic3A_183, %logistic3A_181 : vector<512x16xf32>
    %logistic3A_185 = arith.divf %logistic3A_183, %logistic3A_184 : vector<512x16xf32>
    %logistic3A_186 = arith.negf %add3A_165 : vector<512x16xf32>
    %logistic3A_187 = math.exp %logistic3A_186 : vector<512x16xf32>
    %logistic3A_188 = arith.constant 1.000000e+00 : f32
    %logistic3A_189 = vector.broadcast %logistic3A_188 : f32 to vector<512x16xf32>
    %logistic3A_190 = arith.addf %logistic3A_189, %logistic3A_187 : vector<512x16xf32>
    %logistic3A_191 = arith.divf %logistic3A_189, %logistic3A_190 : vector<512x16xf32>
    %tanh3A_192 = math.tanh %add3A_172 : vector<512x16xf32>
    %logistic3A_193 = arith.negf %add3A_179 : vector<512x16xf32>
    %logistic3A_194 = math.exp %logistic3A_193 : vector<512x16xf32>
    %logistic3A_195 = arith.constant 1.000000e+00 : f32
    %logistic3A_196 = vector.broadcast %logistic3A_195 : f32 to vector<512x16xf32>
    %logistic3A_197 = arith.addf %logistic3A_196, %logistic3A_194 : vector<512x16xf32>
    %logistic3A_198 = arith.divf %logistic3A_196, %logistic3A_197 : vector<512x16xf32>
    %mul3A_199 = arith.mulf %logistic3A_191, %add3A_144 : vector<512x16xf32>
    %mul3A_200 = arith.mulf %logistic3A_185, %tanh3A_192 : vector<512x16xf32>
    %add3A_201 = arith.addf %mul3A_199, %mul3A_200 : vector<512x16xf32>
    %tanh3A_202 = math.tanh %add3A_201 : vector<512x16xf32>
    %mul3A_203 = arith.mulf %logistic3A_198, %tanh3A_202 : vector<512x16xf32>
    %get3A_204 = arith.constant 3 : index
    %get3A_205 = arith.constant 0 : index
    %get3A_206 = arith.constant 0 : index
    %get3A_207 = vector.load %arg1[%get3A_204, %get3A_205, %get3A_206] : memref<24x512x64xf32, #tpu.memory_space<vmem>>, vector<1x512x64xf32>
    %get3A_208 = vector.shape_cast %get3A_207 : vector<1x512x64xf32> to vector<512x64xf32>
    %dot_general3A_209 = arith.constant dense<0.000000e+00> : vector<512x16xf32>
    %dot_general3A_210 = tpu.matmul %get3A_208, %get3A_1, %dot_general3A_209 {dimension_numbers = #tpu.dot_dimension_numbers<[1], [0], [0], [1], [0, 0, 1, 1], [], []>, transpose_lhs_hint = false} : vector<512x64xf32>, vector<64x16xf32>, vector<512x16xf32> -> vector<512x16xf32>
    %dot_general3A_211 = arith.constant dense<0.000000e+00> : vector<512x16xf32>
    %dot_general3A_212 = tpu.matmul %mul3A_203, %get3A_13, %dot_general3A_211 {dimension_numbers = #tpu.dot_dimension_numbers<[1], [0], [0], [1], [0, 0, 1, 1], [], []>, transpose_lhs_hint = false} : vector<512x16xf32>, vector<16x16xf32>, vector<512x16xf32> -> vector<512x16xf32>
    %add3A_213 = arith.addf %dot_general3A_210, %dot_general3A_212 : vector<512x16xf32>
    %add3A_214 = vector.broadcast %get3A_25 : vector<1x16xf32> to vector<512x16xf32>
    %add3A_215 = arith.addf %add3A_213, %add3A_214 : vector<512x16xf32>
    %dot_general3A_216 = arith.constant dense<0.000000e+00> : vector<512x16xf32>
    %dot_general3A_217 = tpu.matmul %get3A_208, %get3A_4, %dot_general3A_216 {dimension_numbers = #tpu.dot_dimension_numbers<[1], [0], [0], [1], [0, 0, 1, 1], [], []>, transpose_lhs_hint = false} : vector<512x64xf32>, vector<64x16xf32>, vector<512x16xf32> -> vector<512x16xf32>
    %dot_general3A_218 = arith.constant dense<0.000000e+00> : vector<512x16xf32>
    %dot_general3A_219 = tpu.matmul %mul3A_203, %get3A_16, %dot_general3A_218 {dimension_numbers = #tpu.dot_dimension_numbers<[1], [0], [0], [1], [0, 0, 1, 1], [], []>, transpose_lhs_hint = false} : vector<512x16xf32>, vector<16x16xf32>, vector<512x16xf32> -> vector<512x16xf32>
    %add3A_220 = arith.addf %dot_general3A_217, %dot_general3A_219 : vector<512x16xf32>
    %add3A_221 = vector.broadcast %get3A_28 : vector<1x16xf32> to vector<512x16xf32>
    %add3A_222 = arith.addf %add3A_220, %add3A_221 : vector<512x16xf32>
    %dot_general3A_223 = arith.constant dense<0.000000e+00> : vector<512x16xf32>
    %dot_general3A_224 = tpu.matmul %get3A_208, %get3A_7, %dot_general3A_223 {dimension_numbers = #tpu.dot_dimension_numbers<[1], [0], [0], [1], [0, 0, 1, 1], [], []>, transpose_lhs_hint = false} : vector<512x64xf32>, vector<64x16xf32>, vector<512x16xf32> -> vector<512x16xf32>
    %dot_general3A_225 = arith.constant dense<0.000000e+00> : vector<512x16xf32>
    %dot_general3A_226 = tpu.matmul %mul3A_203, %get3A_19, %dot_general3A_225 {dimension_numbers = #tpu.dot_dimension_numbers<[1], [0], [0], [1], [0, 0, 1, 1], [], []>, transpose_lhs_hint = false} : vector<512x16xf32>, vector<16x16xf32>, vector<512x16xf32> -> vector<512x16xf32>
    %add3A_227 = arith.addf %dot_general3A_224, %dot_general3A_226 : vector<512x16xf32>
    %add3A_228 = vector.broadcast %get3A_31 : vector<1x16xf32> to vector<512x16xf32>
    %add3A_229 = arith.addf %add3A_227, %add3A_228 : vector<512x16xf32>
    %dot_general3A_230 = arith.constant dense<0.000000e+00> : vector<512x16xf32>
    %dot_general3A_231 = tpu.matmul %get3A_208, %get3A_10, %dot_general3A_230 {dimension_numbers = #tpu.dot_dimension_numbers<[1], [0], [0], [1], [0, 0, 1, 1], [], []>, transpose_lhs_hint = false} : vector<512x64xf32>, vector<64x16xf32>, vector<512x16xf32> -> vector<512x16xf32>
    %dot_general3A_232 = arith.constant dense<0.000000e+00> : vector<512x16xf32>
    %dot_general3A_233 = tpu.matmul %mul3A_203, %get3A_22, %dot_general3A_232 {dimension_numbers = #tpu.dot_dimension_numbers<[1], [0], [0], [1], [0, 0, 1, 1], [], []>, transpose_lhs_hint = false} : vector<512x16xf32>, vector<16x16xf32>, vector<512x16xf32> -> vector<512x16xf32>
    %add3A_234 = arith.addf %dot_general3A_231, %dot_general3A_233 : vector<512x16xf32>
    %add3A_235 = vector.broadcast %get3A_34 : vector<1x16xf32> to vector<512x16xf32>
    %add3A_236 = arith.addf %add3A_234, %add3A_235 : vector<512x16xf32>
    %logistic3A_237 = arith.negf %add3A_215 : vector<512x16xf32>
    %logistic3A_238 = math.exp %logistic3A_237 : vector<512x16xf32>
    %logistic3A_239 = arith.constant 1.000000e+00 : f32
    %logistic3A_240 = vector.broadcast %logistic3A_239 : f32 to vector<512x16xf32>
    %logistic3A_241 = arith.addf %logistic3A_240, %logistic3A_238 : vector<512x16xf32>
    %logistic3A_242 = arith.divf %logistic3A_240, %logistic3A_241 : vector<512x16xf32>
    %logistic3A_243 = arith.negf %add3A_222 : vector<512x16xf32>
    %logistic3A_244 = math.exp %logistic3A_243 : vector<512x16xf32>
    %logistic3A_245 = arith.constant 1.000000e+00 : f32
    %logistic3A_246 = vector.broadcast %logistic3A_245 : f32 to vector<512x16xf32>
    %logistic3A_247 = arith.addf %logistic3A_246, %logistic3A_244 : vector<512x16xf32>
    %logistic3A_248 = arith.divf %logistic3A_246, %logistic3A_247 : vector<512x16xf32>
    %tanh3A_249 = math.tanh %add3A_229 : vector<512x16xf32>
    %logistic3A_250 = arith.negf %add3A_236 : vector<512x16xf32>
    %logistic3A_251 = math.exp %logistic3A_250 : vector<512x16xf32>
    %logistic3A_252 = arith.constant 1.000000e+00 : f32
    %logistic3A_253 = vector.broadcast %logistic3A_252 : f32 to vector<512x16xf32>
    %logistic3A_254 = arith.addf %logistic3A_253, %logistic3A_251 : vector<512x16xf32>
    %logistic3A_255 = arith.divf %logistic3A_253, %logistic3A_254 : vector<512x16xf32>
    %mul3A_256 = arith.mulf %logistic3A_248, %add3A_201 : vector<512x16xf32>
    %mul3A_257 = arith.mulf %logistic3A_242, %tanh3A_249 : vector<512x16xf32>
    %add3A_258 = arith.addf %mul3A_256, %mul3A_257 : vector<512x16xf32>
    %tanh3A_259 = math.tanh %add3A_258 : vector<512x16xf32>
    %mul3A_260 = arith.mulf %logistic3A_255, %tanh3A_259 : vector<512x16xf32>
    %get3A_261 = arith.constant 4 : index
    %get3A_262 = arith.constant 0 : index
    %get3A_263 = arith.constant 0 : index
    %get3A_264 = vector.load %arg1[%get3A_261, %get3A_262, %get3A_263] : memref<24x512x64xf32, #tpu.memory_space<vmem>>, vector<1x512x64xf32>
    %get3A_265 = vector.shape_cast %get3A_264 : vector<1x512x64xf32> to vector<512x64xf32>
    %dot_general3A_266 = arith.constant dense<0.000000e+00> : vector<512x16xf32>
    %dot_general3A_267 = tpu.matmul %get3A_265, %get3A_1, %dot_general3A_266 {dimension_numbers = #tpu.dot_dimension_numbers<[1], [0], [0], [1], [0, 0, 1, 1], [], []>, transpose_lhs_hint = false} : vector<512x64xf32>, vector<64x16xf32>, vector<512x16xf32> -> vector<512x16xf32>
    %dot_general3A_268 = arith.constant dense<0.000000e+00> : vector<512x16xf32>
    %dot_general3A_269 = tpu.matmul %mul3A_260, %get3A_13, %dot_general3A_268 {dimension_numbers = #tpu.dot_dimension_numbers<[1], [0], [0], [1], [0, 0, 1, 1], [], []>, transpose_lhs_hint = false} : vector<512x16xf32>, vector<16x16xf32>, vector<512x16xf32> -> vector<512x16xf32>
    %add3A_270 = arith.addf %dot_general3A_267, %dot_general3A_269 : vector<512x16xf32>
    %add3A_271 = vector.broadcast %get3A_25 : vector<1x16xf32> to vector<512x16xf32>
    %add3A_272 = arith.addf %add3A_270, %add3A_271 : vector<512x16xf32>
    %dot_general3A_273 = arith.constant dense<0.000000e+00> : vector<512x16xf32>
    %dot_general3A_274 = tpu.matmul %get3A_265, %get3A_4, %dot_general3A_273 {dimension_numbers = #tpu.dot_dimension_numbers<[1], [0], [0], [1], [0, 0, 1, 1], [], []>, transpose_lhs_hint = false} : vector<512x64xf32>, vector<64x16xf32>, vector<512x16xf32> -> vector<512x16xf32>
    %dot_general3A_275 = arith.constant dense<0.000000e+00> : vector<512x16xf32>
    %dot_general3A_276 = tpu.matmul %mul3A_260, %get3A_16, %dot_general3A_275 {dimension_numbers = #tpu.dot_dimension_numbers<[1], [0], [0], [1], [0, 0, 1, 1], [], []>, transpose_lhs_hint = false} : vector<512x16xf32>, vector<16x16xf32>, vector<512x16xf32> -> vector<512x16xf32>
    %add3A_277 = arith.addf %dot_general3A_274, %dot_general3A_276 : vector<512x16xf32>
    %add3A_278 = vector.broadcast %get3A_28 : vector<1x16xf32> to vector<512x16xf32>
    %add3A_279 = arith.addf %add3A_277, %add3A_278 : vector<512x16xf32>
    %dot_general3A_280 = arith.constant dense<0.000000e+00> : vector<512x16xf32>
    %dot_general3A_281 = tpu.matmul %get3A_265, %get3A_7, %dot_general3A_280 {dimension_numbers = #tpu.dot_dimension_numbers<[1], [0], [0], [1], [0, 0, 1, 1], [], []>, transpose_lhs_hint = false} : vector<512x64xf32>, vector<64x16xf32>, vector<512x16xf32> -> vector<512x16xf32>
    %dot_general3A_282 = arith.constant dense<0.000000e+00> : vector<512x16xf32>
    %dot_general3A_283 = tpu.matmul %mul3A_260, %get3A_19, %dot_general3A_282 {dimension_numbers = #tpu.dot_dimension_numbers<[1], [0], [0], [1], [0, 0, 1, 1], [], []>, transpose_lhs_hint = false} : vector<512x16xf32>, vector<16x16xf32>, vector<512x16xf32> -> vector<512x16xf32>
    %add3A_284 = arith.addf %dot_general3A_281, %dot_general3A_283 : vector<512x16xf32>
    %add3A_285 = vector.broadcast %get3A_31 : vector<1x16xf32> to vector<512x16xf32>
    %add3A_286 = arith.addf %add3A_284, %add3A_285 : vector<512x16xf32>
    %dot_general3A_287 = arith.constant dense<0.000000e+00> : vector<512x16xf32>
    %dot_general3A_288 = tpu.matmul %get3A_265, %get3A_10, %dot_general3A_287 {dimension_numbers = #tpu.dot_dimension_numbers<[1], [0], [0], [1], [0, 0, 1, 1], [], []>, transpose_lhs_hint = false} : vector<512x64xf32>, vector<64x16xf32>, vector<512x16xf32> -> vector<512x16xf32>
    %dot_general3A_289 = arith.constant dense<0.000000e+00> : vector<512x16xf32>
    %dot_general3A_290 = tpu.matmul %mul3A_260, %get3A_22, %dot_general3A_289 {dimension_numbers = #tpu.dot_dimension_numbers<[1], [0], [0], [1], [0, 0, 1, 1], [], []>, transpose_lhs_hint = false} : vector<512x16xf32>, vector<16x16xf32>, vector<512x16xf32> -> vector<512x16xf32>
    %add3A_291 = arith.addf %dot_general3A_288, %dot_general3A_290 : vector<512x16xf32>
    %add3A_292 = vector.broadcast %get3A_34 : vector<1x16xf32> to vector<512x16xf32>
    %add3A_293 = arith.addf %add3A_291, %add3A_292 : vector<512x16xf32>
    %logistic3A_294 = arith.negf %add3A_272 : vector<512x16xf32>
    %logistic3A_295 = math.exp %logistic3A_294 : vector<512x16xf32>
    %logistic3A_296 = arith.constant 1.000000e+00 : f32
    %logistic3A_297 = vector.broadcast %logistic3A_296 : f32 to vector<512x16xf32>
    %logistic3A_298 = arith.addf %logistic3A_297, %logistic3A_295 : vector<512x16xf32>
    %logistic3A_299 = arith.divf %logistic3A_297, %logistic3A_298 : vector<512x16xf32>
    %logistic3A_300 = arith.negf %add3A_279 : vector<512x16xf32>
    %logistic3A_301 = math.exp %logistic3A_300 : vector<512x16xf32>
    %logistic3A_302 = arith.constant 1.000000e+00 : f32
    %logistic3A_303 = vector.broadcast %logistic3A_302 : f32 to vector<512x16xf32>
    %logistic3A_304 = arith.addf %logistic3A_303, %logistic3A_301 : vector<512x16xf32>
    %logistic3A_305 = arith.divf %logistic3A_303, %logistic3A_304 : vector<512x16xf32>
    %tanh3A_306 = math.tanh %add3A_286 : vector<512x16xf32>
    %logistic3A_307 = arith.negf %add3A_293 : vector<512x16xf32>
    %logistic3A_308 = math.exp %logistic3A_307 : vector<512x16xf32>
    %logistic3A_309 = arith.constant 1.000000e+00 : f32
    %logistic3A_310 = vector.broadcast %logistic3A_309 : f32 to vector<512x16xf32>
    %logistic3A_311 = arith.addf %logistic3A_310, %logistic3A_308 : vector<512x16xf32>
    %logistic3A_312 = arith.divf %logistic3A_310, %logistic3A_311 : vector<512x16xf32>
    %mul3A_313 = arith.mulf %logistic3A_305, %add3A_258 : vector<512x16xf32>
    %mul3A_314 = arith.mulf %logistic3A_299, %tanh3A_306 : vector<512x16xf32>
    %add3A_315 = arith.addf %mul3A_313, %mul3A_314 : vector<512x16xf32>
    %tanh3A_316 = math.tanh %add3A_315 : vector<512x16xf32>
    %mul3A_317 = arith.mulf %logistic3A_312, %tanh3A_316 : vector<512x16xf32>
    %get3A_318 = arith.constant 5 : index
    %get3A_319 = arith.constant 0 : index
    %get3A_320 = arith.constant 0 : index
    %get3A_321 = vector.load %arg1[%get3A_318, %get3A_319, %get3A_320] : memref<24x512x64xf32, #tpu.memory_space<vmem>>, vector<1x512x64xf32>
    %get3A_322 = vector.shape_cast %get3A_321 : vector<1x512x64xf32> to vector<512x64xf32>
    %dot_general3A_323 = arith.constant dense<0.000000e+00> : vector<512x16xf32>
    %dot_general3A_324 = tpu.matmul %get3A_322, %get3A_1, %dot_general3A_323 {dimension_numbers = #tpu.dot_dimension_numbers<[1], [0], [0], [1], [0, 0, 1, 1], [], []>, transpose_lhs_hint = false} : vector<512x64xf32>, vector<64x16xf32>, vector<512x16xf32> -> vector<512x16xf32>
    %dot_general3A_325 = arith.constant dense<0.000000e+00> : vector<512x16xf32>
    %dot_general3A_326 = tpu.matmul %mul3A_317, %get3A_13, %dot_general3A_325 {dimension_numbers = #tpu.dot_dimension_numbers<[1], [0], [0], [1], [0, 0, 1, 1], [], []>, transpose_lhs_hint = false} : vector<512x16xf32>, vector<16x16xf32>, vector<512x16xf32> -> vector<512x16xf32>
    %add3A_327 = arith.addf %dot_general3A_324, %dot_general3A_326 : vector<512x16xf32>
    %add3A_328 = vector.broadcast %get3A_25 : vector<1x16xf32> to vector<512x16xf32>
    %add3A_329 = arith.addf %add3A_327, %add3A_328 : vector<512x16xf32>
    %dot_general3A_330 = arith.constant dense<0.000000e+00> : vector<512x16xf32>
    %dot_general3A_331 = tpu.matmul %get3A_322, %get3A_4, %dot_general3A_330 {dimension_numbers = #tpu.dot_dimension_numbers<[1], [0], [0], [1], [0, 0, 1, 1], [], []>, transpose_lhs_hint = false} : vector<512x64xf32>, vector<64x16xf32>, vector<512x16xf32> -> vector<512x16xf32>
    %dot_general3A_332 = arith.constant dense<0.000000e+00> : vector<512x16xf32>
    %dot_general3A_333 = tpu.matmul %mul3A_317, %get3A_16, %dot_general3A_332 {dimension_numbers = #tpu.dot_dimension_numbers<[1], [0], [0], [1], [0, 0, 1, 1], [], []>, transpose_lhs_hint = false} : vector<512x16xf32>, vector<16x16xf32>, vector<512x16xf32> -> vector<512x16xf32>
    %add3A_334 = arith.addf %dot_general3A_331, %dot_general3A_333 : vector<512x16xf32>
    %add3A_335 = vector.broadcast %get3A_28 : vector<1x16xf32> to vector<512x16xf32>
    %add3A_336 = arith.addf %add3A_334, %add3A_335 : vector<512x16xf32>
    %dot_general3A_337 = arith.constant dense<0.000000e+00> : vector<512x16xf32>
    %dot_general3A_338 = tpu.matmul %get3A_322, %get3A_7, %dot_general3A_337 {dimension_numbers = #tpu.dot_dimension_numbers<[1], [0], [0], [1], [0, 0, 1, 1], [], []>, transpose_lhs_hint = false} : vector<512x64xf32>, vector<64x16xf32>, vector<512x16xf32> -> vector<512x16xf32>
    %dot_general3A_339 = arith.constant dense<0.000000e+00> : vector<512x16xf32>
    %dot_general3A_340 = tpu.matmul %mul3A_317, %get3A_19, %dot_general3A_339 {dimension_numbers = #tpu.dot_dimension_numbers<[1], [0], [0], [1], [0, 0, 1, 1], [], []>, transpose_lhs_hint = false} : vector<512x16xf32>, vector<16x16xf32>, vector<512x16xf32> -> vector<512x16xf32>
    %add3A_341 = arith.addf %dot_general3A_338, %dot_general3A_340 : vector<512x16xf32>
    %add3A_342 = vector.broadcast %get3A_31 : vector<1x16xf32> to vector<512x16xf32>
    %add3A_343 = arith.addf %add3A_341, %add3A_342 : vector<512x16xf32>
    %dot_general3A_344 = arith.constant dense<0.000000e+00> : vector<512x16xf32>
    %dot_general3A_345 = tpu.matmul %get3A_322, %get3A_10, %dot_general3A_344 {dimension_numbers = #tpu.dot_dimension_numbers<[1], [0], [0], [1], [0, 0, 1, 1], [], []>, transpose_lhs_hint = false} : vector<512x64xf32>, vector<64x16xf32>, vector<512x16xf32> -> vector<512x16xf32>
    %dot_general3A_346 = arith.constant dense<0.000000e+00> : vector<512x16xf32>
    %dot_general3A_347 = tpu.matmul %mul3A_317, %get3A_22, %dot_general3A_346 {dimension_numbers = #tpu.dot_dimension_numbers<[1], [0], [0], [1], [0, 0, 1, 1], [], []>, transpose_lhs_hint = false} : vector<512x16xf32>, vector<16x16xf32>, vector<512x16xf32> -> vector<512x16xf32>
    %add3A_348 = arith.addf %dot_general3A_345, %dot_general3A_347 : vector<512x16xf32>
    %add3A_349 = vector.broadcast %get3A_34 : vector<1x16xf32> to vector<512x16xf32>
    %add3A_350 = arith.addf %add3A_348, %add3A_349 : vector<512x16xf32>
    %logistic3A_351 = arith.negf %add3A_329 : vector<512x16xf32>
    %logistic3A_352 = math.exp %logistic3A_351 : vector<512x16xf32>
    %logistic3A_353 = arith.constant 1.000000e+00 : f32
    %logistic3A_354 = vector.broadcast %logistic3A_353 : f32 to vector<512x16xf32>
    %logistic3A_355 = arith.addf %logistic3A_354, %logistic3A_352 : vector<512x16xf32>
    %logistic3A_356 = arith.divf %logistic3A_354, %logistic3A_355 : vector<512x16xf32>
    %logistic3A_357 = arith.negf %add3A_336 : vector<512x16xf32>
    %logistic3A_358 = math.exp %logistic3A_357 : vector<512x16xf32>
    %logistic3A_359 = arith.constant 1.000000e+00 : f32
    %logistic3A_360 = vector.broadcast %logistic3A_359 : f32 to vector<512x16xf32>
    %logistic3A_361 = arith.addf %logistic3A_360, %logistic3A_358 : vector<512x16xf32>
    %logistic3A_362 = arith.divf %logistic3A_360, %logistic3A_361 : vector<512x16xf32>
    %tanh3A_363 = math.tanh %add3A_343 : vector<512x16xf32>
    %logistic3A_364 = arith.negf %add3A_350 : vector<512x16xf32>
    %logistic3A_365 = math.exp %logistic3A_364 : vector<512x16xf32>
    %logistic3A_366 = arith.constant 1.000000e+00 : f32
    %logistic3A_367 = vector.broadcast %logistic3A_366 : f32 to vector<512x16xf32>
    %logistic3A_368 = arith.addf %logistic3A_367, %logistic3A_365 : vector<512x16xf32>
    %logistic3A_369 = arith.divf %logistic3A_367, %logistic3A_368 : vector<512x16xf32>
    %mul3A_370 = arith.mulf %logistic3A_362, %add3A_315 : vector<512x16xf32>
    %mul3A_371 = arith.mulf %logistic3A_356, %tanh3A_363 : vector<512x16xf32>
    %add3A_372 = arith.addf %mul3A_370, %mul3A_371 : vector<512x16xf32>
    %tanh3A_373 = math.tanh %add3A_372 : vector<512x16xf32>
    %mul3A_374 = arith.mulf %logistic3A_369, %tanh3A_373 : vector<512x16xf32>
    %get3A_375 = arith.constant 6 : index
    %get3A_376 = arith.constant 0 : index
    %get3A_377 = arith.constant 0 : index
    %get3A_378 = vector.load %arg1[%get3A_375, %get3A_376, %get3A_377] : memref<24x512x64xf32, #tpu.memory_space<vmem>>, vector<1x512x64xf32>
    %get3A_379 = vector.shape_cast %get3A_378 : vector<1x512x64xf32> to vector<512x64xf32>
    %dot_general3A_380 = arith.constant dense<0.000000e+00> : vector<512x16xf32>
    %dot_general3A_381 = tpu.matmul %get3A_379, %get3A_1, %dot_general3A_380 {dimension_numbers = #tpu.dot_dimension_numbers<[1], [0], [0], [1], [0, 0, 1, 1], [], []>, transpose_lhs_hint = false} : vector<512x64xf32>, vector<64x16xf32>, vector<512x16xf32> -> vector<512x16xf32>
    %dot_general3A_382 = arith.constant dense<0.000000e+00> : vector<512x16xf32>
    %dot_general3A_383 = tpu.matmul %mul3A_374, %get3A_13, %dot_general3A_382 {dimension_numbers = #tpu.dot_dimension_numbers<[1], [0], [0], [1], [0, 0, 1, 1], [], []>, transpose_lhs_hint = false} : vector<512x16xf32>, vector<16x16xf32>, vector<512x16xf32> -> vector<512x16xf32>
    %add3A_384 = arith.addf %dot_general3A_381, %dot_general3A_383 : vector<512x16xf32>
    %add3A_385 = vector.broadcast %get3A_25 : vector<1x16xf32> to vector<512x16xf32>
    %add3A_386 = arith.addf %add3A_384, %add3A_385 : vector<512x16xf32>
    %dot_general3A_387 = arith.constant dense<0.000000e+00> : vector<512x16xf32>
    %dot_general3A_388 = tpu.matmul %get3A_379, %get3A_4, %dot_general3A_387 {dimension_numbers = #tpu.dot_dimension_numbers<[1], [0], [0], [1], [0, 0, 1, 1], [], []>, transpose_lhs_hint = false} : vector<512x64xf32>, vector<64x16xf32>, vector<512x16xf32> -> vector<512x16xf32>
    %dot_general3A_389 = arith.constant dense<0.000000e+00> : vector<512x16xf32>
    %dot_general3A_390 = tpu.matmul %mul3A_374, %get3A_16, %dot_general3A_389 {dimension_numbers = #tpu.dot_dimension_numbers<[1], [0], [0], [1], [0, 0, 1, 1], [], []>, transpose_lhs_hint = false} : vector<512x16xf32>, vector<16x16xf32>, vector<512x16xf32> -> vector<512x16xf32>
    %add3A_391 = arith.addf %dot_general3A_388, %dot_general3A_390 : vector<512x16xf32>
    %add3A_392 = vector.broadcast %get3A_28 : vector<1x16xf32> to vector<512x16xf32>
    %add3A_393 = arith.addf %add3A_391, %add3A_392 : vector<512x16xf32>
    %dot_general3A_394 = arith.constant dense<0.000000e+00> : vector<512x16xf32>
    %dot_general3A_395 = tpu.matmul %get3A_379, %get3A_7, %dot_general3A_394 {dimension_numbers = #tpu.dot_dimension_numbers<[1], [0], [0], [1], [0, 0, 1, 1], [], []>, transpose_lhs_hint = false} : vector<512x64xf32>, vector<64x16xf32>, vector<512x16xf32> -> vector<512x16xf32>
    %dot_general3A_396 = arith.constant dense<0.000000e+00> : vector<512x16xf32>
    %dot_general3A_397 = tpu.matmul %mul3A_374, %get3A_19, %dot_general3A_396 {dimension_numbers = #tpu.dot_dimension_numbers<[1], [0], [0], [1], [0, 0, 1, 1], [], []>, transpose_lhs_hint = false} : vector<512x16xf32>, vector<16x16xf32>, vector<512x16xf32> -> vector<512x16xf32>
    %add3A_398 = arith.addf %dot_general3A_395, %dot_general3A_397 : vector<512x16xf32>
    %add3A_399 = vector.broadcast %get3A_31 : vector<1x16xf32> to vector<512x16xf32>
    %add3A_400 = arith.addf %add3A_398, %add3A_399 : vector<512x16xf32>
    %dot_general3A_401 = arith.constant dense<0.000000e+00> : vector<512x16xf32>
    %dot_general3A_402 = tpu.matmul %get3A_379, %get3A_10, %dot_general3A_401 {dimension_numbers = #tpu.dot_dimension_numbers<[1], [0], [0], [1], [0, 0, 1, 1], [], []>, transpose_lhs_hint = false} : vector<512x64xf32>, vector<64x16xf32>, vector<512x16xf32> -> vector<512x16xf32>
    %dot_general3A_403 = arith.constant dense<0.000000e+00> : vector<512x16xf32>
    %dot_general3A_404 = tpu.matmul %mul3A_374, %get3A_22, %dot_general3A_403 {dimension_numbers = #tpu.dot_dimension_numbers<[1], [0], [0], [1], [0, 0, 1, 1], [], []>, transpose_lhs_hint = false} : vector<512x16xf32>, vector<16x16xf32>, vector<512x16xf32> -> vector<512x16xf32>
    %add3A_405 = arith.addf %dot_general3A_402, %dot_general3A_404 : vector<512x16xf32>
    %add3A_406 = vector.broadcast %get3A_34 : vector<1x16xf32> to vector<512x16xf32>
    %add3A_407 = arith.addf %add3A_405, %add3A_406 : vector<512x16xf32>
    %logistic3A_408 = arith.negf %add3A_386 : vector<512x16xf32>
    %logistic3A_409 = math.exp %logistic3A_408 : vector<512x16xf32>
    %logistic3A_410 = arith.constant 1.000000e+00 : f32
    %logistic3A_411 = vector.broadcast %logistic3A_410 : f32 to vector<512x16xf32>
    %logistic3A_412 = arith.addf %logistic3A_411, %logistic3A_409 : vector<512x16xf32>
    %logistic3A_413 = arith.divf %logistic3A_411, %logistic3A_412 : vector<512x16xf32>
    %logistic3A_414 = arith.negf %add3A_393 : vector<512x16xf32>
    %logistic3A_415 = math.exp %logistic3A_414 : vector<512x16xf32>
    %logistic3A_416 = arith.constant 1.000000e+00 : f32
    %logistic3A_417 = vector.broadcast %logistic3A_416 : f32 to vector<512x16xf32>
    %logistic3A_418 = arith.addf %logistic3A_417, %logistic3A_415 : vector<512x16xf32>
    %logistic3A_419 = arith.divf %logistic3A_417, %logistic3A_418 : vector<512x16xf32>
    %tanh3A_420 = math.tanh %add3A_400 : vector<512x16xf32>
    %logistic3A_421 = arith.negf %add3A_407 : vector<512x16xf32>
    %logistic3A_422 = math.exp %logistic3A_421 : vector<512x16xf32>
    %logistic3A_423 = arith.constant 1.000000e+00 : f32
    %logistic3A_424 = vector.broadcast %logistic3A_423 : f32 to vector<512x16xf32>
    %logistic3A_425 = arith.addf %logistic3A_424, %logistic3A_422 : vector<512x16xf32>
    %logistic3A_426 = arith.divf %logistic3A_424, %logistic3A_425 : vector<512x16xf32>
    %mul3A_427 = arith.mulf %logistic3A_419, %add3A_372 : vector<512x16xf32>
    %mul3A_428 = arith.mulf %logistic3A_413, %tanh3A_420 : vector<512x16xf32>
    %add3A_429 = arith.addf %mul3A_427, %mul3A_428 : vector<512x16xf32>
    %tanh3A_430 = math.tanh %add3A_429 : vector<512x16xf32>
    %mul3A_431 = arith.mulf %logistic3A_426, %tanh3A_430 : vector<512x16xf32>
    %get3A_432 = arith.constant 7 : index
    %get3A_433 = arith.constant 0 : index
    %get3A_434 = arith.constant 0 : index
    %get3A_435 = vector.load %arg1[%get3A_432, %get3A_433, %get3A_434] : memref<24x512x64xf32, #tpu.memory_space<vmem>>, vector<1x512x64xf32>
    %get3A_436 = vector.shape_cast %get3A_435 : vector<1x512x64xf32> to vector<512x64xf32>
    %dot_general3A_437 = arith.constant dense<0.000000e+00> : vector<512x16xf32>
    %dot_general3A_438 = tpu.matmul %get3A_436, %get3A_1, %dot_general3A_437 {dimension_numbers = #tpu.dot_dimension_numbers<[1], [0], [0], [1], [0, 0, 1, 1], [], []>, transpose_lhs_hint = false} : vector<512x64xf32>, vector<64x16xf32>, vector<512x16xf32> -> vector<512x16xf32>
    %dot_general3A_439 = arith.constant dense<0.000000e+00> : vector<512x16xf32>
    %dot_general3A_440 = tpu.matmul %mul3A_431, %get3A_13, %dot_general3A_439 {dimension_numbers = #tpu.dot_dimension_numbers<[1], [0], [0], [1], [0, 0, 1, 1], [], []>, transpose_lhs_hint = false} : vector<512x16xf32>, vector<16x16xf32>, vector<512x16xf32> -> vector<512x16xf32>
    %add3A_441 = arith.addf %dot_general3A_438, %dot_general3A_440 : vector<512x16xf32>
    %add3A_442 = vector.broadcast %get3A_25 : vector<1x16xf32> to vector<512x16xf32>
    %add3A_443 = arith.addf %add3A_441, %add3A_442 : vector<512x16xf32>
    %dot_general3A_444 = arith.constant dense<0.000000e+00> : vector<512x16xf32>
    %dot_general3A_445 = tpu.matmul %get3A_436, %get3A_4, %dot_general3A_444 {dimension_numbers = #tpu.dot_dimension_numbers<[1], [0], [0], [1], [0, 0, 1, 1], [], []>, transpose_lhs_hint = false} : vector<512x64xf32>, vector<64x16xf32>, vector<512x16xf32> -> vector<512x16xf32>
    %dot_general3A_446 = arith.constant dense<0.000000e+00> : vector<512x16xf32>
    %dot_general3A_447 = tpu.matmul %mul3A_431, %get3A_16, %dot_general3A_446 {dimension_numbers = #tpu.dot_dimension_numbers<[1], [0], [0], [1], [0, 0, 1, 1], [], []>, transpose_lhs_hint = false} : vector<512x16xf32>, vector<16x16xf32>, vector<512x16xf32> -> vector<512x16xf32>
    %add3A_448 = arith.addf %dot_general3A_445, %dot_general3A_447 : vector<512x16xf32>
    %add3A_449 = vector.broadcast %get3A_28 : vector<1x16xf32> to vector<512x16xf32>
    %add3A_450 = arith.addf %add3A_448, %add3A_449 : vector<512x16xf32>
    %dot_general3A_451 = arith.constant dense<0.000000e+00> : vector<512x16xf32>
    %dot_general3A_452 = tpu.matmul %get3A_436, %get3A_7, %dot_general3A_451 {dimension_numbers = #tpu.dot_dimension_numbers<[1], [0], [0], [1], [0, 0, 1, 1], [], []>, transpose_lhs_hint = false} : vector<512x64xf32>, vector<64x16xf32>, vector<512x16xf32> -> vector<512x16xf32>
    %dot_general3A_453 = arith.constant dense<0.000000e+00> : vector<512x16xf32>
    %dot_general3A_454 = tpu.matmul %mul3A_431, %get3A_19, %dot_general3A_453 {dimension_numbers = #tpu.dot_dimension_numbers<[1], [0], [0], [1], [0, 0, 1, 1], [], []>, transpose_lhs_hint = false} : vector<512x16xf32>, vector<16x16xf32>, vector<512x16xf32> -> vector<512x16xf32>
    %add3A_455 = arith.addf %dot_general3A_452, %dot_general3A_454 : vector<512x16xf32>
    %add3A_456 = vector.broadcast %get3A_31 : vector<1x16xf32> to vector<512x16xf32>
    %add3A_457 = arith.addf %add3A_455, %add3A_456 : vector<512x16xf32>
    %dot_general3A_458 = arith.constant dense<0.000000e+00> : vector<512x16xf32>
    %dot_general3A_459 = tpu.matmul %get3A_436, %get3A_10, %dot_general3A_458 {dimension_numbers = #tpu.dot_dimension_numbers<[1], [0], [0], [1], [0, 0, 1, 1], [], []>, transpose_lhs_hint = false} : vector<512x64xf32>, vector<64x16xf32>, vector<512x16xf32> -> vector<512x16xf32>
    %dot_general3A_460 = arith.constant dense<0.000000e+00> : vector<512x16xf32>
    %dot_general3A_461 = tpu.matmul %mul3A_431, %get3A_22, %dot_general3A_460 {dimension_numbers = #tpu.dot_dimension_numbers<[1], [0], [0], [1], [0, 0, 1, 1], [], []>, transpose_lhs_hint = false} : vector<512x16xf32>, vector<16x16xf32>, vector<512x16xf32> -> vector<512x16xf32>
    %add3A_462 = arith.addf %dot_general3A_459, %dot_general3A_461 : vector<512x16xf32>
    %add3A_463 = vector.broadcast %get3A_34 : vector<1x16xf32> to vector<512x16xf32>
    %add3A_464 = arith.addf %add3A_462, %add3A_463 : vector<512x16xf32>
    %logistic3A_465 = arith.negf %add3A_443 : vector<512x16xf32>
    %logistic3A_466 = math.exp %logistic3A_465 : vector<512x16xf32>
    %logistic3A_467 = arith.constant 1.000000e+00 : f32
    %logistic3A_468 = vector.broadcast %logistic3A_467 : f32 to vector<512x16xf32>
    %logistic3A_469 = arith.addf %logistic3A_468, %logistic3A_466 : vector<512x16xf32>
    %logistic3A_470 = arith.divf %logistic3A_468, %logistic3A_469 : vector<512x16xf32>
    %logistic3A_471 = arith.negf %add3A_450 : vector<512x16xf32>
    %logistic3A_472 = math.exp %logistic3A_471 : vector<512x16xf32>
    %logistic3A_473 = arith.constant 1.000000e+00 : f32
    %logistic3A_474 = vector.broadcast %logistic3A_473 : f32 to vector<512x16xf32>
    %logistic3A_475 = arith.addf %logistic3A_474, %logistic3A_472 : vector<512x16xf32>
    %logistic3A_476 = arith.divf %logistic3A_474, %logistic3A_475 : vector<512x16xf32>
    %tanh3A_477 = math.tanh %add3A_457 : vector<512x16xf32>
    %logistic3A_478 = arith.negf %add3A_464 : vector<512x16xf32>
    %logistic3A_479 = math.exp %logistic3A_478 : vector<512x16xf32>
    %logistic3A_480 = arith.constant 1.000000e+00 : f32
    %logistic3A_481 = vector.broadcast %logistic3A_480 : f32 to vector<512x16xf32>
    %logistic3A_482 = arith.addf %logistic3A_481, %logistic3A_479 : vector<512x16xf32>
    %logistic3A_483 = arith.divf %logistic3A_481, %logistic3A_482 : vector<512x16xf32>
    %mul3A_484 = arith.mulf %logistic3A_476, %add3A_429 : vector<512x16xf32>
    %mul3A_485 = arith.mulf %logistic3A_470, %tanh3A_477 : vector<512x16xf32>
    %add3A_486 = arith.addf %mul3A_484, %mul3A_485 : vector<512x16xf32>
    %tanh3A_487 = math.tanh %add3A_486 : vector<512x16xf32>
    %mul3A_488 = arith.mulf %logistic3A_483, %tanh3A_487 : vector<512x16xf32>
    %get3A_489 = arith.constant 8 : index
    %get3A_490 = arith.constant 0 : index
    %get3A_491 = arith.constant 0 : index
    %get3A_492 = vector.load %arg1[%get3A_489, %get3A_490, %get3A_491] : memref<24x512x64xf32, #tpu.memory_space<vmem>>, vector<1x512x64xf32>
    %get3A_493 = vector.shape_cast %get3A_492 : vector<1x512x64xf32> to vector<512x64xf32>
    %dot_general3A_494 = arith.constant dense<0.000000e+00> : vector<512x16xf32>
    %dot_general3A_495 = tpu.matmul %get3A_493, %get3A_1, %dot_general3A_494 {dimension_numbers = #tpu.dot_dimension_numbers<[1], [0], [0], [1], [0, 0, 1, 1], [], []>, transpose_lhs_hint = false} : vector<512x64xf32>, vector<64x16xf32>, vector<512x16xf32> -> vector<512x16xf32>
    %dot_general3A_496 = arith.constant dense<0.000000e+00> : vector<512x16xf32>
    %dot_general3A_497 = tpu.matmul %mul3A_488, %get3A_13, %dot_general3A_496 {dimension_numbers = #tpu.dot_dimension_numbers<[1], [0], [0], [1], [0, 0, 1, 1], [], []>, transpose_lhs_hint = false} : vector<512x16xf32>, vector<16x16xf32>, vector<512x16xf32> -> vector<512x16xf32>
    %add3A_498 = arith.addf %dot_general3A_495, %dot_general3A_497 : vector<512x16xf32>
    %add3A_499 = vector.broadcast %get3A_25 : vector<1x16xf32> to vector<512x16xf32>
    %add3A_500 = arith.addf %add3A_498, %add3A_499 : vector<512x16xf32>
    %dot_general3A_501 = arith.constant dense<0.000000e+00> : vector<512x16xf32>
    %dot_general3A_502 = tpu.matmul %get3A_493, %get3A_4, %dot_general3A_501 {dimension_numbers = #tpu.dot_dimension_numbers<[1], [0], [0], [1], [0, 0, 1, 1], [], []>, transpose_lhs_hint = false} : vector<512x64xf32>, vector<64x16xf32>, vector<512x16xf32> -> vector<512x16xf32>
    %dot_general3A_503 = arith.constant dense<0.000000e+00> : vector<512x16xf32>
    %dot_general3A_504 = tpu.matmul %mul3A_488, %get3A_16, %dot_general3A_503 {dimension_numbers = #tpu.dot_dimension_numbers<[1], [0], [0], [1], [0, 0, 1, 1], [], []>, transpose_lhs_hint = false} : vector<512x16xf32>, vector<16x16xf32>, vector<512x16xf32> -> vector<512x16xf32>
    %add3A_505 = arith.addf %dot_general3A_502, %dot_general3A_504 : vector<512x16xf32>
    %add3A_506 = vector.broadcast %get3A_28 : vector<1x16xf32> to vector<512x16xf32>
    %add3A_507 = arith.addf %add3A_505, %add3A_506 : vector<512x16xf32>
    %dot_general3A_508 = arith.constant dense<0.000000e+00> : vector<512x16xf32>
    %dot_general3A_509 = tpu.matmul %get3A_493, %get3A_7, %dot_general3A_508 {dimension_numbers = #tpu.dot_dimension_numbers<[1], [0], [0], [1], [0, 0, 1, 1], [], []>, transpose_lhs_hint = false} : vector<512x64xf32>, vector<64x16xf32>, vector<512x16xf32> -> vector<512x16xf32>
    %dot_general3A_510 = arith.constant dense<0.000000e+00> : vector<512x16xf32>
    %dot_general3A_511 = tpu.matmul %mul3A_488, %get3A_19, %dot_general3A_510 {dimension_numbers = #tpu.dot_dimension_numbers<[1], [0], [0], [1], [0, 0, 1, 1], [], []>, transpose_lhs_hint = false} : vector<512x16xf32>, vector<16x16xf32>, vector<512x16xf32> -> vector<512x16xf32>
    %add3A_512 = arith.addf %dot_general3A_509, %dot_general3A_511 : vector<512x16xf32>
    %add3A_513 = vector.broadcast %get3A_31 : vector<1x16xf32> to vector<512x16xf32>
    %add3A_514 = arith.addf %add3A_512, %add3A_513 : vector<512x16xf32>
    %dot_general3A_515 = arith.constant dense<0.000000e+00> : vector<512x16xf32>
    %dot_general3A_516 = tpu.matmul %get3A_493, %get3A_10, %dot_general3A_515 {dimension_numbers = #tpu.dot_dimension_numbers<[1], [0], [0], [1], [0, 0, 1, 1], [], []>, transpose_lhs_hint = false} : vector<512x64xf32>, vector<64x16xf32>, vector<512x16xf32> -> vector<512x16xf32>
    %dot_general3A_517 = arith.constant dense<0.000000e+00> : vector<512x16xf32>
    %dot_general3A_518 = tpu.matmul %mul3A_488, %get3A_22, %dot_general3A_517 {dimension_numbers = #tpu.dot_dimension_numbers<[1], [0], [0], [1], [0, 0, 1, 1], [], []>, transpose_lhs_hint = false} : vector<512x16xf32>, vector<16x16xf32>, vector<512x16xf32> -> vector<512x16xf32>
    %add3A_519 = arith.addf %dot_general3A_516, %dot_general3A_518 : vector<512x16xf32>
    %add3A_520 = vector.broadcast %get3A_34 : vector<1x16xf32> to vector<512x16xf32>
    %add3A_521 = arith.addf %add3A_519, %add3A_520 : vector<512x16xf32>
    %logistic3A_522 = arith.negf %add3A_500 : vector<512x16xf32>
    %logistic3A_523 = math.exp %logistic3A_522 : vector<512x16xf32>
    %logistic3A_524 = arith.constant 1.000000e+00 : f32
    %logistic3A_525 = vector.broadcast %logistic3A_524 : f32 to vector<512x16xf32>
    %logistic3A_526 = arith.addf %logistic3A_525, %logistic3A_523 : vector<512x16xf32>
    %logistic3A_527 = arith.divf %logistic3A_525, %logistic3A_526 : vector<512x16xf32>
    %logistic3A_528 = arith.negf %add3A_507 : vector<512x16xf32>
    %logistic3A_529 = math.exp %logistic3A_528 : vector<512x16xf32>
    %logistic3A_530 = arith.constant 1.000000e+00 : f32
    %logistic3A_531 = vector.broadcast %logistic3A_530 : f32 to vector<512x16xf32>
    %logistic3A_532 = arith.addf %logistic3A_531, %logistic3A_529 : vector<512x16xf32>
    %logistic3A_533 = arith.divf %logistic3A_531, %logistic3A_532 : vector<512x16xf32>
    %tanh3A_534 = math.tanh %add3A_514 : vector<512x16xf32>
    %logistic3A_535 = arith.negf %add3A_521 : vector<512x16xf32>
    %logistic3A_536 = math.exp %logistic3A_535 : vector<512x16xf32>
    %logistic3A_537 = arith.constant 1.000000e+00 : f32
    %logistic3A_538 = vector.broadcast %logistic3A_537 : f32 to vector<512x16xf32>
    %logistic3A_539 = arith.addf %logistic3A_538, %logistic3A_536 : vector<512x16xf32>
    %logistic3A_540 = arith.divf %logistic3A_538, %logistic3A_539 : vector<512x16xf32>
    %mul3A_541 = arith.mulf %logistic3A_533, %add3A_486 : vector<512x16xf32>
    %mul3A_542 = arith.mulf %logistic3A_527, %tanh3A_534 : vector<512x16xf32>
    %add3A_543 = arith.addf %mul3A_541, %mul3A_542 : vector<512x16xf32>
    %tanh3A_544 = math.tanh %add3A_543 : vector<512x16xf32>
    %mul3A_545 = arith.mulf %logistic3A_540, %tanh3A_544 : vector<512x16xf32>
    %get3A_546 = arith.constant 9 : index
    %get3A_547 = arith.constant 0 : index
    %get3A_548 = arith.constant 0 : index
    %get3A_549 = vector.load %arg1[%get3A_546, %get3A_547, %get3A_548] : memref<24x512x64xf32, #tpu.memory_space<vmem>>, vector<1x512x64xf32>
    %get3A_550 = vector.shape_cast %get3A_549 : vector<1x512x64xf32> to vector<512x64xf32>
    %dot_general3A_551 = arith.constant dense<0.000000e+00> : vector<512x16xf32>
    %dot_general3A_552 = tpu.matmul %get3A_550, %get3A_1, %dot_general3A_551 {dimension_numbers = #tpu.dot_dimension_numbers<[1], [0], [0], [1], [0, 0, 1, 1], [], []>, transpose_lhs_hint = false} : vector<512x64xf32>, vector<64x16xf32>, vector<512x16xf32> -> vector<512x16xf32>
    %dot_general3A_553 = arith.constant dense<0.000000e+00> : vector<512x16xf32>
    %dot_general3A_554 = tpu.matmul %mul3A_545, %get3A_13, %dot_general3A_553 {dimension_numbers = #tpu.dot_dimension_numbers<[1], [0], [0], [1], [0, 0, 1, 1], [], []>, transpose_lhs_hint = false} : vector<512x16xf32>, vector<16x16xf32>, vector<512x16xf32> -> vector<512x16xf32>
    %add3A_555 = arith.addf %dot_general3A_552, %dot_general3A_554 : vector<512x16xf32>
    %add3A_556 = vector.broadcast %get3A_25 : vector<1x16xf32> to vector<512x16xf32>
    %add3A_557 = arith.addf %add3A_555, %add3A_556 : vector<512x16xf32>
    %dot_general3A_558 = arith.constant dense<0.000000e+00> : vector<512x16xf32>
    %dot_general3A_559 = tpu.matmul %get3A_550, %get3A_4, %dot_general3A_558 {dimension_numbers = #tpu.dot_dimension_numbers<[1], [0], [0], [1], [0, 0, 1, 1], [], []>, transpose_lhs_hint = false} : vector<512x64xf32>, vector<64x16xf32>, vector<512x16xf32> -> vector<512x16xf32>
    %dot_general3A_560 = arith.constant dense<0.000000e+00> : vector<512x16xf32>
    %dot_general3A_561 = tpu.matmul %mul3A_545, %get3A_16, %dot_general3A_560 {dimension_numbers = #tpu.dot_dimension_numbers<[1], [0], [0], [1], [0, 0, 1, 1], [], []>, transpose_lhs_hint = false} : vector<512x16xf32>, vector<16x16xf32>, vector<512x16xf32> -> vector<512x16xf32>
    %add3A_562 = arith.addf %dot_general3A_559, %dot_general3A_561 : vector<512x16xf32>
    %add3A_563 = vector.broadcast %get3A_28 : vector<1x16xf32> to vector<512x16xf32>
    %add3A_564 = arith.addf %add3A_562, %add3A_563 : vector<512x16xf32>
    %dot_general3A_565 = arith.constant dense<0.000000e+00> : vector<512x16xf32>
    %dot_general3A_566 = tpu.matmul %get3A_550, %get3A_7, %dot_general3A_565 {dimension_numbers = #tpu.dot_dimension_numbers<[1], [0], [0], [1], [0, 0, 1, 1], [], []>, transpose_lhs_hint = false} : vector<512x64xf32>, vector<64x16xf32>, vector<512x16xf32> -> vector<512x16xf32>
    %dot_general3A_567 = arith.constant dense<0.000000e+00> : vector<512x16xf32>
    %dot_general3A_568 = tpu.matmul %mul3A_545, %get3A_19, %dot_general3A_567 {dimension_numbers = #tpu.dot_dimension_numbers<[1], [0], [0], [1], [0, 0, 1, 1], [], []>, transpose_lhs_hint = false} : vector<512x16xf32>, vector<16x16xf32>, vector<512x16xf32> -> vector<512x16xf32>
    %add3A_569 = arith.addf %dot_general3A_566, %dot_general3A_568 : vector<512x16xf32>
    %add3A_570 = vector.broadcast %get3A_31 : vector<1x16xf32> to vector<512x16xf32>
    %add3A_571 = arith.addf %add3A_569, %add3A_570 : vector<512x16xf32>
    %dot_general3A_572 = arith.constant dense<0.000000e+00> : vector<512x16xf32>
    %dot_general3A_573 = tpu.matmul %get3A_550, %get3A_10, %dot_general3A_572 {dimension_numbers = #tpu.dot_dimension_numbers<[1], [0], [0], [1], [0, 0, 1, 1], [], []>, transpose_lhs_hint = false} : vector<512x64xf32>, vector<64x16xf32>, vector<512x16xf32> -> vector<512x16xf32>
    %dot_general3A_574 = arith.constant dense<0.000000e+00> : vector<512x16xf32>
    %dot_general3A_575 = tpu.matmul %mul3A_545, %get3A_22, %dot_general3A_574 {dimension_numbers = #tpu.dot_dimension_numbers<[1], [0], [0], [1], [0, 0, 1, 1], [], []>, transpose_lhs_hint = false} : vector<512x16xf32>, vector<16x16xf32>, vector<512x16xf32> -> vector<512x16xf32>
    %add3A_576 = arith.addf %dot_general3A_573, %dot_general3A_575 : vector<512x16xf32>
    %add3A_577 = vector.broadcast %get3A_34 : vector<1x16xf32> to vector<512x16xf32>
    %add3A_578 = arith.addf %add3A_576, %add3A_577 : vector<512x16xf32>
    %logistic3A_579 = arith.negf %add3A_557 : vector<512x16xf32>
    %logistic3A_580 = math.exp %logistic3A_579 : vector<512x16xf32>
    %logistic3A_581 = arith.constant 1.000000e+00 : f32
    %logistic3A_582 = vector.broadcast %logistic3A_581 : f32 to vector<512x16xf32>
    %logistic3A_583 = arith.addf %logistic3A_582, %logistic3A_580 : vector<512x16xf32>
    %logistic3A_584 = arith.divf %logistic3A_582, %logistic3A_583 : vector<512x16xf32>
    %logistic3A_585 = arith.negf %add3A_564 : vector<512x16xf32>
    %logistic3A_586 = math.exp %logistic3A_585 : vector<512x16xf32>
    %logistic3A_587 = arith.constant 1.000000e+00 : f32
    %logistic3A_588 = vector.broadcast %logistic3A_587 : f32 to vector<512x16xf32>
    %logistic3A_589 = arith.addf %logistic3A_588, %logistic3A_586 : vector<512x16xf32>
    %logistic3A_590 = arith.divf %logistic3A_588, %logistic3A_589 : vector<512x16xf32>
    %tanh3A_591 = math.tanh %add3A_571 : vector<512x16xf32>
    %logistic3A_592 = arith.negf %add3A_578 : vector<512x16xf32>
    %logistic3A_593 = math.exp %logistic3A_592 : vector<512x16xf32>
    %logistic3A_594 = arith.constant 1.000000e+00 : f32
    %logistic3A_595 = vector.broadcast %logistic3A_594 : f32 to vector<512x16xf32>
    %logistic3A_596 = arith.addf %logistic3A_595, %logistic3A_593 : vector<512x16xf32>
    %logistic3A_597 = arith.divf %logistic3A_595, %logistic3A_596 : vector<512x16xf32>
    %mul3A_598 = arith.mulf %logistic3A_590, %add3A_543 : vector<512x16xf32>
    %mul3A_599 = arith.mulf %logistic3A_584, %tanh3A_591 : vector<512x16xf32>
    %add3A_600 = arith.addf %mul3A_598, %mul3A_599 : vector<512x16xf32>
    %tanh3A_601 = math.tanh %add3A_600 : vector<512x16xf32>
    %mul3A_602 = arith.mulf %logistic3A_597, %tanh3A_601 : vector<512x16xf32>
    %get3A_603 = arith.constant 10 : index
    %get3A_604 = arith.constant 0 : index
    %get3A_605 = arith.constant 0 : index
    %get3A_606 = vector.load %arg1[%get3A_603, %get3A_604, %get3A_605] : memref<24x512x64xf32, #tpu.memory_space<vmem>>, vector<1x512x64xf32>
    %get3A_607 = vector.shape_cast %get3A_606 : vector<1x512x64xf32> to vector<512x64xf32>
    %dot_general3A_608 = arith.constant dense<0.000000e+00> : vector<512x16xf32>
    %dot_general3A_609 = tpu.matmul %get3A_607, %get3A_1, %dot_general3A_608 {dimension_numbers = #tpu.dot_dimension_numbers<[1], [0], [0], [1], [0, 0, 1, 1], [], []>, transpose_lhs_hint = false} : vector<512x64xf32>, vector<64x16xf32>, vector<512x16xf32> -> vector<512x16xf32>
    %dot_general3A_610 = arith.constant dense<0.000000e+00> : vector<512x16xf32>
    %dot_general3A_611 = tpu.matmul %mul3A_602, %get3A_13, %dot_general3A_610 {dimension_numbers = #tpu.dot_dimension_numbers<[1], [0], [0], [1], [0, 0, 1, 1], [], []>, transpose_lhs_hint = false} : vector<512x16xf32>, vector<16x16xf32>, vector<512x16xf32> -> vector<512x16xf32>
    %add3A_612 = arith.addf %dot_general3A_609, %dot_general3A_611 : vector<512x16xf32>
    %add3A_613 = vector.broadcast %get3A_25 : vector<1x16xf32> to vector<512x16xf32>
    %add3A_614 = arith.addf %add3A_612, %add3A_613 : vector<512x16xf32>
    %dot_general3A_615 = arith.constant dense<0.000000e+00> : vector<512x16xf32>
    %dot_general3A_616 = tpu.matmul %get3A_607, %get3A_4, %dot_general3A_615 {dimension_numbers = #tpu.dot_dimension_numbers<[1], [0], [0], [1], [0, 0, 1, 1], [], []>, transpose_lhs_hint = false} : vector<512x64xf32>, vector<64x16xf32>, vector<512x16xf32> -> vector<512x16xf32>
    %dot_general3A_617 = arith.constant dense<0.000000e+00> : vector<512x16xf32>
    %dot_general3A_618 = tpu.matmul %mul3A_602, %get3A_16, %dot_general3A_617 {dimension_numbers = #tpu.dot_dimension_numbers<[1], [0], [0], [1], [0, 0, 1, 1], [], []>, transpose_lhs_hint = false} : vector<512x16xf32>, vector<16x16xf32>, vector<512x16xf32> -> vector<512x16xf32>
    %add3A_619 = arith.addf %dot_general3A_616, %dot_general3A_618 : vector<512x16xf32>
    %add3A_620 = vector.broadcast %get3A_28 : vector<1x16xf32> to vector<512x16xf32>
    %add3A_621 = arith.addf %add3A_619, %add3A_620 : vector<512x16xf32>
    %dot_general3A_622 = arith.constant dense<0.000000e+00> : vector<512x16xf32>
    %dot_general3A_623 = tpu.matmul %get3A_607, %get3A_7, %dot_general3A_622 {dimension_numbers = #tpu.dot_dimension_numbers<[1], [0], [0], [1], [0, 0, 1, 1], [], []>, transpose_lhs_hint = false} : vector<512x64xf32>, vector<64x16xf32>, vector<512x16xf32> -> vector<512x16xf32>
    %dot_general3A_624 = arith.constant dense<0.000000e+00> : vector<512x16xf32>
    %dot_general3A_625 = tpu.matmul %mul3A_602, %get3A_19, %dot_general3A_624 {dimension_numbers = #tpu.dot_dimension_numbers<[1], [0], [0], [1], [0, 0, 1, 1], [], []>, transpose_lhs_hint = false} : vector<512x16xf32>, vector<16x16xf32>, vector<512x16xf32> -> vector<512x16xf32>
    %add3A_626 = arith.addf %dot_general3A_623, %dot_general3A_625 : vector<512x16xf32>
    %add3A_627 = vector.broadcast %get3A_31 : vector<1x16xf32> to vector<512x16xf32>
    %add3A_628 = arith.addf %add3A_626, %add3A_627 : vector<512x16xf32>
    %dot_general3A_629 = arith.constant dense<0.000000e+00> : vector<512x16xf32>
    %dot_general3A_630 = tpu.matmul %get3A_607, %get3A_10, %dot_general3A_629 {dimension_numbers = #tpu.dot_dimension_numbers<[1], [0], [0], [1], [0, 0, 1, 1], [], []>, transpose_lhs_hint = false} : vector<512x64xf32>, vector<64x16xf32>, vector<512x16xf32> -> vector<512x16xf32>
    %dot_general3A_631 = arith.constant dense<0.000000e+00> : vector<512x16xf32>
    %dot_general3A_632 = tpu.matmul %mul3A_602, %get3A_22, %dot_general3A_631 {dimension_numbers = #tpu.dot_dimension_numbers<[1], [0], [0], [1], [0, 0, 1, 1], [], []>, transpose_lhs_hint = false} : vector<512x16xf32>, vector<16x16xf32>, vector<512x16xf32> -> vector<512x16xf32>
    %add3A_633 = arith.addf %dot_general3A_630, %dot_general3A_632 : vector<512x16xf32>
    %add3A_634 = vector.broadcast %get3A_34 : vector<1x16xf32> to vector<512x16xf32>
    %add3A_635 = arith.addf %add3A_633, %add3A_634 : vector<512x16xf32>
    %logistic3A_636 = arith.negf %add3A_614 : vector<512x16xf32>
    %logistic3A_637 = math.exp %logistic3A_636 : vector<512x16xf32>
    %logistic3A_638 = arith.constant 1.000000e+00 : f32
    %logistic3A_639 = vector.broadcast %logistic3A_638 : f32 to vector<512x16xf32>
    %logistic3A_640 = arith.addf %logistic3A_639, %logistic3A_637 : vector<512x16xf32>
    %logistic3A_641 = arith.divf %logistic3A_639, %logistic3A_640 : vector<512x16xf32>
    %logistic3A_642 = arith.negf %add3A_621 : vector<512x16xf32>
    %logistic3A_643 = math.exp %logistic3A_642 : vector<512x16xf32>
    %logistic3A_644 = arith.constant 1.000000e+00 : f32
    %logistic3A_645 = vector.broadcast %logistic3A_644 : f32 to vector<512x16xf32>
    %logistic3A_646 = arith.addf %logistic3A_645, %logistic3A_643 : vector<512x16xf32>
    %logistic3A_647 = arith.divf %logistic3A_645, %logistic3A_646 : vector<512x16xf32>
    %tanh3A_648 = math.tanh %add3A_628 : vector<512x16xf32>
    %logistic3A_649 = arith.negf %add3A_635 : vector<512x16xf32>
    %logistic3A_650 = math.exp %logistic3A_649 : vector<512x16xf32>
    %logistic3A_651 = arith.constant 1.000000e+00 : f32
    %logistic3A_652 = vector.broadcast %logistic3A_651 : f32 to vector<512x16xf32>
    %logistic3A_653 = arith.addf %logistic3A_652, %logistic3A_650 : vector<512x16xf32>
    %logistic3A_654 = arith.divf %logistic3A_652, %logistic3A_653 : vector<512x16xf32>
    %mul3A_655 = arith.mulf %logistic3A_647, %add3A_600 : vector<512x16xf32>
    %mul3A_656 = arith.mulf %logistic3A_641, %tanh3A_648 : vector<512x16xf32>
    %add3A_657 = arith.addf %mul3A_655, %mul3A_656 : vector<512x16xf32>
    %tanh3A_658 = math.tanh %add3A_657 : vector<512x16xf32>
    %mul3A_659 = arith.mulf %logistic3A_654, %tanh3A_658 : vector<512x16xf32>
    %get3A_660 = arith.constant 11 : index
    %get3A_661 = arith.constant 0 : index
    %get3A_662 = arith.constant 0 : index
    %get3A_663 = vector.load %arg1[%get3A_660, %get3A_661, %get3A_662] : memref<24x512x64xf32, #tpu.memory_space<vmem>>, vector<1x512x64xf32>
    %get3A_664 = vector.shape_cast %get3A_663 : vector<1x512x64xf32> to vector<512x64xf32>
    %dot_general3A_665 = arith.constant dense<0.000000e+00> : vector<512x16xf32>
    %dot_general3A_666 = tpu.matmul %get3A_664, %get3A_1, %dot_general3A_665 {dimension_numbers = #tpu.dot_dimension_numbers<[1], [0], [0], [1], [0, 0, 1, 1], [], []>, transpose_lhs_hint = false} : vector<512x64xf32>, vector<64x16xf32>, vector<512x16xf32> -> vector<512x16xf32>
    %dot_general3A_667 = arith.constant dense<0.000000e+00> : vector<512x16xf32>
    %dot_general3A_668 = tpu.matmul %mul3A_659, %get3A_13, %dot_general3A_667 {dimension_numbers = #tpu.dot_dimension_numbers<[1], [0], [0], [1], [0, 0, 1, 1], [], []>, transpose_lhs_hint = false} : vector<512x16xf32>, vector<16x16xf32>, vector<512x16xf32> -> vector<512x16xf32>
    %add3A_669 = arith.addf %dot_general3A_666, %dot_general3A_668 : vector<512x16xf32>
    %add3A_670 = vector.broadcast %get3A_25 : vector<1x16xf32> to vector<512x16xf32>
    %add3A_671 = arith.addf %add3A_669, %add3A_670 : vector<512x16xf32>
    %dot_general3A_672 = arith.constant dense<0.000000e+00> : vector<512x16xf32>
    %dot_general3A_673 = tpu.matmul %get3A_664, %get3A_4, %dot_general3A_672 {dimension_numbers = #tpu.dot_dimension_numbers<[1], [0], [0], [1], [0, 0, 1, 1], [], []>, transpose_lhs_hint = false} : vector<512x64xf32>, vector<64x16xf32>, vector<512x16xf32> -> vector<512x16xf32>
    %dot_general3A_674 = arith.constant dense<0.000000e+00> : vector<512x16xf32>
    %dot_general3A_675 = tpu.matmul %mul3A_659, %get3A_16, %dot_general3A_674 {dimension_numbers = #tpu.dot_dimension_numbers<[1], [0], [0], [1], [0, 0, 1, 1], [], []>, transpose_lhs_hint = false} : vector<512x16xf32>, vector<16x16xf32>, vector<512x16xf32> -> vector<512x16xf32>
    %add3A_676 = arith.addf %dot_general3A_673, %dot_general3A_675 : vector<512x16xf32>
    %add3A_677 = vector.broadcast %get3A_28 : vector<1x16xf32> to vector<512x16xf32>
    %add3A_678 = arith.addf %add3A_676, %add3A_677 : vector<512x16xf32>
    %dot_general3A_679 = arith.constant dense<0.000000e+00> : vector<512x16xf32>
    %dot_general3A_680 = tpu.matmul %get3A_664, %get3A_7, %dot_general3A_679 {dimension_numbers = #tpu.dot_dimension_numbers<[1], [0], [0], [1], [0, 0, 1, 1], [], []>, transpose_lhs_hint = false} : vector<512x64xf32>, vector<64x16xf32>, vector<512x16xf32> -> vector<512x16xf32>
    %dot_general3A_681 = arith.constant dense<0.000000e+00> : vector<512x16xf32>
    %dot_general3A_682 = tpu.matmul %mul3A_659, %get3A_19, %dot_general3A_681 {dimension_numbers = #tpu.dot_dimension_numbers<[1], [0], [0], [1], [0, 0, 1, 1], [], []>, transpose_lhs_hint = false} : vector<512x16xf32>, vector<16x16xf32>, vector<512x16xf32> -> vector<512x16xf32>
    %add3A_683 = arith.addf %dot_general3A_680, %dot_general3A_682 : vector<512x16xf32>
    %add3A_684 = vector.broadcast %get3A_31 : vector<1x16xf32> to vector<512x16xf32>
    %add3A_685 = arith.addf %add3A_683, %add3A_684 : vector<512x16xf32>
    %dot_general3A_686 = arith.constant dense<0.000000e+00> : vector<512x16xf32>
    %dot_general3A_687 = tpu.matmul %get3A_664, %get3A_10, %dot_general3A_686 {dimension_numbers = #tpu.dot_dimension_numbers<[1], [0], [0], [1], [0, 0, 1, 1], [], []>, transpose_lhs_hint = false} : vector<512x64xf32>, vector<64x16xf32>, vector<512x16xf32> -> vector<512x16xf32>
    %dot_general3A_688 = arith.constant dense<0.000000e+00> : vector<512x16xf32>
    %dot_general3A_689 = tpu.matmul %mul3A_659, %get3A_22, %dot_general3A_688 {dimension_numbers = #tpu.dot_dimension_numbers<[1], [0], [0], [1], [0, 0, 1, 1], [], []>, transpose_lhs_hint = false} : vector<512x16xf32>, vector<16x16xf32>, vector<512x16xf32> -> vector<512x16xf32>
    %add3A_690 = arith.addf %dot_general3A_687, %dot_general3A_689 : vector<512x16xf32>
    %add3A_691 = vector.broadcast %get3A_34 : vector<1x16xf32> to vector<512x16xf32>
    %add3A_692 = arith.addf %add3A_690, %add3A_691 : vector<512x16xf32>
    %logistic3A_693 = arith.negf %add3A_671 : vector<512x16xf32>
    %logistic3A_694 = math.exp %logistic3A_693 : vector<512x16xf32>
    %logistic3A_695 = arith.constant 1.000000e+00 : f32
    %logistic3A_696 = vector.broadcast %logistic3A_695 : f32 to vector<512x16xf32>
    %logistic3A_697 = arith.addf %logistic3A_696, %logistic3A_694 : vector<512x16xf32>
    %logistic3A_698 = arith.divf %logistic3A_696, %logistic3A_697 : vector<512x16xf32>
    %logistic3A_699 = arith.negf %add3A_678 : vector<512x16xf32>
    %logistic3A_700 = math.exp %logistic3A_699 : vector<512x16xf32>
    %logistic3A_701 = arith.constant 1.000000e+00 : f32
    %logistic3A_702 = vector.broadcast %logistic3A_701 : f32 to vector<512x16xf32>
    %logistic3A_703 = arith.addf %logistic3A_702, %logistic3A_700 : vector<512x16xf32>
    %logistic3A_704 = arith.divf %logistic3A_702, %logistic3A_703 : vector<512x16xf32>
    %tanh3A_705 = math.tanh %add3A_685 : vector<512x16xf32>
    %logistic3A_706 = arith.negf %add3A_692 : vector<512x16xf32>
    %logistic3A_707 = math.exp %logistic3A_706 : vector<512x16xf32>
    %logistic3A_708 = arith.constant 1.000000e+00 : f32
    %logistic3A_709 = vector.broadcast %logistic3A_708 : f32 to vector<512x16xf32>
    %logistic3A_710 = arith.addf %logistic3A_709, %logistic3A_707 : vector<512x16xf32>
    %logistic3A_711 = arith.divf %logistic3A_709, %logistic3A_710 : vector<512x16xf32>
    %mul3A_712 = arith.mulf %logistic3A_704, %add3A_657 : vector<512x16xf32>
    %mul3A_713 = arith.mulf %logistic3A_698, %tanh3A_705 : vector<512x16xf32>
    %add3A_714 = arith.addf %mul3A_712, %mul3A_713 : vector<512x16xf32>
    %tanh3A_715 = math.tanh %add3A_714 : vector<512x16xf32>
    %mul3A_716 = arith.mulf %logistic3A_711, %tanh3A_715 : vector<512x16xf32>
    %get3A_717 = arith.constant 12 : index
    %get3A_718 = arith.constant 0 : index
    %get3A_719 = arith.constant 0 : index
    %get3A_720 = vector.load %arg1[%get3A_717, %get3A_718, %get3A_719] : memref<24x512x64xf32, #tpu.memory_space<vmem>>, vector<1x512x64xf32>
    %get3A_721 = vector.shape_cast %get3A_720 : vector<1x512x64xf32> to vector<512x64xf32>
    %dot_general3A_722 = arith.constant dense<0.000000e+00> : vector<512x16xf32>
    %dot_general3A_723 = tpu.matmul %get3A_721, %get3A_1, %dot_general3A_722 {dimension_numbers = #tpu.dot_dimension_numbers<[1], [0], [0], [1], [0, 0, 1, 1], [], []>, transpose_lhs_hint = false} : vector<512x64xf32>, vector<64x16xf32>, vector<512x16xf32> -> vector<512x16xf32>
    %dot_general3A_724 = arith.constant dense<0.000000e+00> : vector<512x16xf32>
    %dot_general3A_725 = tpu.matmul %mul3A_716, %get3A_13, %dot_general3A_724 {dimension_numbers = #tpu.dot_dimension_numbers<[1], [0], [0], [1], [0, 0, 1, 1], [], []>, transpose_lhs_hint = false} : vector<512x16xf32>, vector<16x16xf32>, vector<512x16xf32> -> vector<512x16xf32>
    %add3A_726 = arith.addf %dot_general3A_723, %dot_general3A_725 : vector<512x16xf32>
    %add3A_727 = vector.broadcast %get3A_25 : vector<1x16xf32> to vector<512x16xf32>
    %add3A_728 = arith.addf %add3A_726, %add3A_727 : vector<512x16xf32>
    %dot_general3A_729 = arith.constant dense<0.000000e+00> : vector<512x16xf32>
    %dot_general3A_730 = tpu.matmul %get3A_721, %get3A_4, %dot_general3A_729 {dimension_numbers = #tpu.dot_dimension_numbers<[1], [0], [0], [1], [0, 0, 1, 1], [], []>, transpose_lhs_hint = false} : vector<512x64xf32>, vector<64x16xf32>, vector<512x16xf32> -> vector<512x16xf32>
    %dot_general3A_731 = arith.constant dense<0.000000e+00> : vector<512x16xf32>
    %dot_general3A_732 = tpu.matmul %mul3A_716, %get3A_16, %dot_general3A_731 {dimension_numbers = #tpu.dot_dimension_numbers<[1], [0], [0], [1], [0, 0, 1, 1], [], []>, transpose_lhs_hint = false} : vector<512x16xf32>, vector<16x16xf32>, vector<512x16xf32> -> vector<512x16xf32>
    %add3A_733 = arith.addf %dot_general3A_730, %dot_general3A_732 : vector<512x16xf32>
    %add3A_734 = vector.broadcast %get3A_28 : vector<1x16xf32> to vector<512x16xf32>
    %add3A_735 = arith.addf %add3A_733, %add3A_734 : vector<512x16xf32>
    %dot_general3A_736 = arith.constant dense<0.000000e+00> : vector<512x16xf32>
    %dot_general3A_737 = tpu.matmul %get3A_721, %get3A_7, %dot_general3A_736 {dimension_numbers = #tpu.dot_dimension_numbers<[1], [0], [0], [1], [0, 0, 1, 1], [], []>, transpose_lhs_hint = false} : vector<512x64xf32>, vector<64x16xf32>, vector<512x16xf32> -> vector<512x16xf32>
    %dot_general3A_738 = arith.constant dense<0.000000e+00> : vector<512x16xf32>
    %dot_general3A_739 = tpu.matmul %mul3A_716, %get3A_19, %dot_general3A_738 {dimension_numbers = #tpu.dot_dimension_numbers<[1], [0], [0], [1], [0, 0, 1, 1], [], []>, transpose_lhs_hint = false} : vector<512x16xf32>, vector<16x16xf32>, vector<512x16xf32> -> vector<512x16xf32>
    %add3A_740 = arith.addf %dot_general3A_737, %dot_general3A_739 : vector<512x16xf32>
    %add3A_741 = vector.broadcast %get3A_31 : vector<1x16xf32> to vector<512x16xf32>
    %add3A_742 = arith.addf %add3A_740, %add3A_741 : vector<512x16xf32>
    %dot_general3A_743 = arith.constant dense<0.000000e+00> : vector<512x16xf32>
    %dot_general3A_744 = tpu.matmul %get3A_721, %get3A_10, %dot_general3A_743 {dimension_numbers = #tpu.dot_dimension_numbers<[1], [0], [0], [1], [0, 0, 1, 1], [], []>, transpose_lhs_hint = false} : vector<512x64xf32>, vector<64x16xf32>, vector<512x16xf32> -> vector<512x16xf32>
    %dot_general3A_745 = arith.constant dense<0.000000e+00> : vector<512x16xf32>
    %dot_general3A_746 = tpu.matmul %mul3A_716, %get3A_22, %dot_general3A_745 {dimension_numbers = #tpu.dot_dimension_numbers<[1], [0], [0], [1], [0, 0, 1, 1], [], []>, transpose_lhs_hint = false} : vector<512x16xf32>, vector<16x16xf32>, vector<512x16xf32> -> vector<512x16xf32>
    %add3A_747 = arith.addf %dot_general3A_744, %dot_general3A_746 : vector<512x16xf32>
    %add3A_748 = vector.broadcast %get3A_34 : vector<1x16xf32> to vector<512x16xf32>
    %add3A_749 = arith.addf %add3A_747, %add3A_748 : vector<512x16xf32>
    %logistic3A_750 = arith.negf %add3A_728 : vector<512x16xf32>
    %logistic3A_751 = math.exp %logistic3A_750 : vector<512x16xf32>
    %logistic3A_752 = arith.constant 1.000000e+00 : f32
    %logistic3A_753 = vector.broadcast %logistic3A_752 : f32 to vector<512x16xf32>
    %logistic3A_754 = arith.addf %logistic3A_753, %logistic3A_751 : vector<512x16xf32>
    %logistic3A_755 = arith.divf %logistic3A_753, %logistic3A_754 : vector<512x16xf32>
    %logistic3A_756 = arith.negf %add3A_735 : vector<512x16xf32>
    %logistic3A_757 = math.exp %logistic3A_756 : vector<512x16xf32>
    %logistic3A_758 = arith.constant 1.000000e+00 : f32
    %logistic3A_759 = vector.broadcast %logistic3A_758 : f32 to vector<512x16xf32>
    %logistic3A_760 = arith.addf %logistic3A_759, %logistic3A_757 : vector<512x16xf32>
    %logistic3A_761 = arith.divf %logistic3A_759, %logistic3A_760 : vector<512x16xf32>
    %tanh3A_762 = math.tanh %add3A_742 : vector<512x16xf32>
    %logistic3A_763 = arith.negf %add3A_749 : vector<512x16xf32>
    %logistic3A_764 = math.exp %logistic3A_763 : vector<512x16xf32>
    %logistic3A_765 = arith.constant 1.000000e+00 : f32
    %logistic3A_766 = vector.broadcast %logistic3A_765 : f32 to vector<512x16xf32>
    %logistic3A_767 = arith.addf %logistic3A_766, %logistic3A_764 : vector<512x16xf32>
    %logistic3A_768 = arith.divf %logistic3A_766, %logistic3A_767 : vector<512x16xf32>
    %mul3A_769 = arith.mulf %logistic3A_761, %add3A_714 : vector<512x16xf32>
    %mul3A_770 = arith.mulf %logistic3A_755, %tanh3A_762 : vector<512x16xf32>
    %add3A_771 = arith.addf %mul3A_769, %mul3A_770 : vector<512x16xf32>
    %tanh3A_772 = math.tanh %add3A_771 : vector<512x16xf32>
    %mul3A_773 = arith.mulf %logistic3A_768, %tanh3A_772 : vector<512x16xf32>
    %get3A_774 = arith.constant 13 : index
    %get3A_775 = arith.constant 0 : index
    %get3A_776 = arith.constant 0 : index
    %get3A_777 = vector.load %arg1[%get3A_774, %get3A_775, %get3A_776] : memref<24x512x64xf32, #tpu.memory_space<vmem>>, vector<1x512x64xf32>
    %get3A_778 = vector.shape_cast %get3A_777 : vector<1x512x64xf32> to vector<512x64xf32>
    %dot_general3A_779 = arith.constant dense<0.000000e+00> : vector<512x16xf32>
    %dot_general3A_780 = tpu.matmul %get3A_778, %get3A_1, %dot_general3A_779 {dimension_numbers = #tpu.dot_dimension_numbers<[1], [0], [0], [1], [0, 0, 1, 1], [], []>, transpose_lhs_hint = false} : vector<512x64xf32>, vector<64x16xf32>, vector<512x16xf32> -> vector<512x16xf32>
    %dot_general3A_781 = arith.constant dense<0.000000e+00> : vector<512x16xf32>
    %dot_general3A_782 = tpu.matmul %mul3A_773, %get3A_13, %dot_general3A_781 {dimension_numbers = #tpu.dot_dimension_numbers<[1], [0], [0], [1], [0, 0, 1, 1], [], []>, transpose_lhs_hint = false} : vector<512x16xf32>, vector<16x16xf32>, vector<512x16xf32> -> vector<512x16xf32>
    %add3A_783 = arith.addf %dot_general3A_780, %dot_general3A_782 : vector<512x16xf32>
    %add3A_784 = vector.broadcast %get3A_25 : vector<1x16xf32> to vector<512x16xf32>
    %add3A_785 = arith.addf %add3A_783, %add3A_784 : vector<512x16xf32>
    %dot_general3A_786 = arith.constant dense<0.000000e+00> : vector<512x16xf32>
    %dot_general3A_787 = tpu.matmul %get3A_778, %get3A_4, %dot_general3A_786 {dimension_numbers = #tpu.dot_dimension_numbers<[1], [0], [0], [1], [0, 0, 1, 1], [], []>, transpose_lhs_hint = false} : vector<512x64xf32>, vector<64x16xf32>, vector<512x16xf32> -> vector<512x16xf32>
    %dot_general3A_788 = arith.constant dense<0.000000e+00> : vector<512x16xf32>
    %dot_general3A_789 = tpu.matmul %mul3A_773, %get3A_16, %dot_general3A_788 {dimension_numbers = #tpu.dot_dimension_numbers<[1], [0], [0], [1], [0, 0, 1, 1], [], []>, transpose_lhs_hint = false} : vector<512x16xf32>, vector<16x16xf32>, vector<512x16xf32> -> vector<512x16xf32>
    %add3A_790 = arith.addf %dot_general3A_787, %dot_general3A_789 : vector<512x16xf32>
    %add3A_791 = vector.broadcast %get3A_28 : vector<1x16xf32> to vector<512x16xf32>
    %add3A_792 = arith.addf %add3A_790, %add3A_791 : vector<512x16xf32>
    %dot_general3A_793 = arith.constant dense<0.000000e+00> : vector<512x16xf32>
    %dot_general3A_794 = tpu.matmul %get3A_778, %get3A_7, %dot_general3A_793 {dimension_numbers = #tpu.dot_dimension_numbers<[1], [0], [0], [1], [0, 0, 1, 1], [], []>, transpose_lhs_hint = false} : vector<512x64xf32>, vector<64x16xf32>, vector<512x16xf32> -> vector<512x16xf32>
    %dot_general3A_795 = arith.constant dense<0.000000e+00> : vector<512x16xf32>
    %dot_general3A_796 = tpu.matmul %mul3A_773, %get3A_19, %dot_general3A_795 {dimension_numbers = #tpu.dot_dimension_numbers<[1], [0], [0], [1], [0, 0, 1, 1], [], []>, transpose_lhs_hint = false} : vector<512x16xf32>, vector<16x16xf32>, vector<512x16xf32> -> vector<512x16xf32>
    %add3A_797 = arith.addf %dot_general3A_794, %dot_general3A_796 : vector<512x16xf32>
    %add3A_798 = vector.broadcast %get3A_31 : vector<1x16xf32> to vector<512x16xf32>
    %add3A_799 = arith.addf %add3A_797, %add3A_798 : vector<512x16xf32>
    %dot_general3A_800 = arith.constant dense<0.000000e+00> : vector<512x16xf32>
    %dot_general3A_801 = tpu.matmul %get3A_778, %get3A_10, %dot_general3A_800 {dimension_numbers = #tpu.dot_dimension_numbers<[1], [0], [0], [1], [0, 0, 1, 1], [], []>, transpose_lhs_hint = false} : vector<512x64xf32>, vector<64x16xf32>, vector<512x16xf32> -> vector<512x16xf32>
    %dot_general3A_802 = arith.constant dense<0.000000e+00> : vector<512x16xf32>
    %dot_general3A_803 = tpu.matmul %mul3A_773, %get3A_22, %dot_general3A_802 {dimension_numbers = #tpu.dot_dimension_numbers<[1], [0], [0], [1], [0, 0, 1, 1], [], []>, transpose_lhs_hint = false} : vector<512x16xf32>, vector<16x16xf32>, vector<512x16xf32> -> vector<512x16xf32>
    %add3A_804 = arith.addf %dot_general3A_801, %dot_general3A_803 : vector<512x16xf32>
    %add3A_805 = vector.broadcast %get3A_34 : vector<1x16xf32> to vector<512x16xf32>
    %add3A_806 = arith.addf %add3A_804, %add3A_805 : vector<512x16xf32>
    %logistic3A_807 = arith.negf %add3A_785 : vector<512x16xf32>
    %logistic3A_808 = math.exp %logistic3A_807 : vector<512x16xf32>
    %logistic3A_809 = arith.constant 1.000000e+00 : f32
    %logistic3A_810 = vector.broadcast %logistic3A_809 : f32 to vector<512x16xf32>
    %logistic3A_811 = arith.addf %logistic3A_810, %logistic3A_808 : vector<512x16xf32>
    %logistic3A_812 = arith.divf %logistic3A_810, %logistic3A_811 : vector<512x16xf32>
    %logistic3A_813 = arith.negf %add3A_792 : vector<512x16xf32>
    %logistic3A_814 = math.exp %logistic3A_813 : vector<512x16xf32>
    %logistic3A_815 = arith.constant 1.000000e+00 : f32
    %logistic3A_816 = vector.broadcast %logistic3A_815 : f32 to vector<512x16xf32>
    %logistic3A_817 = arith.addf %logistic3A_816, %logistic3A_814 : vector<512x16xf32>
    %logistic3A_818 = arith.divf %logistic3A_816, %logistic3A_817 : vector<512x16xf32>
    %tanh3A_819 = math.tanh %add3A_799 : vector<512x16xf32>
    %logistic3A_820 = arith.negf %add3A_806 : vector<512x16xf32>
    %logistic3A_821 = math.exp %logistic3A_820 : vector<512x16xf32>
    %logistic3A_822 = arith.constant 1.000000e+00 : f32
    %logistic3A_823 = vector.broadcast %logistic3A_822 : f32 to vector<512x16xf32>
    %logistic3A_824 = arith.addf %logistic3A_823, %logistic3A_821 : vector<512x16xf32>
    %logistic3A_825 = arith.divf %logistic3A_823, %logistic3A_824 : vector<512x16xf32>
    %mul3A_826 = arith.mulf %logistic3A_818, %add3A_771 : vector<512x16xf32>
    %mul3A_827 = arith.mulf %logistic3A_812, %tanh3A_819 : vector<512x16xf32>
    %add3A_828 = arith.addf %mul3A_826, %mul3A_827 : vector<512x16xf32>
    %tanh3A_829 = math.tanh %add3A_828 : vector<512x16xf32>
    %mul3A_830 = arith.mulf %logistic3A_825, %tanh3A_829 : vector<512x16xf32>
    %get3A_831 = arith.constant 14 : index
    %get3A_832 = arith.constant 0 : index
    %get3A_833 = arith.constant 0 : index
    %get3A_834 = vector.load %arg1[%get3A_831, %get3A_832, %get3A_833] : memref<24x512x64xf32, #tpu.memory_space<vmem>>, vector<1x512x64xf32>
    %get3A_835 = vector.shape_cast %get3A_834 : vector<1x512x64xf32> to vector<512x64xf32>
    %dot_general3A_836 = arith.constant dense<0.000000e+00> : vector<512x16xf32>
    %dot_general3A_837 = tpu.matmul %get3A_835, %get3A_1, %dot_general3A_836 {dimension_numbers = #tpu.dot_dimension_numbers<[1], [0], [0], [1], [0, 0, 1, 1], [], []>, transpose_lhs_hint = false} : vector<512x64xf32>, vector<64x16xf32>, vector<512x16xf32> -> vector<512x16xf32>
    %dot_general3A_838 = arith.constant dense<0.000000e+00> : vector<512x16xf32>
    %dot_general3A_839 = tpu.matmul %mul3A_830, %get3A_13, %dot_general3A_838 {dimension_numbers = #tpu.dot_dimension_numbers<[1], [0], [0], [1], [0, 0, 1, 1], [], []>, transpose_lhs_hint = false} : vector<512x16xf32>, vector<16x16xf32>, vector<512x16xf32> -> vector<512x16xf32>
    %add3A_840 = arith.addf %dot_general3A_837, %dot_general3A_839 : vector<512x16xf32>
    %add3A_841 = vector.broadcast %get3A_25 : vector<1x16xf32> to vector<512x16xf32>
    %add3A_842 = arith.addf %add3A_840, %add3A_841 : vector<512x16xf32>
    %dot_general3A_843 = arith.constant dense<0.000000e+00> : vector<512x16xf32>
    %dot_general3A_844 = tpu.matmul %get3A_835, %get3A_4, %dot_general3A_843 {dimension_numbers = #tpu.dot_dimension_numbers<[1], [0], [0], [1], [0, 0, 1, 1], [], []>, transpose_lhs_hint = false} : vector<512x64xf32>, vector<64x16xf32>, vector<512x16xf32> -> vector<512x16xf32>
    %dot_general3A_845 = arith.constant dense<0.000000e+00> : vector<512x16xf32>
    %dot_general3A_846 = tpu.matmul %mul3A_830, %get3A_16, %dot_general3A_845 {dimension_numbers = #tpu.dot_dimension_numbers<[1], [0], [0], [1], [0, 0, 1, 1], [], []>, transpose_lhs_hint = false} : vector<512x16xf32>, vector<16x16xf32>, vector<512x16xf32> -> vector<512x16xf32>
    %add3A_847 = arith.addf %dot_general3A_844, %dot_general3A_846 : vector<512x16xf32>
    %add3A_848 = vector.broadcast %get3A_28 : vector<1x16xf32> to vector<512x16xf32>
    %add3A_849 = arith.addf %add3A_847, %add3A_848 : vector<512x16xf32>
    %dot_general3A_850 = arith.constant dense<0.000000e+00> : vector<512x16xf32>
    %dot_general3A_851 = tpu.matmul %get3A_835, %get3A_7, %dot_general3A_850 {dimension_numbers = #tpu.dot_dimension_numbers<[1], [0], [0], [1], [0, 0, 1, 1], [], []>, transpose_lhs_hint = false} : vector<512x64xf32>, vector<64x16xf32>, vector<512x16xf32> -> vector<512x16xf32>
    %dot_general3A_852 = arith.constant dense<0.000000e+00> : vector<512x16xf32>
    %dot_general3A_853 = tpu.matmul %mul3A_830, %get3A_19, %dot_general3A_852 {dimension_numbers = #tpu.dot_dimension_numbers<[1], [0], [0], [1], [0, 0, 1, 1], [], []>, transpose_lhs_hint = false} : vector<512x16xf32>, vector<16x16xf32>, vector<512x16xf32> -> vector<512x16xf32>
    %add3A_854 = arith.addf %dot_general3A_851, %dot_general3A_853 : vector<512x16xf32>
    %add3A_855 = vector.broadcast %get3A_31 : vector<1x16xf32> to vector<512x16xf32>
    %add3A_856 = arith.addf %add3A_854, %add3A_855 : vector<512x16xf32>
    %dot_general3A_857 = arith.constant dense<0.000000e+00> : vector<512x16xf32>
    %dot_general3A_858 = tpu.matmul %get3A_835, %get3A_10, %dot_general3A_857 {dimension_numbers = #tpu.dot_dimension_numbers<[1], [0], [0], [1], [0, 0, 1, 1], [], []>, transpose_lhs_hint = false} : vector<512x64xf32>, vector<64x16xf32>, vector<512x16xf32> -> vector<512x16xf32>
    %dot_general3A_859 = arith.constant dense<0.000000e+00> : vector<512x16xf32>
    %dot_general3A_860 = tpu.matmul %mul3A_830, %get3A_22, %dot_general3A_859 {dimension_numbers = #tpu.dot_dimension_numbers<[1], [0], [0], [1], [0, 0, 1, 1], [], []>, transpose_lhs_hint = false} : vector<512x16xf32>, vector<16x16xf32>, vector<512x16xf32> -> vector<512x16xf32>
    %add3A_861 = arith.addf %dot_general3A_858, %dot_general3A_860 : vector<512x16xf32>
    %add3A_862 = vector.broadcast %get3A_34 : vector<1x16xf32> to vector<512x16xf32>
    %add3A_863 = arith.addf %add3A_861, %add3A_862 : vector<512x16xf32>
    %logistic3A_864 = arith.negf %add3A_842 : vector<512x16xf32>
    %logistic3A_865 = math.exp %logistic3A_864 : vector<512x16xf32>
    %logistic3A_866 = arith.constant 1.000000e+00 : f32
    %logistic3A_867 = vector.broadcast %logistic3A_866 : f32 to vector<512x16xf32>
    %logistic3A_868 = arith.addf %logistic3A_867, %logistic3A_865 : vector<512x16xf32>
    %logistic3A_869 = arith.divf %logistic3A_867, %logistic3A_868 : vector<512x16xf32>
    %logistic3A_870 = arith.negf %add3A_849 : vector<512x16xf32>
    %logistic3A_871 = math.exp %logistic3A_870 : vector<512x16xf32>
    %logistic3A_872 = arith.constant 1.000000e+00 : f32
    %logistic3A_873 = vector.broadcast %logistic3A_872 : f32 to vector<512x16xf32>
    %logistic3A_874 = arith.addf %logistic3A_873, %logistic3A_871 : vector<512x16xf32>
    %logistic3A_875 = arith.divf %logistic3A_873, %logistic3A_874 : vector<512x16xf32>
    %tanh3A_876 = math.tanh %add3A_856 : vector<512x16xf32>
    %logistic3A_877 = arith.negf %add3A_863 : vector<512x16xf32>
    %logistic3A_878 = math.exp %logistic3A_877 : vector<512x16xf32>
    %logistic3A_879 = arith.constant 1.000000e+00 : f32
    %logistic3A_880 = vector.broadcast %logistic3A_879 : f32 to vector<512x16xf32>
    %logistic3A_881 = arith.addf %logistic3A_880, %logistic3A_878 : vector<512x16xf32>
    %logistic3A_882 = arith.divf %logistic3A_880, %logistic3A_881 : vector<512x16xf32>
    %mul3A_883 = arith.mulf %logistic3A_875, %add3A_828 : vector<512x16xf32>
    %mul3A_884 = arith.mulf %logistic3A_869, %tanh3A_876 : vector<512x16xf32>
    %add3A_885 = arith.addf %mul3A_883, %mul3A_884 : vector<512x16xf32>
    %tanh3A_886 = math.tanh %add3A_885 : vector<512x16xf32>
    %mul3A_887 = arith.mulf %logistic3A_882, %tanh3A_886 : vector<512x16xf32>
    %get3A_888 = arith.constant 15 : index
    %get3A_889 = arith.constant 0 : index
    %get3A_890 = arith.constant 0 : index
    %get3A_891 = vector.load %arg1[%get3A_888, %get3A_889, %get3A_890] : memref<24x512x64xf32, #tpu.memory_space<vmem>>, vector<1x512x64xf32>
    %get3A_892 = vector.shape_cast %get3A_891 : vector<1x512x64xf32> to vector<512x64xf32>
    %dot_general3A_893 = arith.constant dense<0.000000e+00> : vector<512x16xf32>
    %dot_general3A_894 = tpu.matmul %get3A_892, %get3A_1, %dot_general3A_893 {dimension_numbers = #tpu.dot_dimension_numbers<[1], [0], [0], [1], [0, 0, 1, 1], [], []>, transpose_lhs_hint = false} : vector<512x64xf32>, vector<64x16xf32>, vector<512x16xf32> -> vector<512x16xf32>
    %dot_general3A_895 = arith.constant dense<0.000000e+00> : vector<512x16xf32>
    %dot_general3A_896 = tpu.matmul %mul3A_887, %get3A_13, %dot_general3A_895 {dimension_numbers = #tpu.dot_dimension_numbers<[1], [0], [0], [1], [0, 0, 1, 1], [], []>, transpose_lhs_hint = false} : vector<512x16xf32>, vector<16x16xf32>, vector<512x16xf32> -> vector<512x16xf32>
    %add3A_897 = arith.addf %dot_general3A_894, %dot_general3A_896 : vector<512x16xf32>
    %add3A_898 = vector.broadcast %get3A_25 : vector<1x16xf32> to vector<512x16xf32>
    %add3A_899 = arith.addf %add3A_897, %add3A_898 : vector<512x16xf32>
    %dot_general3A_900 = arith.constant dense<0.000000e+00> : vector<512x16xf32>
    %dot_general3A_901 = tpu.matmul %get3A_892, %get3A_4, %dot_general3A_900 {dimension_numbers = #tpu.dot_dimension_numbers<[1], [0], [0], [1], [0, 0, 1, 1], [], []>, transpose_lhs_hint = false} : vector<512x64xf32>, vector<64x16xf32>, vector<512x16xf32> -> vector<512x16xf32>
    %dot_general3A_902 = arith.constant dense<0.000000e+00> : vector<512x16xf32>
    %dot_general3A_903 = tpu.matmul %mul3A_887, %get3A_16, %dot_general3A_902 {dimension_numbers = #tpu.dot_dimension_numbers<[1], [0], [0], [1], [0, 0, 1, 1], [], []>, transpose_lhs_hint = false} : vector<512x16xf32>, vector<16x16xf32>, vector<512x16xf32> -> vector<512x16xf32>
    %add3A_904 = arith.addf %dot_general3A_901, %dot_general3A_903 : vector<512x16xf32>
    %add3A_905 = vector.broadcast %get3A_28 : vector<1x16xf32> to vector<512x16xf32>
    %add3A_906 = arith.addf %add3A_904, %add3A_905 : vector<512x16xf32>
    %dot_general3A_907 = arith.constant dense<0.000000e+00> : vector<512x16xf32>
    %dot_general3A_908 = tpu.matmul %get3A_892, %get3A_7, %dot_general3A_907 {dimension_numbers = #tpu.dot_dimension_numbers<[1], [0], [0], [1], [0, 0, 1, 1], [], []>, transpose_lhs_hint = false} : vector<512x64xf32>, vector<64x16xf32>, vector<512x16xf32> -> vector<512x16xf32>
    %dot_general3A_909 = arith.constant dense<0.000000e+00> : vector<512x16xf32>
    %dot_general3A_910 = tpu.matmul %mul3A_887, %get3A_19, %dot_general3A_909 {dimension_numbers = #tpu.dot_dimension_numbers<[1], [0], [0], [1], [0, 0, 1, 1], [], []>, transpose_lhs_hint = false} : vector<512x16xf32>, vector<16x16xf32>, vector<512x16xf32> -> vector<512x16xf32>
    %add3A_911 = arith.addf %dot_general3A_908, %dot_general3A_910 : vector<512x16xf32>
    %add3A_912 = vector.broadcast %get3A_31 : vector<1x16xf32> to vector<512x16xf32>
    %add3A_913 = arith.addf %add3A_911, %add3A_912 : vector<512x16xf32>
    %dot_general3A_914 = arith.constant dense<0.000000e+00> : vector<512x16xf32>
    %dot_general3A_915 = tpu.matmul %get3A_892, %get3A_10, %dot_general3A_914 {dimension_numbers = #tpu.dot_dimension_numbers<[1], [0], [0], [1], [0, 0, 1, 1], [], []>, transpose_lhs_hint = false} : vector<512x64xf32>, vector<64x16xf32>, vector<512x16xf32> -> vector<512x16xf32>
    %dot_general3A_916 = arith.constant dense<0.000000e+00> : vector<512x16xf32>
    %dot_general3A_917 = tpu.matmul %mul3A_887, %get3A_22, %dot_general3A_916 {dimension_numbers = #tpu.dot_dimension_numbers<[1], [0], [0], [1], [0, 0, 1, 1], [], []>, transpose_lhs_hint = false} : vector<512x16xf32>, vector<16x16xf32>, vector<512x16xf32> -> vector<512x16xf32>
    %add3A_918 = arith.addf %dot_general3A_915, %dot_general3A_917 : vector<512x16xf32>
    %add3A_919 = vector.broadcast %get3A_34 : vector<1x16xf32> to vector<512x16xf32>
    %add3A_920 = arith.addf %add3A_918, %add3A_919 : vector<512x16xf32>
    %logistic3A_921 = arith.negf %add3A_899 : vector<512x16xf32>
    %logistic3A_922 = math.exp %logistic3A_921 : vector<512x16xf32>
    %logistic3A_923 = arith.constant 1.000000e+00 : f32
    %logistic3A_924 = vector.broadcast %logistic3A_923 : f32 to vector<512x16xf32>
    %logistic3A_925 = arith.addf %logistic3A_924, %logistic3A_922 : vector<512x16xf32>
    %logistic3A_926 = arith.divf %logistic3A_924, %logistic3A_925 : vector<512x16xf32>
    %logistic3A_927 = arith.negf %add3A_906 : vector<512x16xf32>
    %logistic3A_928 = math.exp %logistic3A_927 : vector<512x16xf32>
    %logistic3A_929 = arith.constant 1.000000e+00 : f32
    %logistic3A_930 = vector.broadcast %logistic3A_929 : f32 to vector<512x16xf32>
    %logistic3A_931 = arith.addf %logistic3A_930, %logistic3A_928 : vector<512x16xf32>
    %logistic3A_932 = arith.divf %logistic3A_930, %logistic3A_931 : vector<512x16xf32>
    %tanh3A_933 = math.tanh %add3A_913 : vector<512x16xf32>
    %logistic3A_934 = arith.negf %add3A_920 : vector<512x16xf32>
    %logistic3A_935 = math.exp %logistic3A_934 : vector<512x16xf32>
    %logistic3A_936 = arith.constant 1.000000e+00 : f32
    %logistic3A_937 = vector.broadcast %logistic3A_936 : f32 to vector<512x16xf32>
    %logistic3A_938 = arith.addf %logistic3A_937, %logistic3A_935 : vector<512x16xf32>
    %logistic3A_939 = arith.divf %logistic3A_937, %logistic3A_938 : vector<512x16xf32>
    %mul3A_940 = arith.mulf %logistic3A_932, %add3A_885 : vector<512x16xf32>
    %mul3A_941 = arith.mulf %logistic3A_926, %tanh3A_933 : vector<512x16xf32>
    %add3A_942 = arith.addf %mul3A_940, %mul3A_941 : vector<512x16xf32>
    %tanh3A_943 = math.tanh %add3A_942 : vector<512x16xf32>
    %mul3A_944 = arith.mulf %logistic3A_939, %tanh3A_943 : vector<512x16xf32>
    %get3A_945 = arith.constant 16 : index
    %get3A_946 = arith.constant 0 : index
    %get3A_947 = arith.constant 0 : index
    %get3A_948 = vector.load %arg1[%get3A_945, %get3A_946, %get3A_947] : memref<24x512x64xf32, #tpu.memory_space<vmem>>, vector<1x512x64xf32>
    %get3A_949 = vector.shape_cast %get3A_948 : vector<1x512x64xf32> to vector<512x64xf32>
    %dot_general3A_950 = arith.constant dense<0.000000e+00> : vector<512x16xf32>
    %dot_general3A_951 = tpu.matmul %get3A_949, %get3A_1, %dot_general3A_950 {dimension_numbers = #tpu.dot_dimension_numbers<[1], [0], [0], [1], [0, 0, 1, 1], [], []>, transpose_lhs_hint = false} : vector<512x64xf32>, vector<64x16xf32>, vector<512x16xf32> -> vector<512x16xf32>
    %dot_general3A_952 = arith.constant dense<0.000000e+00> : vector<512x16xf32>
    %dot_general3A_953 = tpu.matmul %mul3A_944, %get3A_13, %dot_general3A_952 {dimension_numbers = #tpu.dot_dimension_numbers<[1], [0], [0], [1], [0, 0, 1, 1], [], []>, transpose_lhs_hint = false} : vector<512x16xf32>, vector<16x16xf32>, vector<512x16xf32> -> vector<512x16xf32>
    %add3A_954 = arith.addf %dot_general3A_951, %dot_general3A_953 : vector<512x16xf32>
    %add3A_955 = vector.broadcast %get3A_25 : vector<1x16xf32> to vector<512x16xf32>
    %add3A_956 = arith.addf %add3A_954, %add3A_955 : vector<512x16xf32>
    %dot_general3A_957 = arith.constant dense<0.000000e+00> : vector<512x16xf32>
    %dot_general3A_958 = tpu.matmul %get3A_949, %get3A_4, %dot_general3A_957 {dimension_numbers = #tpu.dot_dimension_numbers<[1], [0], [0], [1], [0, 0, 1, 1], [], []>, transpose_lhs_hint = false} : vector<512x64xf32>, vector<64x16xf32>, vector<512x16xf32> -> vector<512x16xf32>
    %dot_general3A_959 = arith.constant dense<0.000000e+00> : vector<512x16xf32>
    %dot_general3A_960 = tpu.matmul %mul3A_944, %get3A_16, %dot_general3A_959 {dimension_numbers = #tpu.dot_dimension_numbers<[1], [0], [0], [1], [0, 0, 1, 1], [], []>, transpose_lhs_hint = false} : vector<512x16xf32>, vector<16x16xf32>, vector<512x16xf32> -> vector<512x16xf32>
    %add3A_961 = arith.addf %dot_general3A_958, %dot_general3A_960 : vector<512x16xf32>
    %add3A_962 = vector.broadcast %get3A_28 : vector<1x16xf32> to vector<512x16xf32>
    %add3A_963 = arith.addf %add3A_961, %add3A_962 : vector<512x16xf32>
    %dot_general3A_964 = arith.constant dense<0.000000e+00> : vector<512x16xf32>
    %dot_general3A_965 = tpu.matmul %get3A_949, %get3A_7, %dot_general3A_964 {dimension_numbers = #tpu.dot_dimension_numbers<[1], [0], [0], [1], [0, 0, 1, 1], [], []>, transpose_lhs_hint = false} : vector<512x64xf32>, vector<64x16xf32>, vector<512x16xf32> -> vector<512x16xf32>
    %dot_general3A_966 = arith.constant dense<0.000000e+00> : vector<512x16xf32>
    %dot_general3A_967 = tpu.matmul %mul3A_944, %get3A_19, %dot_general3A_966 {dimension_numbers = #tpu.dot_dimension_numbers<[1], [0], [0], [1], [0, 0, 1, 1], [], []>, transpose_lhs_hint = false} : vector<512x16xf32>, vector<16x16xf32>, vector<512x16xf32> -> vector<512x16xf32>
    %add3A_968 = arith.addf %dot_general3A_965, %dot_general3A_967 : vector<512x16xf32>
    %add3A_969 = vector.broadcast %get3A_31 : vector<1x16xf32> to vector<512x16xf32>
    %add3A_970 = arith.addf %add3A_968, %add3A_969 : vector<512x16xf32>
    %dot_general3A_971 = arith.constant dense<0.000000e+00> : vector<512x16xf32>
    %dot_general3A_972 = tpu.matmul %get3A_949, %get3A_10, %dot_general3A_971 {dimension_numbers = #tpu.dot_dimension_numbers<[1], [0], [0], [1], [0, 0, 1, 1], [], []>, transpose_lhs_hint = false} : vector<512x64xf32>, vector<64x16xf32>, vector<512x16xf32> -> vector<512x16xf32>
    %dot_general3A_973 = arith.constant dense<0.000000e+00> : vector<512x16xf32>
    %dot_general3A_974 = tpu.matmul %mul3A_944, %get3A_22, %dot_general3A_973 {dimension_numbers = #tpu.dot_dimension_numbers<[1], [0], [0], [1], [0, 0, 1, 1], [], []>, transpose_lhs_hint = false} : vector<512x16xf32>, vector<16x16xf32>, vector<512x16xf32> -> vector<512x16xf32>
    %add3A_975 = arith.addf %dot_general3A_972, %dot_general3A_974 : vector<512x16xf32>
    %add3A_976 = vector.broadcast %get3A_34 : vector<1x16xf32> to vector<512x16xf32>
    %add3A_977 = arith.addf %add3A_975, %add3A_976 : vector<512x16xf32>
    %logistic3A_978 = arith.negf %add3A_956 : vector<512x16xf32>
    %logistic3A_979 = math.exp %logistic3A_978 : vector<512x16xf32>
    %logistic3A_980 = arith.constant 1.000000e+00 : f32
    %logistic3A_981 = vector.broadcast %logistic3A_980 : f32 to vector<512x16xf32>
    %logistic3A_982 = arith.addf %logistic3A_981, %logistic3A_979 : vector<512x16xf32>
    %logistic3A_983 = arith.divf %logistic3A_981, %logistic3A_982 : vector<512x16xf32>
    %logistic3A_984 = arith.negf %add3A_963 : vector<512x16xf32>
    %logistic3A_985 = math.exp %logistic3A_984 : vector<512x16xf32>
    %logistic3A_986 = arith.constant 1.000000e+00 : f32
    %logistic3A_987 = vector.broadcast %logistic3A_986 : f32 to vector<512x16xf32>
    %logistic3A_988 = arith.addf %logistic3A_987, %logistic3A_985 : vector<512x16xf32>
    %logistic3A_989 = arith.divf %logistic3A_987, %logistic3A_988 : vector<512x16xf32>
    %tanh3A_990 = math.tanh %add3A_970 : vector<512x16xf32>
    %logistic3A_991 = arith.negf %add3A_977 : vector<512x16xf32>
    %logistic3A_992 = math.exp %logistic3A_991 : vector<512x16xf32>
    %logistic3A_993 = arith.constant 1.000000e+00 : f32
    %logistic3A_994 = vector.broadcast %logistic3A_993 : f32 to vector<512x16xf32>
    %logistic3A_995 = arith.addf %logistic3A_994, %logistic3A_992 : vector<512x16xf32>
    %logistic3A_996 = arith.divf %logistic3A_994, %logistic3A_995 : vector<512x16xf32>
    %mul3A_997 = arith.mulf %logistic3A_989, %add3A_942 : vector<512x16xf32>
    %mul3A_998 = arith.mulf %logistic3A_983, %tanh3A_990 : vector<512x16xf32>
    %add3A_999 = arith.addf %mul3A_997, %mul3A_998 : vector<512x16xf32>
    %tanh3A_1000 = math.tanh %add3A_999 : vector<512x16xf32>
    %mul3A_1001 = arith.mulf %logistic3A_996, %tanh3A_1000 : vector<512x16xf32>
    %get3A_1002 = arith.constant 17 : index
    %get3A_1003 = arith.constant 0 : index
    %get3A_1004 = arith.constant 0 : index
    %get3A_1005 = vector.load %arg1[%get3A_1002, %get3A_1003, %get3A_1004] : memref<24x512x64xf32, #tpu.memory_space<vmem>>, vector<1x512x64xf32>
    %get3A_1006 = vector.shape_cast %get3A_1005 : vector<1x512x64xf32> to vector<512x64xf32>
    %dot_general3A_1007 = arith.constant dense<0.000000e+00> : vector<512x16xf32>
    %dot_general3A_1008 = tpu.matmul %get3A_1006, %get3A_1, %dot_general3A_1007 {dimension_numbers = #tpu.dot_dimension_numbers<[1], [0], [0], [1], [0, 0, 1, 1], [], []>, transpose_lhs_hint = false} : vector<512x64xf32>, vector<64x16xf32>, vector<512x16xf32> -> vector<512x16xf32>
    %dot_general3A_1009 = arith.constant dense<0.000000e+00> : vector<512x16xf32>
    %dot_general3A_1010 = tpu.matmul %mul3A_1001, %get3A_13, %dot_general3A_1009 {dimension_numbers = #tpu.dot_dimension_numbers<[1], [0], [0], [1], [0, 0, 1, 1], [], []>, transpose_lhs_hint = false} : vector<512x16xf32>, vector<16x16xf32>, vector<512x16xf32> -> vector<512x16xf32>
    %add3A_1011 = arith.addf %dot_general3A_1008, %dot_general3A_1010 : vector<512x16xf32>
    %add3A_1012 = vector.broadcast %get3A_25 : vector<1x16xf32> to vector<512x16xf32>
    %add3A_1013 = arith.addf %add3A_1011, %add3A_1012 : vector<512x16xf32>
    %dot_general3A_1014 = arith.constant dense<0.000000e+00> : vector<512x16xf32>
    %dot_general3A_1015 = tpu.matmul %get3A_1006, %get3A_4, %dot_general3A_1014 {dimension_numbers = #tpu.dot_dimension_numbers<[1], [0], [0], [1], [0, 0, 1, 1], [], []>, transpose_lhs_hint = false} : vector<512x64xf32>, vector<64x16xf32>, vector<512x16xf32> -> vector<512x16xf32>
    %dot_general3A_1016 = arith.constant dense<0.000000e+00> : vector<512x16xf32>
    %dot_general3A_1017 = tpu.matmul %mul3A_1001, %get3A_16, %dot_general3A_1016 {dimension_numbers = #tpu.dot_dimension_numbers<[1], [0], [0], [1], [0, 0, 1, 1], [], []>, transpose_lhs_hint = false} : vector<512x16xf32>, vector<16x16xf32>, vector<512x16xf32> -> vector<512x16xf32>
    %add3A_1018 = arith.addf %dot_general3A_1015, %dot_general3A_1017 : vector<512x16xf32>
    %add3A_1019 = vector.broadcast %get3A_28 : vector<1x16xf32> to vector<512x16xf32>
    %add3A_1020 = arith.addf %add3A_1018, %add3A_1019 : vector<512x16xf32>
    %dot_general3A_1021 = arith.constant dense<0.000000e+00> : vector<512x16xf32>
    %dot_general3A_1022 = tpu.matmul %get3A_1006, %get3A_7, %dot_general3A_1021 {dimension_numbers = #tpu.dot_dimension_numbers<[1], [0], [0], [1], [0, 0, 1, 1], [], []>, transpose_lhs_hint = false} : vector<512x64xf32>, vector<64x16xf32>, vector<512x16xf32> -> vector<512x16xf32>
    %dot_general3A_1023 = arith.constant dense<0.000000e+00> : vector<512x16xf32>
    %dot_general3A_1024 = tpu.matmul %mul3A_1001, %get3A_19, %dot_general3A_1023 {dimension_numbers = #tpu.dot_dimension_numbers<[1], [0], [0], [1], [0, 0, 1, 1], [], []>, transpose_lhs_hint = false} : vector<512x16xf32>, vector<16x16xf32>, vector<512x16xf32> -> vector<512x16xf32>
    %add3A_1025 = arith.addf %dot_general3A_1022, %dot_general3A_1024 : vector<512x16xf32>
    %add3A_1026 = vector.broadcast %get3A_31 : vector<1x16xf32> to vector<512x16xf32>
    %add3A_1027 = arith.addf %add3A_1025, %add3A_1026 : vector<512x16xf32>
    %dot_general3A_1028 = arith.constant dense<0.000000e+00> : vector<512x16xf32>
    %dot_general3A_1029 = tpu.matmul %get3A_1006, %get3A_10, %dot_general3A_1028 {dimension_numbers = #tpu.dot_dimension_numbers<[1], [0], [0], [1], [0, 0, 1, 1], [], []>, transpose_lhs_hint = false} : vector<512x64xf32>, vector<64x16xf32>, vector<512x16xf32> -> vector<512x16xf32>
    %dot_general3A_1030 = arith.constant dense<0.000000e+00> : vector<512x16xf32>
    %dot_general3A_1031 = tpu.matmul %mul3A_1001, %get3A_22, %dot_general3A_1030 {dimension_numbers = #tpu.dot_dimension_numbers<[1], [0], [0], [1], [0, 0, 1, 1], [], []>, transpose_lhs_hint = false} : vector<512x16xf32>, vector<16x16xf32>, vector<512x16xf32> -> vector<512x16xf32>
    %add3A_1032 = arith.addf %dot_general3A_1029, %dot_general3A_1031 : vector<512x16xf32>
    %add3A_1033 = vector.broadcast %get3A_34 : vector<1x16xf32> to vector<512x16xf32>
    %add3A_1034 = arith.addf %add3A_1032, %add3A_1033 : vector<512x16xf32>
    %logistic3A_1035 = arith.negf %add3A_1013 : vector<512x16xf32>
    %logistic3A_1036 = math.exp %logistic3A_1035 : vector<512x16xf32>
    %logistic3A_1037 = arith.constant 1.000000e+00 : f32
    %logistic3A_1038 = vector.broadcast %logistic3A_1037 : f32 to vector<512x16xf32>
    %logistic3A_1039 = arith.addf %logistic3A_1038, %logistic3A_1036 : vector<512x16xf32>
    %logistic3A_1040 = arith.divf %logistic3A_1038, %logistic3A_1039 : vector<512x16xf32>
    %logistic3A_1041 = arith.negf %add3A_1020 : vector<512x16xf32>
    %logistic3A_1042 = math.exp %logistic3A_1041 : vector<512x16xf32>
    %logistic3A_1043 = arith.constant 1.000000e+00 : f32
    %logistic3A_1044 = vector.broadcast %logistic3A_1043 : f32 to vector<512x16xf32>
    %logistic3A_1045 = arith.addf %logistic3A_1044, %logistic3A_1042 : vector<512x16xf32>
    %logistic3A_1046 = arith.divf %logistic3A_1044, %logistic3A_1045 : vector<512x16xf32>
    %tanh3A_1047 = math.tanh %add3A_1027 : vector<512x16xf32>
    %logistic3A_1048 = arith.negf %add3A_1034 : vector<512x16xf32>
    %logistic3A_1049 = math.exp %logistic3A_1048 : vector<512x16xf32>
    %logistic3A_1050 = arith.constant 1.000000e+00 : f32
    %logistic3A_1051 = vector.broadcast %logistic3A_1050 : f32 to vector<512x16xf32>
    %logistic3A_1052 = arith.addf %logistic3A_1051, %logistic3A_1049 : vector<512x16xf32>
    %logistic3A_1053 = arith.divf %logistic3A_1051, %logistic3A_1052 : vector<512x16xf32>
    %mul3A_1054 = arith.mulf %logistic3A_1046, %add3A_999 : vector<512x16xf32>
    %mul3A_1055 = arith.mulf %logistic3A_1040, %tanh3A_1047 : vector<512x16xf32>
    %add3A_1056 = arith.addf %mul3A_1054, %mul3A_1055 : vector<512x16xf32>
    %tanh3A_1057 = math.tanh %add3A_1056 : vector<512x16xf32>
    %mul3A_1058 = arith.mulf %logistic3A_1053, %tanh3A_1057 : vector<512x16xf32>
    %get3A_1059 = arith.constant 18 : index
    %get3A_1060 = arith.constant 0 : index
    %get3A_1061 = arith.constant 0 : index
    %get3A_1062 = vector.load %arg1[%get3A_1059, %get3A_1060, %get3A_1061] : memref<24x512x64xf32, #tpu.memory_space<vmem>>, vector<1x512x64xf32>
    %get3A_1063 = vector.shape_cast %get3A_1062 : vector<1x512x64xf32> to vector<512x64xf32>
    %dot_general3A_1064 = arith.constant dense<0.000000e+00> : vector<512x16xf32>
    %dot_general3A_1065 = tpu.matmul %get3A_1063, %get3A_1, %dot_general3A_1064 {dimension_numbers = #tpu.dot_dimension_numbers<[1], [0], [0], [1], [0, 0, 1, 1], [], []>, transpose_lhs_hint = false} : vector<512x64xf32>, vector<64x16xf32>, vector<512x16xf32> -> vector<512x16xf32>
    %dot_general3A_1066 = arith.constant dense<0.000000e+00> : vector<512x16xf32>
    %dot_general3A_1067 = tpu.matmul %mul3A_1058, %get3A_13, %dot_general3A_1066 {dimension_numbers = #tpu.dot_dimension_numbers<[1], [0], [0], [1], [0, 0, 1, 1], [], []>, transpose_lhs_hint = false} : vector<512x16xf32>, vector<16x16xf32>, vector<512x16xf32> -> vector<512x16xf32>
    %add3A_1068 = arith.addf %dot_general3A_1065, %dot_general3A_1067 : vector<512x16xf32>
    %add3A_1069 = vector.broadcast %get3A_25 : vector<1x16xf32> to vector<512x16xf32>
    %add3A_1070 = arith.addf %add3A_1068, %add3A_1069 : vector<512x16xf32>
    %dot_general3A_1071 = arith.constant dense<0.000000e+00> : vector<512x16xf32>
    %dot_general3A_1072 = tpu.matmul %get3A_1063, %get3A_4, %dot_general3A_1071 {dimension_numbers = #tpu.dot_dimension_numbers<[1], [0], [0], [1], [0, 0, 1, 1], [], []>, transpose_lhs_hint = false} : vector<512x64xf32>, vector<64x16xf32>, vector<512x16xf32> -> vector<512x16xf32>
    %dot_general3A_1073 = arith.constant dense<0.000000e+00> : vector<512x16xf32>
    %dot_general3A_1074 = tpu.matmul %mul3A_1058, %get3A_16, %dot_general3A_1073 {dimension_numbers = #tpu.dot_dimension_numbers<[1], [0], [0], [1], [0, 0, 1, 1], [], []>, transpose_lhs_hint = false} : vector<512x16xf32>, vector<16x16xf32>, vector<512x16xf32> -> vector<512x16xf32>
    %add3A_1075 = arith.addf %dot_general3A_1072, %dot_general3A_1074 : vector<512x16xf32>
    %add3A_1076 = vector.broadcast %get3A_28 : vector<1x16xf32> to vector<512x16xf32>
    %add3A_1077 = arith.addf %add3A_1075, %add3A_1076 : vector<512x16xf32>
    %dot_general3A_1078 = arith.constant dense<0.000000e+00> : vector<512x16xf32>
    %dot_general3A_1079 = tpu.matmul %get3A_1063, %get3A_7, %dot_general3A_1078 {dimension_numbers = #tpu.dot_dimension_numbers<[1], [0], [0], [1], [0, 0, 1, 1], [], []>, transpose_lhs_hint = false} : vector<512x64xf32>, vector<64x16xf32>, vector<512x16xf32> -> vector<512x16xf32>
    %dot_general3A_1080 = arith.constant dense<0.000000e+00> : vector<512x16xf32>
    %dot_general3A_1081 = tpu.matmul %mul3A_1058, %get3A_19, %dot_general3A_1080 {dimension_numbers = #tpu.dot_dimension_numbers<[1], [0], [0], [1], [0, 0, 1, 1], [], []>, transpose_lhs_hint = false} : vector<512x16xf32>, vector<16x16xf32>, vector<512x16xf32> -> vector<512x16xf32>
    %add3A_1082 = arith.addf %dot_general3A_1079, %dot_general3A_1081 : vector<512x16xf32>
    %add3A_1083 = vector.broadcast %get3A_31 : vector<1x16xf32> to vector<512x16xf32>
    %add3A_1084 = arith.addf %add3A_1082, %add3A_1083 : vector<512x16xf32>
    %dot_general3A_1085 = arith.constant dense<0.000000e+00> : vector<512x16xf32>
    %dot_general3A_1086 = tpu.matmul %get3A_1063, %get3A_10, %dot_general3A_1085 {dimension_numbers = #tpu.dot_dimension_numbers<[1], [0], [0], [1], [0, 0, 1, 1], [], []>, transpose_lhs_hint = false} : vector<512x64xf32>, vector<64x16xf32>, vector<512x16xf32> -> vector<512x16xf32>
    %dot_general3A_1087 = arith.constant dense<0.000000e+00> : vector<512x16xf32>
    %dot_general3A_1088 = tpu.matmul %mul3A_1058, %get3A_22, %dot_general3A_1087 {dimension_numbers = #tpu.dot_dimension_numbers<[1], [0], [0], [1], [0, 0, 1, 1], [], []>, transpose_lhs_hint = false} : vector<512x16xf32>, vector<16x16xf32>, vector<512x16xf32> -> vector<512x16xf32>
    %add3A_1089 = arith.addf %dot_general3A_1086, %dot_general3A_1088 : vector<512x16xf32>
    %add3A_1090 = vector.broadcast %get3A_34 : vector<1x16xf32> to vector<512x16xf32>
    %add3A_1091 = arith.addf %add3A_1089, %add3A_1090 : vector<512x16xf32>
    %logistic3A_1092 = arith.negf %add3A_1070 : vector<512x16xf32>
    %logistic3A_1093 = math.exp %logistic3A_1092 : vector<512x16xf32>
    %logistic3A_1094 = arith.constant 1.000000e+00 : f32
    %logistic3A_1095 = vector.broadcast %logistic3A_1094 : f32 to vector<512x16xf32>
    %logistic3A_1096 = arith.addf %logistic3A_1095, %logistic3A_1093 : vector<512x16xf32>
    %logistic3A_1097 = arith.divf %logistic3A_1095, %logistic3A_1096 : vector<512x16xf32>
    %logistic3A_1098 = arith.negf %add3A_1077 : vector<512x16xf32>
    %logistic3A_1099 = math.exp %logistic3A_1098 : vector<512x16xf32>
    %logistic3A_1100 = arith.constant 1.000000e+00 : f32
    %logistic3A_1101 = vector.broadcast %logistic3A_1100 : f32 to vector<512x16xf32>
    %logistic3A_1102 = arith.addf %logistic3A_1101, %logistic3A_1099 : vector<512x16xf32>
    %logistic3A_1103 = arith.divf %logistic3A_1101, %logistic3A_1102 : vector<512x16xf32>
    %tanh3A_1104 = math.tanh %add3A_1084 : vector<512x16xf32>
    %logistic3A_1105 = arith.negf %add3A_1091 : vector<512x16xf32>
    %logistic3A_1106 = math.exp %logistic3A_1105 : vector<512x16xf32>
    %logistic3A_1107 = arith.constant 1.000000e+00 : f32
    %logistic3A_1108 = vector.broadcast %logistic3A_1107 : f32 to vector<512x16xf32>
    %logistic3A_1109 = arith.addf %logistic3A_1108, %logistic3A_1106 : vector<512x16xf32>
    %logistic3A_1110 = arith.divf %logistic3A_1108, %logistic3A_1109 : vector<512x16xf32>
    %mul3A_1111 = arith.mulf %logistic3A_1103, %add3A_1056 : vector<512x16xf32>
    %mul3A_1112 = arith.mulf %logistic3A_1097, %tanh3A_1104 : vector<512x16xf32>
    %add3A_1113 = arith.addf %mul3A_1111, %mul3A_1112 : vector<512x16xf32>
    %tanh3A_1114 = math.tanh %add3A_1113 : vector<512x16xf32>
    %mul3A_1115 = arith.mulf %logistic3A_1110, %tanh3A_1114 : vector<512x16xf32>
    %get3A_1116 = arith.constant 19 : index
    %get3A_1117 = arith.constant 0 : index
    %get3A_1118 = arith.constant 0 : index
    %get3A_1119 = vector.load %arg1[%get3A_1116, %get3A_1117, %get3A_1118] : memref<24x512x64xf32, #tpu.memory_space<vmem>>, vector<1x512x64xf32>
    %get3A_1120 = vector.shape_cast %get3A_1119 : vector<1x512x64xf32> to vector<512x64xf32>
    %dot_general3A_1121 = arith.constant dense<0.000000e+00> : vector<512x16xf32>
    %dot_general3A_1122 = tpu.matmul %get3A_1120, %get3A_1, %dot_general3A_1121 {dimension_numbers = #tpu.dot_dimension_numbers<[1], [0], [0], [1], [0, 0, 1, 1], [], []>, transpose_lhs_hint = false} : vector<512x64xf32>, vector<64x16xf32>, vector<512x16xf32> -> vector<512x16xf32>
    %dot_general3A_1123 = arith.constant dense<0.000000e+00> : vector<512x16xf32>
    %dot_general3A_1124 = tpu.matmul %mul3A_1115, %get3A_13, %dot_general3A_1123 {dimension_numbers = #tpu.dot_dimension_numbers<[1], [0], [0], [1], [0, 0, 1, 1], [], []>, transpose_lhs_hint = false} : vector<512x16xf32>, vector<16x16xf32>, vector<512x16xf32> -> vector<512x16xf32>
    %add3A_1125 = arith.addf %dot_general3A_1122, %dot_general3A_1124 : vector<512x16xf32>
    %add3A_1126 = vector.broadcast %get3A_25 : vector<1x16xf32> to vector<512x16xf32>
    %add3A_1127 = arith.addf %add3A_1125, %add3A_1126 : vector<512x16xf32>
    %dot_general3A_1128 = arith.constant dense<0.000000e+00> : vector<512x16xf32>
    %dot_general3A_1129 = tpu.matmul %get3A_1120, %get3A_4, %dot_general3A_1128 {dimension_numbers = #tpu.dot_dimension_numbers<[1], [0], [0], [1], [0, 0, 1, 1], [], []>, transpose_lhs_hint = false} : vector<512x64xf32>, vector<64x16xf32>, vector<512x16xf32> -> vector<512x16xf32>
    %dot_general3A_1130 = arith.constant dense<0.000000e+00> : vector<512x16xf32>
    %dot_general3A_1131 = tpu.matmul %mul3A_1115, %get3A_16, %dot_general3A_1130 {dimension_numbers = #tpu.dot_dimension_numbers<[1], [0], [0], [1], [0, 0, 1, 1], [], []>, transpose_lhs_hint = false} : vector<512x16xf32>, vector<16x16xf32>, vector<512x16xf32> -> vector<512x16xf32>
    %add3A_1132 = arith.addf %dot_general3A_1129, %dot_general3A_1131 : vector<512x16xf32>
    %add3A_1133 = vector.broadcast %get3A_28 : vector<1x16xf32> to vector<512x16xf32>
    %add3A_1134 = arith.addf %add3A_1132, %add3A_1133 : vector<512x16xf32>
    %dot_general3A_1135 = arith.constant dense<0.000000e+00> : vector<512x16xf32>
    %dot_general3A_1136 = tpu.matmul %get3A_1120, %get3A_7, %dot_general3A_1135 {dimension_numbers = #tpu.dot_dimension_numbers<[1], [0], [0], [1], [0, 0, 1, 1], [], []>, transpose_lhs_hint = false} : vector<512x64xf32>, vector<64x16xf32>, vector<512x16xf32> -> vector<512x16xf32>
    %dot_general3A_1137 = arith.constant dense<0.000000e+00> : vector<512x16xf32>
    %dot_general3A_1138 = tpu.matmul %mul3A_1115, %get3A_19, %dot_general3A_1137 {dimension_numbers = #tpu.dot_dimension_numbers<[1], [0], [0], [1], [0, 0, 1, 1], [], []>, transpose_lhs_hint = false} : vector<512x16xf32>, vector<16x16xf32>, vector<512x16xf32> -> vector<512x16xf32>
    %add3A_1139 = arith.addf %dot_general3A_1136, %dot_general3A_1138 : vector<512x16xf32>
    %add3A_1140 = vector.broadcast %get3A_31 : vector<1x16xf32> to vector<512x16xf32>
    %add3A_1141 = arith.addf %add3A_1139, %add3A_1140 : vector<512x16xf32>
    %dot_general3A_1142 = arith.constant dense<0.000000e+00> : vector<512x16xf32>
    %dot_general3A_1143 = tpu.matmul %get3A_1120, %get3A_10, %dot_general3A_1142 {dimension_numbers = #tpu.dot_dimension_numbers<[1], [0], [0], [1], [0, 0, 1, 1], [], []>, transpose_lhs_hint = false} : vector<512x64xf32>, vector<64x16xf32>, vector<512x16xf32> -> vector<512x16xf32>
    %dot_general3A_1144 = arith.constant dense<0.000000e+00> : vector<512x16xf32>
    %dot_general3A_1145 = tpu.matmul %mul3A_1115, %get3A_22, %dot_general3A_1144 {dimension_numbers = #tpu.dot_dimension_numbers<[1], [0], [0], [1], [0, 0, 1, 1], [], []>, transpose_lhs_hint = false} : vector<512x16xf32>, vector<16x16xf32>, vector<512x16xf32> -> vector<512x16xf32>
    %add3A_1146 = arith.addf %dot_general3A_1143, %dot_general3A_1145 : vector<512x16xf32>
    %add3A_1147 = vector.broadcast %get3A_34 : vector<1x16xf32> to vector<512x16xf32>
    %add3A_1148 = arith.addf %add3A_1146, %add3A_1147 : vector<512x16xf32>
    %logistic3A_1149 = arith.negf %add3A_1127 : vector<512x16xf32>
    %logistic3A_1150 = math.exp %logistic3A_1149 : vector<512x16xf32>
    %logistic3A_1151 = arith.constant 1.000000e+00 : f32
    %logistic3A_1152 = vector.broadcast %logistic3A_1151 : f32 to vector<512x16xf32>
    %logistic3A_1153 = arith.addf %logistic3A_1152, %logistic3A_1150 : vector<512x16xf32>
    %logistic3A_1154 = arith.divf %logistic3A_1152, %logistic3A_1153 : vector<512x16xf32>
    %logistic3A_1155 = arith.negf %add3A_1134 : vector<512x16xf32>
    %logistic3A_1156 = math.exp %logistic3A_1155 : vector<512x16xf32>
    %logistic3A_1157 = arith.constant 1.000000e+00 : f32
    %logistic3A_1158 = vector.broadcast %logistic3A_1157 : f32 to vector<512x16xf32>
    %logistic3A_1159 = arith.addf %logistic3A_1158, %logistic3A_1156 : vector<512x16xf32>
    %logistic3A_1160 = arith.divf %logistic3A_1158, %logistic3A_1159 : vector<512x16xf32>
    %tanh3A_1161 = math.tanh %add3A_1141 : vector<512x16xf32>
    %logistic3A_1162 = arith.negf %add3A_1148 : vector<512x16xf32>
    %logistic3A_1163 = math.exp %logistic3A_1162 : vector<512x16xf32>
    %logistic3A_1164 = arith.constant 1.000000e+00 : f32
    %logistic3A_1165 = vector.broadcast %logistic3A_1164 : f32 to vector<512x16xf32>
    %logistic3A_1166 = arith.addf %logistic3A_1165, %logistic3A_1163 : vector<512x16xf32>
    %logistic3A_1167 = arith.divf %logistic3A_1165, %logistic3A_1166 : vector<512x16xf32>
    %mul3A_1168 = arith.mulf %logistic3A_1160, %add3A_1113 : vector<512x16xf32>
    %mul3A_1169 = arith.mulf %logistic3A_1154, %tanh3A_1161 : vector<512x16xf32>
    %add3A_1170 = arith.addf %mul3A_1168, %mul3A_1169 : vector<512x16xf32>
    %tanh3A_1171 = math.tanh %add3A_1170 : vector<512x16xf32>
    %mul3A_1172 = arith.mulf %logistic3A_1167, %tanh3A_1171 : vector<512x16xf32>
    %get3A_1173 = arith.constant 20 : index
    %get3A_1174 = arith.constant 0 : index
    %get3A_1175 = arith.constant 0 : index
    %get3A_1176 = vector.load %arg1[%get3A_1173, %get3A_1174, %get3A_1175] : memref<24x512x64xf32, #tpu.memory_space<vmem>>, vector<1x512x64xf32>
    %get3A_1177 = vector.shape_cast %get3A_1176 : vector<1x512x64xf32> to vector<512x64xf32>
    %dot_general3A_1178 = arith.constant dense<0.000000e+00> : vector<512x16xf32>
    %dot_general3A_1179 = tpu.matmul %get3A_1177, %get3A_1, %dot_general3A_1178 {dimension_numbers = #tpu.dot_dimension_numbers<[1], [0], [0], [1], [0, 0, 1, 1], [], []>, transpose_lhs_hint = false} : vector<512x64xf32>, vector<64x16xf32>, vector<512x16xf32> -> vector<512x16xf32>
    %dot_general3A_1180 = arith.constant dense<0.000000e+00> : vector<512x16xf32>
    %dot_general3A_1181 = tpu.matmul %mul3A_1172, %get3A_13, %dot_general3A_1180 {dimension_numbers = #tpu.dot_dimension_numbers<[1], [0], [0], [1], [0, 0, 1, 1], [], []>, transpose_lhs_hint = false} : vector<512x16xf32>, vector<16x16xf32>, vector<512x16xf32> -> vector<512x16xf32>
    %add3A_1182 = arith.addf %dot_general3A_1179, %dot_general3A_1181 : vector<512x16xf32>
    %add3A_1183 = vector.broadcast %get3A_25 : vector<1x16xf32> to vector<512x16xf32>
    %add3A_1184 = arith.addf %add3A_1182, %add3A_1183 : vector<512x16xf32>
    %dot_general3A_1185 = arith.constant dense<0.000000e+00> : vector<512x16xf32>
    %dot_general3A_1186 = tpu.matmul %get3A_1177, %get3A_4, %dot_general3A_1185 {dimension_numbers = #tpu.dot_dimension_numbers<[1], [0], [0], [1], [0, 0, 1, 1], [], []>, transpose_lhs_hint = false} : vector<512x64xf32>, vector<64x16xf32>, vector<512x16xf32> -> vector<512x16xf32>
    %dot_general3A_1187 = arith.constant dense<0.000000e+00> : vector<512x16xf32>
    %dot_general3A_1188 = tpu.matmul %mul3A_1172, %get3A_16, %dot_general3A_1187 {dimension_numbers = #tpu.dot_dimension_numbers<[1], [0], [0], [1], [0, 0, 1, 1], [], []>, transpose_lhs_hint = false} : vector<512x16xf32>, vector<16x16xf32>, vector<512x16xf32> -> vector<512x16xf32>
    %add3A_1189 = arith.addf %dot_general3A_1186, %dot_general3A_1188 : vector<512x16xf32>
    %add3A_1190 = vector.broadcast %get3A_28 : vector<1x16xf32> to vector<512x16xf32>
    %add3A_1191 = arith.addf %add3A_1189, %add3A_1190 : vector<512x16xf32>
    %dot_general3A_1192 = arith.constant dense<0.000000e+00> : vector<512x16xf32>
    %dot_general3A_1193 = tpu.matmul %get3A_1177, %get3A_7, %dot_general3A_1192 {dimension_numbers = #tpu.dot_dimension_numbers<[1], [0], [0], [1], [0, 0, 1, 1], [], []>, transpose_lhs_hint = false} : vector<512x64xf32>, vector<64x16xf32>, vector<512x16xf32> -> vector<512x16xf32>
    %dot_general3A_1194 = arith.constant dense<0.000000e+00> : vector<512x16xf32>
    %dot_general3A_1195 = tpu.matmul %mul3A_1172, %get3A_19, %dot_general3A_1194 {dimension_numbers = #tpu.dot_dimension_numbers<[1], [0], [0], [1], [0, 0, 1, 1], [], []>, transpose_lhs_hint = false} : vector<512x16xf32>, vector<16x16xf32>, vector<512x16xf32> -> vector<512x16xf32>
    %add3A_1196 = arith.addf %dot_general3A_1193, %dot_general3A_1195 : vector<512x16xf32>
    %add3A_1197 = vector.broadcast %get3A_31 : vector<1x16xf32> to vector<512x16xf32>
    %add3A_1198 = arith.addf %add3A_1196, %add3A_1197 : vector<512x16xf32>
    %dot_general3A_1199 = arith.constant dense<0.000000e+00> : vector<512x16xf32>
    %dot_general3A_1200 = tpu.matmul %get3A_1177, %get3A_10, %dot_general3A_1199 {dimension_numbers = #tpu.dot_dimension_numbers<[1], [0], [0], [1], [0, 0, 1, 1], [], []>, transpose_lhs_hint = false} : vector<512x64xf32>, vector<64x16xf32>, vector<512x16xf32> -> vector<512x16xf32>
    %dot_general3A_1201 = arith.constant dense<0.000000e+00> : vector<512x16xf32>
    %dot_general3A_1202 = tpu.matmul %mul3A_1172, %get3A_22, %dot_general3A_1201 {dimension_numbers = #tpu.dot_dimension_numbers<[1], [0], [0], [1], [0, 0, 1, 1], [], []>, transpose_lhs_hint = false} : vector<512x16xf32>, vector<16x16xf32>, vector<512x16xf32> -> vector<512x16xf32>
    %add3A_1203 = arith.addf %dot_general3A_1200, %dot_general3A_1202 : vector<512x16xf32>
    %add3A_1204 = vector.broadcast %get3A_34 : vector<1x16xf32> to vector<512x16xf32>
    %add3A_1205 = arith.addf %add3A_1203, %add3A_1204 : vector<512x16xf32>
    %logistic3A_1206 = arith.negf %add3A_1184 : vector<512x16xf32>
    %logistic3A_1207 = math.exp %logistic3A_1206 : vector<512x16xf32>
    %logistic3A_1208 = arith.constant 1.000000e+00 : f32
    %logistic3A_1209 = vector.broadcast %logistic3A_1208 : f32 to vector<512x16xf32>
    %logistic3A_1210 = arith.addf %logistic3A_1209, %logistic3A_1207 : vector<512x16xf32>
    %logistic3A_1211 = arith.divf %logistic3A_1209, %logistic3A_1210 : vector<512x16xf32>
    %logistic3A_1212 = arith.negf %add3A_1191 : vector<512x16xf32>
    %logistic3A_1213 = math.exp %logistic3A_1212 : vector<512x16xf32>
    %logistic3A_1214 = arith.constant 1.000000e+00 : f32
    %logistic3A_1215 = vector.broadcast %logistic3A_1214 : f32 to vector<512x16xf32>
    %logistic3A_1216 = arith.addf %logistic3A_1215, %logistic3A_1213 : vector<512x16xf32>
    %logistic3A_1217 = arith.divf %logistic3A_1215, %logistic3A_1216 : vector<512x16xf32>
    %tanh3A_1218 = math.tanh %add3A_1198 : vector<512x16xf32>
    %logistic3A_1219 = arith.negf %add3A_1205 : vector<512x16xf32>
    %logistic3A_1220 = math.exp %logistic3A_1219 : vector<512x16xf32>
    %logistic3A_1221 = arith.constant 1.000000e+00 : f32
    %logistic3A_1222 = vector.broadcast %logistic3A_1221 : f32 to vector<512x16xf32>
    %logistic3A_1223 = arith.addf %logistic3A_1222, %logistic3A_1220 : vector<512x16xf32>
    %logistic3A_1224 = arith.divf %logistic3A_1222, %logistic3A_1223 : vector<512x16xf32>
    %mul3A_1225 = arith.mulf %logistic3A_1217, %add3A_1170 : vector<512x16xf32>
    %mul3A_1226 = arith.mulf %logistic3A_1211, %tanh3A_1218 : vector<512x16xf32>
    %add3A_1227 = arith.addf %mul3A_1225, %mul3A_1226 : vector<512x16xf32>
    %tanh3A_1228 = math.tanh %add3A_1227 : vector<512x16xf32>
    %mul3A_1229 = arith.mulf %logistic3A_1224, %tanh3A_1228 : vector<512x16xf32>
    %get3A_1230 = arith.constant 21 : index
    %get3A_1231 = arith.constant 0 : index
    %get3A_1232 = arith.constant 0 : index
    %get3A_1233 = vector.load %arg1[%get3A_1230, %get3A_1231, %get3A_1232] : memref<24x512x64xf32, #tpu.memory_space<vmem>>, vector<1x512x64xf32>
    %get3A_1234 = vector.shape_cast %get3A_1233 : vector<1x512x64xf32> to vector<512x64xf32>
    %dot_general3A_1235 = arith.constant dense<0.000000e+00> : vector<512x16xf32>
    %dot_general3A_1236 = tpu.matmul %get3A_1234, %get3A_1, %dot_general3A_1235 {dimension_numbers = #tpu.dot_dimension_numbers<[1], [0], [0], [1], [0, 0, 1, 1], [], []>, transpose_lhs_hint = false} : vector<512x64xf32>, vector<64x16xf32>, vector<512x16xf32> -> vector<512x16xf32>
    %dot_general3A_1237 = arith.constant dense<0.000000e+00> : vector<512x16xf32>
    %dot_general3A_1238 = tpu.matmul %mul3A_1229, %get3A_13, %dot_general3A_1237 {dimension_numbers = #tpu.dot_dimension_numbers<[1], [0], [0], [1], [0, 0, 1, 1], [], []>, transpose_lhs_hint = false} : vector<512x16xf32>, vector<16x16xf32>, vector<512x16xf32> -> vector<512x16xf32>
    %add3A_1239 = arith.addf %dot_general3A_1236, %dot_general3A_1238 : vector<512x16xf32>
    %add3A_1240 = vector.broadcast %get3A_25 : vector<1x16xf32> to vector<512x16xf32>
    %add3A_1241 = arith.addf %add3A_1239, %add3A_1240 : vector<512x16xf32>
    %dot_general3A_1242 = arith.constant dense<0.000000e+00> : vector<512x16xf32>
    %dot_general3A_1243 = tpu.matmul %get3A_1234, %get3A_4, %dot_general3A_1242 {dimension_numbers = #tpu.dot_dimension_numbers<[1], [0], [0], [1], [0, 0, 1, 1], [], []>, transpose_lhs_hint = false} : vector<512x64xf32>, vector<64x16xf32>, vector<512x16xf32> -> vector<512x16xf32>
    %dot_general3A_1244 = arith.constant dense<0.000000e+00> : vector<512x16xf32>
    %dot_general3A_1245 = tpu.matmul %mul3A_1229, %get3A_16, %dot_general3A_1244 {dimension_numbers = #tpu.dot_dimension_numbers<[1], [0], [0], [1], [0, 0, 1, 1], [], []>, transpose_lhs_hint = false} : vector<512x16xf32>, vector<16x16xf32>, vector<512x16xf32> -> vector<512x16xf32>
    %add3A_1246 = arith.addf %dot_general3A_1243, %dot_general3A_1245 : vector<512x16xf32>
    %add3A_1247 = vector.broadcast %get3A_28 : vector<1x16xf32> to vector<512x16xf32>
    %add3A_1248 = arith.addf %add3A_1246, %add3A_1247 : vector<512x16xf32>
    %dot_general3A_1249 = arith.constant dense<0.000000e+00> : vector<512x16xf32>
    %dot_general3A_1250 = tpu.matmul %get3A_1234, %get3A_7, %dot_general3A_1249 {dimension_numbers = #tpu.dot_dimension_numbers<[1], [0], [0], [1], [0, 0, 1, 1], [], []>, transpose_lhs_hint = false} : vector<512x64xf32>, vector<64x16xf32>, vector<512x16xf32> -> vector<512x16xf32>
    %dot_general3A_1251 = arith.constant dense<0.000000e+00> : vector<512x16xf32>
    %dot_general3A_1252 = tpu.matmul %mul3A_1229, %get3A_19, %dot_general3A_1251 {dimension_numbers = #tpu.dot_dimension_numbers<[1], [0], [0], [1], [0, 0, 1, 1], [], []>, transpose_lhs_hint = false} : vector<512x16xf32>, vector<16x16xf32>, vector<512x16xf32> -> vector<512x16xf32>
    %add3A_1253 = arith.addf %dot_general3A_1250, %dot_general3A_1252 : vector<512x16xf32>
    %add3A_1254 = vector.broadcast %get3A_31 : vector<1x16xf32> to vector<512x16xf32>
    %add3A_1255 = arith.addf %add3A_1253, %add3A_1254 : vector<512x16xf32>
    %dot_general3A_1256 = arith.constant dense<0.000000e+00> : vector<512x16xf32>
    %dot_general3A_1257 = tpu.matmul %get3A_1234, %get3A_10, %dot_general3A_1256 {dimension_numbers = #tpu.dot_dimension_numbers<[1], [0], [0], [1], [0, 0, 1, 1], [], []>, transpose_lhs_hint = false} : vector<512x64xf32>, vector<64x16xf32>, vector<512x16xf32> -> vector<512x16xf32>
    %dot_general3A_1258 = arith.constant dense<0.000000e+00> : vector<512x16xf32>
    %dot_general3A_1259 = tpu.matmul %mul3A_1229, %get3A_22, %dot_general3A_1258 {dimension_numbers = #tpu.dot_dimension_numbers<[1], [0], [0], [1], [0, 0, 1, 1], [], []>, transpose_lhs_hint = false} : vector<512x16xf32>, vector<16x16xf32>, vector<512x16xf32> -> vector<512x16xf32>
    %add3A_1260 = arith.addf %dot_general3A_1257, %dot_general3A_1259 : vector<512x16xf32>
    %add3A_1261 = vector.broadcast %get3A_34 : vector<1x16xf32> to vector<512x16xf32>
    %add3A_1262 = arith.addf %add3A_1260, %add3A_1261 : vector<512x16xf32>
    %logistic3A_1263 = arith.negf %add3A_1241 : vector<512x16xf32>
    %logistic3A_1264 = math.exp %logistic3A_1263 : vector<512x16xf32>
    %logistic3A_1265 = arith.constant 1.000000e+00 : f32
    %logistic3A_1266 = vector.broadcast %logistic3A_1265 : f32 to vector<512x16xf32>
    %logistic3A_1267 = arith.addf %logistic3A_1266, %logistic3A_1264 : vector<512x16xf32>
    %logistic3A_1268 = arith.divf %logistic3A_1266, %logistic3A_1267 : vector<512x16xf32>
    %logistic3A_1269 = arith.negf %add3A_1248 : vector<512x16xf32>
    %logistic3A_1270 = math.exp %logistic3A_1269 : vector<512x16xf32>
    %logistic3A_1271 = arith.constant 1.000000e+00 : f32
    %logistic3A_1272 = vector.broadcast %logistic3A_1271 : f32 to vector<512x16xf32>
    %logistic3A_1273 = arith.addf %logistic3A_1272, %logistic3A_1270 : vector<512x16xf32>
    %logistic3A_1274 = arith.divf %logistic3A_1272, %logistic3A_1273 : vector<512x16xf32>
    %tanh3A_1275 = math.tanh %add3A_1255 : vector<512x16xf32>
    %logistic3A_1276 = arith.negf %add3A_1262 : vector<512x16xf32>
    %logistic3A_1277 = math.exp %logistic3A_1276 : vector<512x16xf32>
    %logistic3A_1278 = arith.constant 1.000000e+00 : f32
    %logistic3A_1279 = vector.broadcast %logistic3A_1278 : f32 to vector<512x16xf32>
    %logistic3A_1280 = arith.addf %logistic3A_1279, %logistic3A_1277 : vector<512x16xf32>
    %logistic3A_1281 = arith.divf %logistic3A_1279, %logistic3A_1280 : vector<512x16xf32>
    %mul3A_1282 = arith.mulf %logistic3A_1274, %add3A_1227 : vector<512x16xf32>
    %mul3A_1283 = arith.mulf %logistic3A_1268, %tanh3A_1275 : vector<512x16xf32>
    %add3A_1284 = arith.addf %mul3A_1282, %mul3A_1283 : vector<512x16xf32>
    %tanh3A_1285 = math.tanh %add3A_1284 : vector<512x16xf32>
    %mul3A_1286 = arith.mulf %logistic3A_1281, %tanh3A_1285 : vector<512x16xf32>
    %get3A_1287 = arith.constant 22 : index
    %get3A_1288 = arith.constant 0 : index
    %get3A_1289 = arith.constant 0 : index
    %get3A_1290 = vector.load %arg1[%get3A_1287, %get3A_1288, %get3A_1289] : memref<24x512x64xf32, #tpu.memory_space<vmem>>, vector<1x512x64xf32>
    %get3A_1291 = vector.shape_cast %get3A_1290 : vector<1x512x64xf32> to vector<512x64xf32>
    %dot_general3A_1292 = arith.constant dense<0.000000e+00> : vector<512x16xf32>
    %dot_general3A_1293 = tpu.matmul %get3A_1291, %get3A_1, %dot_general3A_1292 {dimension_numbers = #tpu.dot_dimension_numbers<[1], [0], [0], [1], [0, 0, 1, 1], [], []>, transpose_lhs_hint = false} : vector<512x64xf32>, vector<64x16xf32>, vector<512x16xf32> -> vector<512x16xf32>
    %dot_general3A_1294 = arith.constant dense<0.000000e+00> : vector<512x16xf32>
    %dot_general3A_1295 = tpu.matmul %mul3A_1286, %get3A_13, %dot_general3A_1294 {dimension_numbers = #tpu.dot_dimension_numbers<[1], [0], [0], [1], [0, 0, 1, 1], [], []>, transpose_lhs_hint = false} : vector<512x16xf32>, vector<16x16xf32>, vector<512x16xf32> -> vector<512x16xf32>
    %add3A_1296 = arith.addf %dot_general3A_1293, %dot_general3A_1295 : vector<512x16xf32>
    %add3A_1297 = vector.broadcast %get3A_25 : vector<1x16xf32> to vector<512x16xf32>
    %add3A_1298 = arith.addf %add3A_1296, %add3A_1297 : vector<512x16xf32>
    %dot_general3A_1299 = arith.constant dense<0.000000e+00> : vector<512x16xf32>
    %dot_general3A_1300 = tpu.matmul %get3A_1291, %get3A_4, %dot_general3A_1299 {dimension_numbers = #tpu.dot_dimension_numbers<[1], [0], [0], [1], [0, 0, 1, 1], [], []>, transpose_lhs_hint = false} : vector<512x64xf32>, vector<64x16xf32>, vector<512x16xf32> -> vector<512x16xf32>
    %dot_general3A_1301 = arith.constant dense<0.000000e+00> : vector<512x16xf32>
    %dot_general3A_1302 = tpu.matmul %mul3A_1286, %get3A_16, %dot_general3A_1301 {dimension_numbers = #tpu.dot_dimension_numbers<[1], [0], [0], [1], [0, 0, 1, 1], [], []>, transpose_lhs_hint = false} : vector<512x16xf32>, vector<16x16xf32>, vector<512x16xf32> -> vector<512x16xf32>
    %add3A_1303 = arith.addf %dot_general3A_1300, %dot_general3A_1302 : vector<512x16xf32>
    %add3A_1304 = vector.broadcast %get3A_28 : vector<1x16xf32> to vector<512x16xf32>
    %add3A_1305 = arith.addf %add3A_1303, %add3A_1304 : vector<512x16xf32>
    %dot_general3A_1306 = arith.constant dense<0.000000e+00> : vector<512x16xf32>
    %dot_general3A_1307 = tpu.matmul %get3A_1291, %get3A_7, %dot_general3A_1306 {dimension_numbers = #tpu.dot_dimension_numbers<[1], [0], [0], [1], [0, 0, 1, 1], [], []>, transpose_lhs_hint = false} : vector<512x64xf32>, vector<64x16xf32>, vector<512x16xf32> -> vector<512x16xf32>
    %dot_general3A_1308 = arith.constant dense<0.000000e+00> : vector<512x16xf32>
    %dot_general3A_1309 = tpu.matmul %mul3A_1286, %get3A_19, %dot_general3A_1308 {dimension_numbers = #tpu.dot_dimension_numbers<[1], [0], [0], [1], [0, 0, 1, 1], [], []>, transpose_lhs_hint = false} : vector<512x16xf32>, vector<16x16xf32>, vector<512x16xf32> -> vector<512x16xf32>
    %add3A_1310 = arith.addf %dot_general3A_1307, %dot_general3A_1309 : vector<512x16xf32>
    %add3A_1311 = vector.broadcast %get3A_31 : vector<1x16xf32> to vector<512x16xf32>
    %add3A_1312 = arith.addf %add3A_1310, %add3A_1311 : vector<512x16xf32>
    %dot_general3A_1313 = arith.constant dense<0.000000e+00> : vector<512x16xf32>
    %dot_general3A_1314 = tpu.matmul %get3A_1291, %get3A_10, %dot_general3A_1313 {dimension_numbers = #tpu.dot_dimension_numbers<[1], [0], [0], [1], [0, 0, 1, 1], [], []>, transpose_lhs_hint = false} : vector<512x64xf32>, vector<64x16xf32>, vector<512x16xf32> -> vector<512x16xf32>
    %dot_general3A_1315 = arith.constant dense<0.000000e+00> : vector<512x16xf32>
    %dot_general3A_1316 = tpu.matmul %mul3A_1286, %get3A_22, %dot_general3A_1315 {dimension_numbers = #tpu.dot_dimension_numbers<[1], [0], [0], [1], [0, 0, 1, 1], [], []>, transpose_lhs_hint = false} : vector<512x16xf32>, vector<16x16xf32>, vector<512x16xf32> -> vector<512x16xf32>
    %add3A_1317 = arith.addf %dot_general3A_1314, %dot_general3A_1316 : vector<512x16xf32>
    %add3A_1318 = vector.broadcast %get3A_34 : vector<1x16xf32> to vector<512x16xf32>
    %add3A_1319 = arith.addf %add3A_1317, %add3A_1318 : vector<512x16xf32>
    %logistic3A_1320 = arith.negf %add3A_1298 : vector<512x16xf32>
    %logistic3A_1321 = math.exp %logistic3A_1320 : vector<512x16xf32>
    %logistic3A_1322 = arith.constant 1.000000e+00 : f32
    %logistic3A_1323 = vector.broadcast %logistic3A_1322 : f32 to vector<512x16xf32>
    %logistic3A_1324 = arith.addf %logistic3A_1323, %logistic3A_1321 : vector<512x16xf32>
    %logistic3A_1325 = arith.divf %logistic3A_1323, %logistic3A_1324 : vector<512x16xf32>
    %logistic3A_1326 = arith.negf %add3A_1305 : vector<512x16xf32>
    %logistic3A_1327 = math.exp %logistic3A_1326 : vector<512x16xf32>
    %logistic3A_1328 = arith.constant 1.000000e+00 : f32
    %logistic3A_1329 = vector.broadcast %logistic3A_1328 : f32 to vector<512x16xf32>
    %logistic3A_1330 = arith.addf %logistic3A_1329, %logistic3A_1327 : vector<512x16xf32>
    %logistic3A_1331 = arith.divf %logistic3A_1329, %logistic3A_1330 : vector<512x16xf32>
    %tanh3A_1332 = math.tanh %add3A_1312 : vector<512x16xf32>
    %logistic3A_1333 = arith.negf %add3A_1319 : vector<512x16xf32>
    %logistic3A_1334 = math.exp %logistic3A_1333 : vector<512x16xf32>
    %logistic3A_1335 = arith.constant 1.000000e+00 : f32
    %logistic3A_1336 = vector.broadcast %logistic3A_1335 : f32 to vector<512x16xf32>
    %logistic3A_1337 = arith.addf %logistic3A_1336, %logistic3A_1334 : vector<512x16xf32>
    %logistic3A_1338 = arith.divf %logistic3A_1336, %logistic3A_1337 : vector<512x16xf32>
    %mul3A_1339 = arith.mulf %logistic3A_1331, %add3A_1284 : vector<512x16xf32>
    %mul3A_1340 = arith.mulf %logistic3A_1325, %tanh3A_1332 : vector<512x16xf32>
    %add3A_1341 = arith.addf %mul3A_1339, %mul3A_1340 : vector<512x16xf32>
    %tanh3A_1342 = math.tanh %add3A_1341 : vector<512x16xf32>
    %mul3A_1343 = arith.mulf %logistic3A_1338, %tanh3A_1342 : vector<512x16xf32>
    %get3A_1344 = arith.constant 23 : index
    %get3A_1345 = arith.constant 0 : index
    %get3A_1346 = arith.constant 0 : index
    %get3A_1347 = vector.load %arg1[%get3A_1344, %get3A_1345, %get3A_1346] : memref<24x512x64xf32, #tpu.memory_space<vmem>>, vector<1x512x64xf32>
    %get3A_1348 = vector.shape_cast %get3A_1347 : vector<1x512x64xf32> to vector<512x64xf32>
    %dot_general3A_1349 = arith.constant dense<0.000000e+00> : vector<512x16xf32>
    %dot_general3A_1350 = tpu.matmul %get3A_1348, %get3A_1, %dot_general3A_1349 {dimension_numbers = #tpu.dot_dimension_numbers<[1], [0], [0], [1], [0, 0, 1, 1], [], []>, transpose_lhs_hint = false} : vector<512x64xf32>, vector<64x16xf32>, vector<512x16xf32> -> vector<512x16xf32>
    %dot_general3A_1351 = arith.constant dense<0.000000e+00> : vector<512x16xf32>
    %dot_general3A_1352 = tpu.matmul %mul3A_1343, %get3A_13, %dot_general3A_1351 {dimension_numbers = #tpu.dot_dimension_numbers<[1], [0], [0], [1], [0, 0, 1, 1], [], []>, transpose_lhs_hint = false} : vector<512x16xf32>, vector<16x16xf32>, vector<512x16xf32> -> vector<512x16xf32>
    %add3A_1353 = arith.addf %dot_general3A_1350, %dot_general3A_1352 : vector<512x16xf32>
    %add3A_1354 = vector.broadcast %get3A_25 : vector<1x16xf32> to vector<512x16xf32>
    %add3A_1355 = arith.addf %add3A_1353, %add3A_1354 : vector<512x16xf32>
    %dot_general3A_1356 = arith.constant dense<0.000000e+00> : vector<512x16xf32>
    %dot_general3A_1357 = tpu.matmul %get3A_1348, %get3A_4, %dot_general3A_1356 {dimension_numbers = #tpu.dot_dimension_numbers<[1], [0], [0], [1], [0, 0, 1, 1], [], []>, transpose_lhs_hint = false} : vector<512x64xf32>, vector<64x16xf32>, vector<512x16xf32> -> vector<512x16xf32>
    %dot_general3A_1358 = arith.constant dense<0.000000e+00> : vector<512x16xf32>
    %dot_general3A_1359 = tpu.matmul %mul3A_1343, %get3A_16, %dot_general3A_1358 {dimension_numbers = #tpu.dot_dimension_numbers<[1], [0], [0], [1], [0, 0, 1, 1], [], []>, transpose_lhs_hint = false} : vector<512x16xf32>, vector<16x16xf32>, vector<512x16xf32> -> vector<512x16xf32>
    %add3A_1360 = arith.addf %dot_general3A_1357, %dot_general3A_1359 : vector<512x16xf32>
    %add3A_1361 = vector.broadcast %get3A_28 : vector<1x16xf32> to vector<512x16xf32>
    %add3A_1362 = arith.addf %add3A_1360, %add3A_1361 : vector<512x16xf32>
    %dot_general3A_1363 = arith.constant dense<0.000000e+00> : vector<512x16xf32>
    %dot_general3A_1364 = tpu.matmul %get3A_1348, %get3A_7, %dot_general3A_1363 {dimension_numbers = #tpu.dot_dimension_numbers<[1], [0], [0], [1], [0, 0, 1, 1], [], []>, transpose_lhs_hint = false} : vector<512x64xf32>, vector<64x16xf32>, vector<512x16xf32> -> vector<512x16xf32>
    %dot_general3A_1365 = arith.constant dense<0.000000e+00> : vector<512x16xf32>
    %dot_general3A_1366 = tpu.matmul %mul3A_1343, %get3A_19, %dot_general3A_1365 {dimension_numbers = #tpu.dot_dimension_numbers<[1], [0], [0], [1], [0, 0, 1, 1], [], []>, transpose_lhs_hint = false} : vector<512x16xf32>, vector<16x16xf32>, vector<512x16xf32> -> vector<512x16xf32>
    %add3A_1367 = arith.addf %dot_general3A_1364, %dot_general3A_1366 : vector<512x16xf32>
    %add3A_1368 = vector.broadcast %get3A_31 : vector<1x16xf32> to vector<512x16xf32>
    %add3A_1369 = arith.addf %add3A_1367, %add3A_1368 : vector<512x16xf32>
    %dot_general3A_1370 = arith.constant dense<0.000000e+00> : vector<512x16xf32>
    %dot_general3A_1371 = tpu.matmul %get3A_1348, %get3A_10, %dot_general3A_1370 {dimension_numbers = #tpu.dot_dimension_numbers<[1], [0], [0], [1], [0, 0, 1, 1], [], []>, transpose_lhs_hint = false} : vector<512x64xf32>, vector<64x16xf32>, vector<512x16xf32> -> vector<512x16xf32>
    %dot_general3A_1372 = arith.constant dense<0.000000e+00> : vector<512x16xf32>
    %dot_general3A_1373 = tpu.matmul %mul3A_1343, %get3A_22, %dot_general3A_1372 {dimension_numbers = #tpu.dot_dimension_numbers<[1], [0], [0], [1], [0, 0, 1, 1], [], []>, transpose_lhs_hint = false} : vector<512x16xf32>, vector<16x16xf32>, vector<512x16xf32> -> vector<512x16xf32>
    %add3A_1374 = arith.addf %dot_general3A_1371, %dot_general3A_1373 : vector<512x16xf32>
    %add3A_1375 = vector.broadcast %get3A_34 : vector<1x16xf32> to vector<512x16xf32>
    %add3A_1376 = arith.addf %add3A_1374, %add3A_1375 : vector<512x16xf32>
    %logistic3A_1377 = arith.negf %add3A_1355 : vector<512x16xf32>
    %logistic3A_1378 = math.exp %logistic3A_1377 : vector<512x16xf32>
    %logistic3A_1379 = arith.constant 1.000000e+00 : f32
    %logistic3A_1380 = vector.broadcast %logistic3A_1379 : f32 to vector<512x16xf32>
    %logistic3A_1381 = arith.addf %logistic3A_1380, %logistic3A_1378 : vector<512x16xf32>
    %logistic3A_1382 = arith.divf %logistic3A_1380, %logistic3A_1381 : vector<512x16xf32>
    %logistic3A_1383 = arith.negf %add3A_1362 : vector<512x16xf32>
    %logistic3A_1384 = math.exp %logistic3A_1383 : vector<512x16xf32>
    %logistic3A_1385 = arith.constant 1.000000e+00 : f32
    %logistic3A_1386 = vector.broadcast %logistic3A_1385 : f32 to vector<512x16xf32>
    %logistic3A_1387 = arith.addf %logistic3A_1386, %logistic3A_1384 : vector<512x16xf32>
    %logistic3A_1388 = arith.divf %logistic3A_1386, %logistic3A_1387 : vector<512x16xf32>
    %tanh3A_1389 = math.tanh %add3A_1369 : vector<512x16xf32>
    %logistic3A_1390 = arith.negf %add3A_1376 : vector<512x16xf32>
    %logistic3A_1391 = math.exp %logistic3A_1390 : vector<512x16xf32>
    %logistic3A_1392 = arith.constant 1.000000e+00 : f32
    %logistic3A_1393 = vector.broadcast %logistic3A_1392 : f32 to vector<512x16xf32>
    %logistic3A_1394 = arith.addf %logistic3A_1393, %logistic3A_1391 : vector<512x16xf32>
    %logistic3A_1395 = arith.divf %logistic3A_1393, %logistic3A_1394 : vector<512x16xf32>
    %mul3A_1396 = arith.mulf %logistic3A_1388, %add3A_1341 : vector<512x16xf32>
    %mul3A_1397 = arith.mulf %logistic3A_1382, %tanh3A_1389 : vector<512x16xf32>
    %add3A_1398 = arith.addf %mul3A_1396, %mul3A_1397 : vector<512x16xf32>
    %tanh3A_1399 = math.tanh %add3A_1398 : vector<512x16xf32>
    %mul3A_1400 = arith.mulf %logistic3A_1395, %tanh3A_1399 : vector<512x16xf32>
    %concatenate3A = tpu.concatenate %mul3A_89, %mul3A_146, %mul3A_203, %mul3A_260, %mul3A_317, %mul3A_374, %mul3A_431, %mul3A_488, %mul3A_545, %mul3A_602, %mul3A_659, %mul3A_716, %mul3A_773, %mul3A_830, %mul3A_887, %mul3A_944, %mul3A_1001, %mul3A_1058, %mul3A_1115, %mul3A_1172, %mul3A_1229, %mul3A_1286, %mul3A_1343, %mul3A_1400 in 1 : vector<512x16xf32>, vector<512x16xf32>, vector<512x16xf32>, vector<512x16xf32>, vector<512x16xf32>, vector<512x16xf32>, vector<512x16xf32>, vector<512x16xf32>, vector<512x16xf32>, vector<512x16xf32>, vector<512x16xf32>, vector<512x16xf32>, vector<512x16xf32>, vector<512x16xf32>, vector<512x16xf32>, vector<512x16xf32>, vector<512x16xf32>, vector<512x16xf32>, vector<512x16xf32>, vector<512x16xf32>, vector<512x16xf32>, vector<512x16xf32>, vector<512x16xf32>, vector<512x16xf32> -> vector<512x384xf32>
    %swap3A = arith.constant 0 : index
    %swap3A_1401 = arith.constant 0 : index
    %swap3A_1402 = vector.load %arg9[%swap3A, %swap3A_1401] : memref<512x384xf32, #tpu.memory_space<vmem>>, vector<512x384xf32>
    tpu.vector_store %arg9[%swap3A, %swap3A_1401], %concatenate3A {strides = array<i32>} : memref<512x384xf32, #tpu.memory_space<vmem>>, vector<512x384xf32>,
    %swap3A_1403 = arith.constant 0 : index
    %swap3A_1404 = arith.constant 0 : index
    %swap3A_1405 = vector.load %arg10[%swap3A_1403, %swap3A_1404] : memref<512x16xf32, #tpu.memory_space<vmem>>, vector<512x16xf32>
    tpu.vector_store %arg10[%swap3A_1403, %swap3A_1404], %mul3A_1400 {strides = array<i32>} : memref<512x16xf32, #tpu.memory_space<vmem>>, vector<512x16xf32>,
    %mul3A_1406 = arith.mulf %concatenate3A, %concatenate3A : vector<512x384xf32>
    %reduce_sum3A = arith.constant dense<0.000000e+00> : vector<512xf32>
    %reduce_sum3A_1407 = vector.multi_reduction <add>, %mul3A_1406, %reduce_sum3A [1] : vector<512x384xf32> to vector<512xf32>
    %broadcast_in_dim3A_1408 = vector.shape_cast %reduce_sum3A_1407 : vector<512xf32> to vector<512x1xf32>
    %swap3A_1409 = arith.constant 0 : index
    %swap3A_1410 = arith.constant 0 : index
    %swap3A_1411 = vector.load %arg13[%swap3A_1409, %swap3A_1410] : memref<512x1xf32, #tpu.memory_space<vmem>>, vector<512x1xf32>
    tpu.vector_store %arg13[%swap3A_1409, %swap3A_1410], %broadcast_in_dim3A_1408 {strides = array<i32>} : memref<512x1xf32, #tpu.memory_space<vmem>>, vector<512x1xf32>,
    %get3A_1412 = arith.constant 0 : index
    %get3A_1413 = arith.constant 0 : index
    %get3A_1414 = vector.load %arg5[%get3A_1412, %get3A_1413] : memref<384x64xf32, #tpu.memory_space<vmem>>, vector<384x64xf32>
    %dot_general3A_1415 = arith.constant dense<0.000000e+00> : vector<512x64xf32>
    %dot_general3A_1416 = tpu.matmul %concatenate3A, %get3A_1414, %dot_general3A_1415 {dimension_numbers = #tpu.dot_dimension_numbers<[1], [0], [0], [1], [0, 0, 1, 1], [], []>, transpose_lhs_hint = false} : vector<512x384xf32>, vector<384x64xf32>, vector<512x64xf32> -> vector<512x64xf32>
    %swap3A_1417 = arith.constant 0 : index
    %swap3A_1418 = arith.constant 0 : index
    %swap3A_1419 = vector.load %arg11[%swap3A_1417, %swap3A_1418] : memref<512x64xf32, #tpu.memory_space<vmem>>, vector<512x64xf32>
    tpu.vector_store %arg11[%swap3A_1417, %swap3A_1418], %dot_general3A_1416 {strides = array<i32>} : memref<512x64xf32, #tpu.memory_space<vmem>>, vector<512x64xf32>,
    %get3A_1420 = arith.constant 0 : index
    %get3A_1421 = arith.constant 0 : index
    %get3A_1422 = vector.load %arg6[%get3A_1420, %get3A_1421] : memref<512x32xf32, #tpu.memory_space<vmem>>, vector<512x32xf32>
    %get3A_1423 = arith.constant 0 : index
    %get3A_1424 = arith.constant 0 : index
    %get3A_1425 = vector.load %arg7[%get3A_1423, %get3A_1424] : memref<32x32xf32, #tpu.memory_space<vmem>>, vector<32x32xf32>
    %dot_general3A_1426 = arith.constant dense<0.000000e+00> : vector<512x32xf32>
    %dot_general3A_1427 = tpu.matmul %get3A_1422, %get3A_1425, %dot_general3A_1426 {dimension_numbers = #tpu.dot_dimension_numbers<[1], [0], [0], [1], [0, 0, 1, 1], [], []>, transpose_lhs_hint = false} : vector<512x32xf32>, vector<32x32xf32>, vector<512x32xf32> -> vector<512x32xf32>
    %get3A_1428 = arith.constant 0 : index
    %get3A_1429 = arith.constant 0 : index
    %get3A_1430 = vector.load %arg8[%get3A_1428, %get3A_1429] : memref<1x32xf32, #tpu.memory_space<vmem>>, vector<1x32xf32>
    %add3A_1431 = vector.broadcast %get3A_1430 : vector<1x32xf32> to vector<512x32xf32>
    %add3A_1432 = arith.addf %dot_general3A_1427, %add3A_1431 : vector<512x32xf32>
    %swap3A_1433 = arith.constant 0 : index
    %swap3A_1434 = arith.constant 0 : index
    %swap3A_1435 = vector.load %arg12[%swap3A_1433, %swap3A_1434] : memref<512x32xf32, #tpu.memory_space<vmem>>, vector<512x32xf32>
    tpu.vector_store %arg12[%swap3A_1433, %swap3A_1434], %add3A_1432 {strides = array<i32>} : memref<512x32xf32, #tpu.memory_space<vmem>>, vector<512x32xf32>,
    return
  }
  func.func @transform_0(%arg0: i32) -> (i32, i32, i32) {
    %c0_i32 = arith.constant 0 : i32
    %c0_i32_0 = arith.constant 0 : i32
    %c0_i32_1 = arith.constant 0 : i32
    return %c0_i32, %arg0, %c0_i32_0 : i32, i32, i32
  }
  func.func @transform_1(%arg0: i32) -> (i32, i32) {
    %c0_i32 = arith.constant 0 : i32
    %c0_i32_0 = arith.constant 0 : i32
    %c0_i32_1 = arith.constant 0 : i32
    return %c0_i32, %c0_i32_0 : i32, i32
  }
  func.func @transform_2(%arg0: i32) -> (i32, i32) {
    %c0_i32 = arith.constant 0 : i32
    %c0_i32_0 = arith.constant 0 : i32
    %c0_i32_1 = arith.constant 0 : i32
    return %c0_i32, %c0_i32_0 : i32, i32
  }
  func.func @transform_3(%arg0: i32) -> (i32, i32) {
    %c0_i32 = arith.constant 0 : i32
    %c0_i32_0 = arith.constant 0 : i32
    %c0_i32_1 = arith.constant 0 : i32
    return %c0_i32, %c0_i32_0 : i32, i32
  }
  func.func @transform_4(%arg0: i32) -> (i32, i32) {
    %c0_i32 = arith.constant 0 : i32
    %c0_i32_0 = arith.constant 0 : i32
    %c0_i32_1 = arith.constant 0 : i32
    return %c0_i32, %c0_i32_0 : i32, i32
  }
  func.func @transform_5(%arg0: i32) -> (i32, i32) {
    %c0_i32 = arith.constant 0 : i32
    %c0_i32_0 = arith.constant 0 : i32
    return %arg0, %c0_i32 : i32, i32
  }
  func.func @transform_6(%arg0: i32) -> (i32, i32) {
    %c0_i32 = arith.constant 0 : i32
    %c0_i32_0 = arith.constant 0 : i32
    %c0_i32_1 = arith.constant 0 : i32
    return %c0_i32, %c0_i32_0 : i32, i32
  }
  func.func @transform_7(%arg0: i32) -> (i32, i32) {
    %c0_i32 = arith.constant 0 : i32
    %c0_i32_0 = arith.constant 0 : i32
    %c0_i32_1 = arith.constant 0 : i32
    return %c0_i32, %c0_i32_0 : i32, i32
  }
  func.func @transform_8(%arg0: i32) -> (i32, i32) {
    %c0_i32 = arith.constant 0 : i32
    %c0_i32_0 = arith.constant 0 : i32
    return %arg0, %c0_i32 : i32, i32
  }
  func.func @transform_9(%arg0: i32) -> (i32, i32) {
    %c0_i32 = arith.constant 0 : i32
    %c0_i32_0 = arith.constant 0 : i32
    return %arg0, %c0_i32 : i32, i32
  }
  func.func @transform_10(%arg0: i32) -> (i32, i32) {
    %c0_i32 = arith.constant 0 : i32
    %c0_i32_0 = arith.constant 0 : i32
    return %arg0, %c0_i32 : i32, i32
  }
  func.func @transform_11(%arg0: i32) -> (i32, i32) {
    %c0_i32 = arith.constant 0 : i32
    %c0_i32_0 = arith.constant 0 : i32
    return %arg0, %c0_i32 : i32, i32
  }
  func.func @transform_12(%arg0: i32) -> (i32, i32) {
    %c0_i32 = arith.constant 0 : i32
    %c0_i32_0 = arith.constant 0 : i32
    return %arg0, %c0_i32 : i32, i32
  }
}

module attributes {stable_mosaic.version = 14 : i64} {
  func.func @_k2_body(%arg0: i32, %arg1: memref<1024x384xf32, #tpu.memory_space<vmem>>, %arg2: memref<4096x384xf32, #tpu.memory_space<vmem>>, %arg3: memref<1024x1xf32, #tpu.memory_space<vmem>>, %arg4: memref<1x4096xf32, #tpu.memory_space<vmem>>, %arg5: memref<1024x64xf32, #tpu.memory_space<vmem>>, %arg6: memref<1024x4xf32, #tpu.memory_space<vmem>>, %arg7: memref<4x1024xi32, #tpu.memory_space<vmem>>, %arg8: memref<4x1024x64xf32, #tpu.memory_space<vmem>>) attributes {dimension_semantics = [#tpu.dimension_semantics<arbitrary>], iteration_bounds = array<i64: 4>, scalar_prefetch = 0 : i64, scratch_operands = 0 : i64, tpu.core_type = #tpu.core_type<tc>, window_params = [{transform_indices = @transform_0, window_bounds = array<i64: 1024, 384>}, {pipeline_mode = #tpu.pipeline_mode<synchronous>, transform_indices = @transform_1, window_bounds = array<i64: 4096, 384>}, {transform_indices = @transform_2, window_bounds = array<i64: 1024, 1>}, {pipeline_mode = #tpu.pipeline_mode<synchronous>, transform_indices = @transform_3, window_bounds = array<i64: 1, 4096>}, {transform_indices = @transform_4, window_bounds = array<i64: 1024, 64>}, {transform_indices = @transform_5, window_bounds = array<i64: 1024, 4>}, {transform_indices = @transform_6, window_bounds = array<i64: 4, 1024>}, {transform_indices = @transform_7, window_bounds = array<i64: 4, 1024, 64>}]} {
    %get3A = arith.constant 0 : index
    %get3A_0 = arith.constant 0 : index
    %get3A_1 = vector.load %arg1[%get3A, %get3A_0] : memref<1024x384xf32, #tpu.memory_space<vmem>>, vector<1024x384xf32>
    %get3A_2 = arith.constant 0 : index
    %get3A_3 = arith.constant 0 : index
    %get3A_4 = vector.load %arg2[%get3A_2, %get3A_3] : memref<4096x384xf32, #tpu.memory_space<vmem>>, vector<4096x384xf32>
    %dot_general3A = arith.constant dense<0.000000e+00> : vector<1024x4096xf32>
    %dot_general3A_5 = tpu.matmul %get3A_1, %get3A_4, %dot_general3A {dimension_numbers = #tpu.dot_dimension_numbers<[1], [1], [0], [0], [0, 0, 1, 0], [], []>, transpose_lhs_hint = false} : vector<1024x384xf32>, vector<4096x384xf32>, vector<1024x4096xf32> -> vector<1024x4096xf32>
    %mul3A = arith.constant 2.000000e+00 : f32
    %mul3A_6 = vector.broadcast %mul3A : f32 to vector<1024x4096xf32>
    %mul3A_7 = arith.mulf %mul3A_6, %dot_general3A_5 : vector<1024x4096xf32>
    %get3A_8 = arith.constant 0 : index
    %get3A_9 = arith.constant 0 : index
    %get3A_10 = vector.load %arg3[%get3A_8, %get3A_9] : memref<1024x1xf32, #tpu.memory_space<vmem>>, vector<1024x1xf32>
    %sub3A = vector.broadcast %get3A_10 : vector<1024x1xf32> to vector<1024x4096xf32>
    %sub3A_11 = arith.subf %mul3A_7, %sub3A : vector<1024x4096xf32>
    %get3A_12 = arith.constant 0 : index
    %get3A_13 = arith.constant 0 : index
    %get3A_14 = vector.load %arg4[%get3A_12, %get3A_13] : memref<1x4096xf32, #tpu.memory_space<vmem>>, vector<1x4096xf32>
    %sub3A_15 = vector.broadcast %get3A_14 : vector<1x4096xf32> to vector<1024x4096xf32>
    %sub3A_16 = arith.subf %sub3A_11, %sub3A_15 : vector<1024x4096xf32>
    %iota3A = tpu.iota {dimensions = array<i32: 1>} : vector<1024x4096xi32>
    %mul3A_17 = arith.constant 1024 : i32
    %mul3A_18 = arith.muli %arg0, %mul3A_17 : i32
    %iota3A_19 = tpu.iota {dimensions = array<i32: 0>} : vector<1024x1xi32>
    %add3A = vector.broadcast %mul3A_18 : i32 to vector<1024x1xi32>
    %add3A_20 = arith.addi %add3A, %iota3A_19 : vector<1024x1xi32>
    %eq3A = vector.broadcast %add3A_20 : vector<1024x1xi32> to vector<1024x4096xi32>
    %eq3A_21 = arith.cmpi eq, %iota3A, %eq3A : vector<1024x4096xi32>
    %jit3A = arith.constant 0xFF800000 : f32
    %broadcast_in_dim3A = vector.broadcast %jit3A : f32 to vector<1024x4096xf32>
    %select_n3A = arith.select %eq3A_21, %broadcast_in_dim3A, %sub3A_16 : vector<1024x4096xi1>, vector<1024x4096xf32>
    %reduce_max3A = arith.constant dense<0xFF800000> : vector<1024xf32>
    %reduce_max3A_22 = vector.multi_reduction <maximumf>, %select_n3A, %reduce_max3A [1] : vector<1024x4096xf32> to vector<1024xf32>
    %broadcast_in_dim3A_23 = vector.shape_cast %reduce_max3A_22 : vector<1024xf32> to vector<1024x1xf32>
    %eq3A_24 = vector.broadcast %broadcast_in_dim3A_23 : vector<1024x1xf32> to vector<1024x4096xf32>
    %eq3A_25 = arith.cmpf oeq, %select_n3A, %eq3A_24 : vector<1024x4096xf32>
    %jit3A_26 = arith.constant 4096 : i32
    %broadcast_in_dim3A_27 = vector.broadcast %jit3A_26 : i32 to vector<1024x4096xi32>
    %select_n3A_28 = arith.select %eq3A_25, %iota3A, %broadcast_in_dim3A_27 : vector<1024x4096xi1>, vector<1024x4096xi32>
    %reduce_min3A = arith.constant dense<2147483647> : vector<1024xi32>
    %reduce_min3A_29 = vector.multi_reduction <minsi>, %select_n3A_28, %reduce_min3A [1] : vector<1024x4096xi32> to vector<1024xi32>
    %broadcast_in_dim3A_30 = vector.shape_cast %reduce_min3A_29 : vector<1024xi32> to vector<1024x1xi32>
    %eq3A_31 = vector.broadcast %broadcast_in_dim3A_30 : vector<1024x1xi32> to vector<1024x4096xi32>
    %eq3A_32 = arith.cmpi eq, %iota3A, %eq3A_31 : vector<1024x4096xi32>
    %jit3A_33 = arith.constant 0xFF800000 : f32
    %broadcast_in_dim3A_34 = vector.broadcast %jit3A_33 : f32 to vector<1024x4096xf32>
    %select_n3A_35 = arith.select %eq3A_32, %broadcast_in_dim3A_34, %select_n3A : vector<1024x4096xi1>, vector<1024x4096xf32>
    %reduce_max3A_36 = arith.constant dense<0xFF800000> : vector<1024xf32>
    %reduce_max3A_37 = vector.multi_reduction <maximumf>, %select_n3A_35, %reduce_max3A_36 [1] : vector<1024x4096xf32> to vector<1024xf32>
    %broadcast_in_dim3A_38 = vector.shape_cast %reduce_max3A_37 : vector<1024xf32> to vector<1024x1xf32>
    %eq3A_39 = vector.broadcast %broadcast_in_dim3A_38 : vector<1024x1xf32> to vector<1024x4096xf32>
    %eq3A_40 = arith.cmpf oeq, %select_n3A_35, %eq3A_39 : vector<1024x4096xf32>
    %jit3A_41 = arith.constant 4096 : i32
    %broadcast_in_dim3A_42 = vector.broadcast %jit3A_41 : i32 to vector<1024x4096xi32>
    %select_n3A_43 = arith.select %eq3A_40, %iota3A, %broadcast_in_dim3A_42 : vector<1024x4096xi1>, vector<1024x4096xi32>
    %reduce_min3A_44 = arith.constant dense<2147483647> : vector<1024xi32>
    %reduce_min3A_45 = vector.multi_reduction <minsi>, %select_n3A_43, %reduce_min3A_44 [1] : vector<1024x4096xi32> to vector<1024xi32>
    %broadcast_in_dim3A_46 = vector.shape_cast %reduce_min3A_45 : vector<1024xi32> to vector<1024x1xi32>
    %eq3A_47 = vector.broadcast %broadcast_in_dim3A_46 : vector<1024x1xi32> to vector<1024x4096xi32>
    %eq3A_48 = arith.cmpi eq, %iota3A, %eq3A_47 : vector<1024x4096xi32>
    %jit3A_49 = arith.constant 0xFF800000 : f32
    %broadcast_in_dim3A_50 = vector.broadcast %jit3A_49 : f32 to vector<1024x4096xf32>
    %select_n3A_51 = arith.select %eq3A_48, %broadcast_in_dim3A_50, %select_n3A_35 : vector<1024x4096xi1>, vector<1024x4096xf32>
    %reduce_max3A_52 = arith.constant dense<0xFF800000> : vector<1024xf32>
    %reduce_max3A_53 = vector.multi_reduction <maximumf>, %select_n3A_51, %reduce_max3A_52 [1] : vector<1024x4096xf32> to vector<1024xf32>
    %broadcast_in_dim3A_54 = vector.shape_cast %reduce_max3A_53 : vector<1024xf32> to vector<1024x1xf32>
    %eq3A_55 = vector.broadcast %broadcast_in_dim3A_54 : vector<1024x1xf32> to vector<1024x4096xf32>
    %eq3A_56 = arith.cmpf oeq, %select_n3A_51, %eq3A_55 : vector<1024x4096xf32>
    %jit3A_57 = arith.constant 4096 : i32
    %broadcast_in_dim3A_58 = vector.broadcast %jit3A_57 : i32 to vector<1024x4096xi32>
    %select_n3A_59 = arith.select %eq3A_56, %iota3A, %broadcast_in_dim3A_58 : vector<1024x4096xi1>, vector<1024x4096xi32>
    %reduce_min3A_60 = arith.constant dense<2147483647> : vector<1024xi32>
    %reduce_min3A_61 = vector.multi_reduction <minsi>, %select_n3A_59, %reduce_min3A_60 [1] : vector<1024x4096xi32> to vector<1024xi32>
    %broadcast_in_dim3A_62 = vector.shape_cast %reduce_min3A_61 : vector<1024xi32> to vector<1024x1xi32>
    %eq3A_63 = vector.broadcast %broadcast_in_dim3A_62 : vector<1024x1xi32> to vector<1024x4096xi32>
    %eq3A_64 = arith.cmpi eq, %iota3A, %eq3A_63 : vector<1024x4096xi32>
    %jit3A_65 = arith.constant 0xFF800000 : f32
    %broadcast_in_dim3A_66 = vector.broadcast %jit3A_65 : f32 to vector<1024x4096xf32>
    %select_n3A_67 = arith.select %eq3A_64, %broadcast_in_dim3A_66, %select_n3A_51 : vector<1024x4096xi1>, vector<1024x4096xf32>
    %reduce_max3A_68 = arith.constant dense<0xFF800000> : vector<1024xf32>
    %reduce_max3A_69 = vector.multi_reduction <maximumf>, %select_n3A_67, %reduce_max3A_68 [1] : vector<1024x4096xf32> to vector<1024xf32>
    %broadcast_in_dim3A_70 = vector.shape_cast %reduce_max3A_69 : vector<1024xf32> to vector<1024x1xf32>
    %eq3A_71 = vector.broadcast %broadcast_in_dim3A_70 : vector<1024x1xf32> to vector<1024x4096xf32>
    %eq3A_72 = arith.cmpf oeq, %select_n3A_67, %eq3A_71 : vector<1024x4096xf32>
    %jit3A_73 = arith.constant 4096 : i32
    %broadcast_in_dim3A_74 = vector.broadcast %jit3A_73 : i32 to vector<1024x4096xi32>
    %select_n3A_75 = arith.select %eq3A_72, %iota3A, %broadcast_in_dim3A_74 : vector<1024x4096xi1>, vector<1024x4096xi32>
    %reduce_min3A_76 = arith.constant dense<2147483647> : vector<1024xi32>
    %reduce_min3A_77 = vector.multi_reduction <minsi>, %select_n3A_75, %reduce_min3A_76 [1] : vector<1024x4096xi32> to vector<1024xi32>
    %broadcast_in_dim3A_78 = vector.shape_cast %reduce_min3A_77 : vector<1024xi32> to vector<1024x1xi32>
    %concatenate3A = tpu.concatenate %broadcast_in_dim3A_23, %broadcast_in_dim3A_38, %broadcast_in_dim3A_54, %broadcast_in_dim3A_70 in 1 : vector<1024x1xf32>, vector<1024x1xf32>, vector<1024x1xf32>, vector<1024x1xf32> -> vector<1024x4xf32>
    %swap3A = arith.constant 0 : index
    %swap3A_79 = arith.constant 0 : index
    %swap3A_80 = vector.load %arg6[%swap3A, %swap3A_79] : memref<1024x4xf32, #tpu.memory_space<vmem>>, vector<1024x4xf32>
    tpu.vector_store %arg6[%swap3A, %swap3A_79], %concatenate3A {strides = array<i32>} : memref<1024x4xf32, #tpu.memory_space<vmem>>, vector<1024x4xf32>,
    %reshape3A = vector.shape_cast %broadcast_in_dim3A_30 : vector<1024x1xi32> to vector<1x1024xi32>
    %reshape3A_81 = vector.shape_cast %broadcast_in_dim3A_46 : vector<1024x1xi32> to vector<1x1024xi32>
    %reshape3A_82 = vector.shape_cast %broadcast_in_dim3A_62 : vector<1024x1xi32> to vector<1x1024xi32>
    %reshape3A_83 = vector.shape_cast %broadcast_in_dim3A_78 : vector<1024x1xi32> to vector<1x1024xi32>
    %concatenate3A_84 = tpu.concatenate %reshape3A, %reshape3A_81, %reshape3A_82, %reshape3A_83 in 0 : vector<1x1024xi32>, vector<1x1024xi32>, vector<1x1024xi32>, vector<1x1024xi32> -> vector<4x1024xi32>
    %swap3A_85 = arith.constant 0 : index
    %swap3A_86 = arith.constant 0 : index
    %swap3A_87 = vector.load %arg7[%swap3A_85, %swap3A_86] : memref<4x1024xi32, #tpu.memory_space<vmem>>, vector<4x1024xi32>
    tpu.vector_store %arg7[%swap3A_85, %swap3A_86], %concatenate3A_84 {strides = array<i32>} : memref<4x1024xi32, #tpu.memory_space<vmem>>, vector<4x1024xi32>,
    %get3A_88 = arith.constant 0 : index
    %get3A_89 = arith.constant 0 : index
    %get3A_90 = vector.load %arg5[%get3A_88, %get3A_89] : memref<1024x64xf32, #tpu.memory_space<vmem>>, vector<1024x64xf32>
    %mul3A_91 = vector.broadcast %broadcast_in_dim3A_23 : vector<1024x1xf32> to vector<1024x64xf32>
    %mul3A_92 = arith.mulf %mul3A_91, %get3A_90 : vector<1024x64xf32>
    %reshape3A_93 = vector.shape_cast %mul3A_92 : vector<1024x64xf32> to vector<1x1024x64xf32>
    %mul3A_94 = vector.broadcast %broadcast_in_dim3A_38 : vector<1024x1xf32> to vector<1024x64xf32>
    %mul3A_95 = arith.mulf %mul3A_94, %get3A_90 : vector<1024x64xf32>
    %reshape3A_96 = vector.shape_cast %mul3A_95 : vector<1024x64xf32> to vector<1x1024x64xf32>
    %mul3A_97 = vector.broadcast %broadcast_in_dim3A_54 : vector<1024x1xf32> to vector<1024x64xf32>
    %mul3A_98 = arith.mulf %mul3A_97, %get3A_90 : vector<1024x64xf32>
    %reshape3A_99 = vector.shape_cast %mul3A_98 : vector<1024x64xf32> to vector<1x1024x64xf32>
    %mul3A_100 = vector.broadcast %broadcast_in_dim3A_70 : vector<1024x1xf32> to vector<1024x64xf32>
    %mul3A_101 = arith.mulf %mul3A_100, %get3A_90 : vector<1024x64xf32>
    %reshape3A_102 = vector.shape_cast %mul3A_101 : vector<1024x64xf32> to vector<1x1024x64xf32>
    %concatenate3A_103 = tpu.concatenate %reshape3A_93, %reshape3A_96, %reshape3A_99, %reshape3A_102 in 0 : vector<1x1024x64xf32>, vector<1x1024x64xf32>, vector<1x1024x64xf32>, vector<1x1024x64xf32> -> vector<4x1024x64xf32>
    %swap3A_104 = arith.constant 0 : index
    %swap3A_105 = arith.constant 0 : index
    %swap3A_106 = arith.constant 0 : index
    %swap3A_107 = vector.load %arg8[%swap3A_104, %swap3A_105, %swap3A_106] : memref<4x1024x64xf32, #tpu.memory_space<vmem>>, vector<4x1024x64xf32>
    tpu.vector_store %arg8[%swap3A_104, %swap3A_105, %swap3A_106], %concatenate3A_103 {strides = array<i32>} : memref<4x1024x64xf32, #tpu.memory_space<vmem>>, vector<4x1024x64xf32>,
    return
  }
  func.func @transform_0(%arg0: i32) -> (i32, i32) {
    %c0_i32 = arith.constant 0 : i32
    %c0_i32_0 = arith.constant 0 : i32
    return %arg0, %c0_i32 : i32, i32
  }
  func.func @transform_1(%arg0: i32) -> (i32, i32) {
    %c0_i32 = arith.constant 0 : i32
    %c0_i32_0 = arith.constant 0 : i32
    %c0_i32_1 = arith.constant 0 : i32
    return %c0_i32, %c0_i32_0 : i32, i32
  }
  func.func @transform_2(%arg0: i32) -> (i32, i32) {
    %c0_i32 = arith.constant 0 : i32
    %c0_i32_0 = arith.constant 0 : i32
    return %arg0, %c0_i32 : i32, i32
  }
  func.func @transform_3(%arg0: i32) -> (i32, i32) {
    %c0_i32 = arith.constant 0 : i32
    %c0_i32_0 = arith.constant 0 : i32
    %c0_i32_1 = arith.constant 0 : i32
    return %c0_i32, %c0_i32_0 : i32, i32
  }
  func.func @transform_4(%arg0: i32) -> (i32, i32) {
    %c0_i32 = arith.constant 0 : i32
    %c0_i32_0 = arith.constant 0 : i32
    return %arg0, %c0_i32 : i32, i32
  }
  func.func @transform_5(%arg0: i32) -> (i32, i32) {
    %c0_i32 = arith.constant 0 : i32
    %c0_i32_0 = arith.constant 0 : i32
    return %arg0, %c0_i32 : i32, i32
  }
  func.func @transform_6(%arg0: i32) -> (i32, i32) {
    %c0_i32 = arith.constant 0 : i32
    %c0_i32_0 = arith.constant 0 : i32
    return %c0_i32, %arg0 : i32, i32
  }
  func.func @transform_7(%arg0: i32) -> (i32, i32, i32) {
    %c0_i32 = arith.constant 0 : i32
    %c0_i32_0 = arith.constant 0 : i32
    %c0_i32_1 = arith.constant 0 : i32
    return %c0_i32, %arg0, %c0_i32_0 : i32, i32, i32
  }
}

module attributes {stable_mosaic.version = 14 : i64} {
  func.func @_k3_body(%arg0: i32, %arg1: memref<4x512x64xf32, #tpu.memory_space<vmem>>, %arg2: memref<512x4xf32, #tpu.memory_space<vmem>>, %arg3: memref<512x64xf32, #tpu.memory_space<vmem>>, %arg4: memref<512x64xf32, #tpu.memory_space<vmem>>, %arg5: memref<512x32xf32, #tpu.memory_space<vmem>>, %arg6: memref<512x16xf32, #tpu.memory_space<vmem>>, %arg7: memref<1x64xf32, #tpu.memory_space<vmem>>, %arg8: memref<64x1xf32, #tpu.memory_space<vmem>>, %arg9: memref<32x1xf32, #tpu.memory_space<vmem>>, %arg10: memref<16x1xf32, #tpu.memory_space<vmem>>, %arg11: memref<1x1xf32, #tpu.memory_space<vmem>>, %arg12: memref<16x1xf32, #tpu.memory_space<vmem>>, %arg13: memref<1x1xf32, #tpu.memory_space<vmem>>, %arg14: memref<512x1xf32, #tpu.memory_space<vmem>>, %arg15: memref<512x1xf32, #tpu.memory_space<vmem>>) attributes {dimension_semantics = [#tpu.dimension_semantics<arbitrary>], iteration_bounds = array<i64: 8>, scalar_prefetch = 0 : i64, scratch_operands = 0 : i64, tpu.core_type = #tpu.core_type<tc>, window_params = [{transform_indices = @transform_0, window_bounds = array<i64: 4, 512, 64>}, {transform_indices = @transform_1, window_bounds = array<i64: 512, 4>}, {transform_indices = @transform_2, window_bounds = array<i64: 512, 64>}, {transform_indices = @transform_3, window_bounds = array<i64: 512, 64>}, {transform_indices = @transform_4, window_bounds = array<i64: 512, 32>}, {transform_indices = @transform_5, window_bounds = array<i64: 512, 16>}, {pipeline_mode = #tpu.pipeline_mode<synchronous>, transform_indices = @transform_6, window_bounds = array<i64: 1, 64>}, {pipeline_mode = #tpu.pipeline_mode<synchronous>, transform_indices = @transform_7, window_bounds = array<i64: 64, 1>}, {pipeline_mode = #tpu.pipeline_mode<synchronous>, transform_indices = @transform_8, window_bounds = array<i64: 32, 1>}, {pipeline_mode = #tpu.pipeline_mode<synchronous>, transform_indices = @transform_9, window_bounds = array<i64: 16, 1>}, {pipeline_mode = #tpu.pipeline_mode<synchronous>, transform_indices = @transform_10, window_bounds = array<i64: 1, 1>}, {pipeline_mode = #tpu.pipeline_mode<synchronous>, transform_indices = @transform_11, window_bounds = array<i64: 16, 1>}, {pipeline_mode = #tpu.pipeline_mode<synchronous>, transform_indices = @transform_12, window_bounds = array<i64: 1, 1>}, {transform_indices = @transform_13, window_bounds = array<i64: 512, 1>}, {transform_indices = @transform_14, window_bounds = array<i64: 512, 1>}]} {
    %get3A = arith.constant 0 : index
    %get3A_0 = arith.constant 0 : index
    %get3A_1 = vector.load %arg3[%get3A, %get3A_0] : memref<512x64xf32, #tpu.memory_space<vmem>>, vector<512x64xf32>
    %get3A_2 = arith.constant 0 : index
    %get3A_3 = arith.constant 0 : index
    %get3A_4 = vector.load %arg4[%get3A_2, %get3A_3] : memref<512x64xf32, #tpu.memory_space<vmem>>, vector<512x64xf32>
    %add3A = arith.addf %get3A_1, %get3A_4 : vector<512x64xf32>
    %get3A_5 = arith.constant 0 : index
    %get3A_6 = arith.constant 0 : index
    %get3A_7 = vector.load %arg2[%get3A_5, %get3A_6] : memref<512x4xf32, #tpu.memory_space<vmem>>, vector<512x1xf32>
    %get3A_8 = arith.constant 0 : index
    %get3A_9 = arith.constant 0 : index
    %get3A_10 = arith.constant 0 : index
    %get3A_11 = vector.load %arg1[%get3A_8, %get3A_9, %get3A_10] : memref<4x512x64xf32, #tpu.memory_space<vmem>>, vector<1x512x64xf32>
    %get3A_12 = vector.shape_cast %get3A_11 : vector<1x512x64xf32> to vector<512x64xf32>
    %mul3A = vector.broadcast %get3A_7 : vector<512x1xf32> to vector<512x64xf32>
    %mul3A_13 = arith.mulf %mul3A, %get3A_12 : vector<512x64xf32>
    %add3A_14 = arith.addf %add3A, %mul3A_13 : vector<512x64xf32>
    %get3A_15 = arith.constant 0 : index
    %get3A_16 = arith.constant 1 : index
    %get3A_17 = vector.load %arg2[%get3A_15, %get3A_16] : memref<512x4xf32, #tpu.memory_space<vmem>>, vector<512x1xf32>
    %get3A_18 = arith.constant 1 : index
    %get3A_19 = arith.constant 0 : index
    %get3A_20 = arith.constant 0 : index
    %get3A_21 = vector.load %arg1[%get3A_18, %get3A_19, %get3A_20] : memref<4x512x64xf32, #tpu.memory_space<vmem>>, vector<1x512x64xf32>
    %get3A_22 = vector.shape_cast %get3A_21 : vector<1x512x64xf32> to vector<512x64xf32>
    %mul3A_23 = vector.broadcast %get3A_17 : vector<512x1xf32> to vector<512x64xf32>
    %mul3A_24 = arith.mulf %mul3A_23, %get3A_22 : vector<512x64xf32>
    %add3A_25 = arith.addf %add3A_14, %mul3A_24 : vector<512x64xf32>
    %get3A_26 = arith.constant 0 : index
    %get3A_27 = arith.constant 2 : index
    %get3A_28 = vector.load %arg2[%get3A_26, %get3A_27] : memref<512x4xf32, #tpu.memory_space<vmem>>, vector<512x1xf32>
    %get3A_29 = arith.constant 2 : index
    %get3A_30 = arith.constant 0 : index
    %get3A_31 = arith.constant 0 : index
    %get3A_32 = vector.load %arg1[%get3A_29, %get3A_30, %get3A_31] : memref<4x512x64xf32, #tpu.memory_space<vmem>>, vector<1x512x64xf32>
    %get3A_33 = vector.shape_cast %get3A_32 : vector<1x512x64xf32> to vector<512x64xf32>
    %mul3A_34 = vector.broadcast %get3A_28 : vector<512x1xf32> to vector<512x64xf32>
    %mul3A_35 = arith.mulf %mul3A_34, %get3A_33 : vector<512x64xf32>
    %add3A_36 = arith.addf %add3A_25, %mul3A_35 : vector<512x64xf32>
    %get3A_37 = arith.constant 0 : index
    %get3A_38 = arith.constant 3 : index
    %get3A_39 = vector.load %arg2[%get3A_37, %get3A_38] : memref<512x4xf32, #tpu.memory_space<vmem>>, vector<512x1xf32>
    %get3A_40 = arith.constant 3 : index
    %get3A_41 = arith.constant 0 : index
    %get3A_42 = arith.constant 0 : index
    %get3A_43 = vector.load %arg1[%get3A_40, %get3A_41, %get3A_42] : memref<4x512x64xf32, #tpu.memory_space<vmem>>, vector<1x512x64xf32>
    %get3A_44 = vector.shape_cast %get3A_43 : vector<1x512x64xf32> to vector<512x64xf32>
    %mul3A_45 = vector.broadcast %get3A_39 : vector<512x1xf32> to vector<512x64xf32>
    %mul3A_46 = arith.mulf %mul3A_45, %get3A_44 : vector<512x64xf32>
    %add3A_47 = arith.addf %add3A_36, %mul3A_46 : vector<512x64xf32>
    %get3A_48 = arith.constant 0 : index
    %get3A_49 = arith.constant 0 : index
    %get3A_50 = vector.load %arg7[%get3A_48, %get3A_49] : memref<1x64xf32, #tpu.memory_space<vmem>>, vector<1x64xf32>
    %add3A_51 = vector.broadcast %get3A_50 : vector<1x64xf32> to vector<512x64xf32>
    %add3A_52 = arith.addf %add3A_47, %add3A_51 : vector<512x64xf32>
    %max3A = arith.constant 0.000000e+00 : f32
    %max3A_53 = vector.broadcast %max3A : f32 to vector<512x64xf32>
    %max3A_54 = arith.maximumf %add3A_52, %max3A_53 : vector<512x64xf32>
    %get3A_55 = arith.constant 0 : index
    %get3A_56 = arith.constant 0 : index
    %get3A_57 = vector.load %arg8[%get3A_55, %get3A_56] : memref<64x1xf32, #tpu.memory_space<vmem>>, vector<64x1xf32>
    %dot_general3A = arith.constant dense<0.000000e+00> : vector<512x1xf32>
    %dot_general3A_58 = tpu.matmul %max3A_54, %get3A_57, %dot_general3A {dimension_numbers = #tpu.dot_dimension_numbers<[1], [0], [0], [1], [0, 0, 1, 1], [], []>, transpose_lhs_hint = false} : vector<512x64xf32>, vector<64x1xf32>, vector<512x1xf32> -> vector<512x1xf32>
    %get3A_59 = arith.constant 0 : index
    %get3A_60 = arith.constant 0 : index
    %get3A_61 = vector.load %arg5[%get3A_59, %get3A_60] : memref<512x32xf32, #tpu.memory_space<vmem>>, vector<512x32xf32>
    %get3A_62 = arith.constant 0 : index
    %get3A_63 = arith.constant 0 : index
    %get3A_64 = vector.load %arg9[%get3A_62, %get3A_63] : memref<32x1xf32, #tpu.memory_space<vmem>>, vector<32x1xf32>
    %dot_general3A_65 = arith.constant dense<0.000000e+00> : vector<512x1xf32>
    %dot_general3A_66 = tpu.matmul %get3A_61, %get3A_64, %dot_general3A_65 {dimension_numbers = #tpu.dot_dimension_numbers<[1], [0], [0], [1], [0, 0, 1, 1], [], []>, transpose_lhs_hint = false} : vector<512x32xf32>, vector<32x1xf32>, vector<512x1xf32> -> vector<512x1xf32>
    %add3A_67 = arith.addf %dot_general3A_58, %dot_general3A_66 : vector<512x1xf32>
    %get3A_68 = arith.constant 0 : index
    %get3A_69 = arith.constant 0 : index
    %get3A_70 = vector.load %arg6[%get3A_68, %get3A_69] : memref<512x16xf32, #tpu.memory_space<vmem>>, vector<512x16xf32>
    %get3A_71 = arith.constant 0 : index
    %get3A_72 = arith.constant 0 : index
    %get3A_73 = vector.load %arg10[%get3A_71, %get3A_72] : memref<16x1xf32, #tpu.memory_space<vmem>>, vector<16x1xf32>
    %dot_general3A_74 = arith.constant dense<0.000000e+00> : vector<512x1xf32>
    %dot_general3A_75 = tpu.matmul %get3A_70, %get3A_73, %dot_general3A_74 {dimension_numbers = #tpu.dot_dimension_numbers<[1], [0], [0], [1], [0, 0, 1, 1], [], []>, transpose_lhs_hint = false} : vector<512x16xf32>, vector<16x1xf32>, vector<512x1xf32> -> vector<512x1xf32>
    %add3A_76 = arith.addf %add3A_67, %dot_general3A_75 : vector<512x1xf32>
    %get3A_77 = arith.constant 0 : index
    %get3A_78 = arith.constant 0 : index
    %get3A_79 = vector.load %arg11[%get3A_77, %get3A_78] : memref<1x1xf32, #tpu.memory_space<vmem>>, vector<1x1xf32>
    %add3A_80 = vector.broadcast %get3A_79 : vector<1x1xf32> to vector<512x1xf32>
    %add3A_81 = arith.addf %add3A_76, %add3A_80 : vector<512x1xf32>
    %logistic3A = arith.negf %add3A_81 : vector<512x1xf32>
    %logistic3A_82 = math.exp %logistic3A : vector<512x1xf32>
    %logistic3A_83 = arith.constant 1.000000e+00 : f32
    %logistic3A_84 = vector.broadcast %logistic3A_83 : f32 to vector<512x1xf32>
    %logistic3A_85 = arith.addf %logistic3A_84, %logistic3A_82 : vector<512x1xf32>
    %logistic3A_86 = arith.divf %logistic3A_84, %logistic3A_85 : vector<512x1xf32>
    %swap3A = arith.constant 0 : index
    %swap3A_87 = arith.constant 0 : index
    %swap3A_88 = vector.load %arg14[%swap3A, %swap3A_87] : memref<512x1xf32, #tpu.memory_space<vmem>>, vector<512x1xf32>
    tpu.vector_store %arg14[%swap3A, %swap3A_87], %logistic3A_86 {strides = array<i32>} : memref<512x1xf32, #tpu.memory_space<vmem>>, vector<512x1xf32>,
    %get3A_89 = arith.constant 0 : index
    %get3A_90 = arith.constant 0 : index
    %get3A_91 = vector.load %arg6[%get3A_89, %get3A_90] : memref<512x16xf32, #tpu.memory_space<vmem>>, vector<512x16xf32>
    %get3A_92 = arith.constant 0 : index
    %get3A_93 = arith.constant 0 : index
    %get3A_94 = vector.load %arg12[%get3A_92, %get3A_93] : memref<16x1xf32, #tpu.memory_space<vmem>>, vector<16x1xf32>
    %dot_general3A_95 = arith.constant dense<0.000000e+00> : vector<512x1xf32>
    %dot_general3A_96 = tpu.matmul %get3A_91, %get3A_94, %dot_general3A_95 {dimension_numbers = #tpu.dot_dimension_numbers<[1], [0], [0], [1], [0, 0, 1, 1], [], []>, transpose_lhs_hint = false} : vector<512x16xf32>, vector<16x1xf32>, vector<512x1xf32> -> vector<512x1xf32>
    %get3A_97 = arith.constant 0 : index
    %get3A_98 = arith.constant 0 : index
    %get3A_99 = vector.load %arg13[%get3A_97, %get3A_98] : memref<1x1xf32, #tpu.memory_space<vmem>>, vector<1x1xf32>
    %add3A_100 = vector.broadcast %get3A_99 : vector<1x1xf32> to vector<512x1xf32>
    %add3A_101 = arith.addf %dot_general3A_96, %add3A_100 : vector<512x1xf32>
    %logistic3A_102 = arith.negf %add3A_101 : vector<512x1xf32>
    %logistic3A_103 = math.exp %logistic3A_102 : vector<512x1xf32>
    %logistic3A_104 = arith.constant 1.000000e+00 : f32
    %logistic3A_105 = vector.broadcast %logistic3A_104 : f32 to vector<512x1xf32>
    %logistic3A_106 = arith.addf %logistic3A_105, %logistic3A_103 : vector<512x1xf32>
    %logistic3A_107 = arith.divf %logistic3A_105, %logistic3A_106 : vector<512x1xf32>
    %swap3A_108 = arith.constant 0 : index
    %swap3A_109 = arith.constant 0 : index
    %swap3A_110 = vector.load %arg15[%swap3A_108, %swap3A_109] : memref<512x1xf32, #tpu.memory_space<vmem>>, vector<512x1xf32>
    tpu.vector_store %arg15[%swap3A_108, %swap3A_109], %logistic3A_107 {strides = array<i32>} : memref<512x1xf32, #tpu.memory_space<vmem>>, vector<512x1xf32>,
    return
  }
  func.func @transform_0(%arg0: i32) -> (i32, i32, i32) {
    %c0_i32 = arith.constant 0 : i32
    %c0_i32_0 = arith.constant 0 : i32
    %c0_i32_1 = arith.constant 0 : i32
    return %c0_i32, %arg0, %c0_i32_0 : i32, i32, i32
  }
  func.func @transform_1(%arg0: i32) -> (i32, i32) {
    %c0_i32 = arith.constant 0 : i32
    %c0_i32_0 = arith.constant 0 : i32
    return %arg0, %c0_i32 : i32, i32
  }
  func.func @transform_2(%arg0: i32) -> (i32, i32) {
    %c0_i32 = arith.constant 0 : i32
    %c0_i32_0 = arith.constant 0 : i32
    return %arg0, %c0_i32 : i32, i32
  }
  func.func @transform_3(%arg0: i32) -> (i32, i32) {
    %c0_i32 = arith.constant 0 : i32
    %c0_i32_0 = arith.constant 0 : i32
    return %arg0, %c0_i32 : i32, i32
  }
  func.func @transform_4(%arg0: i32) -> (i32, i32) {
    %c0_i32 = arith.constant 0 : i32
    %c0_i32_0 = arith.constant 0 : i32
    return %arg0, %c0_i32 : i32, i32
  }
  func.func @transform_5(%arg0: i32) -> (i32, i32) {
    %c0_i32 = arith.constant 0 : i32
    %c0_i32_0 = arith.constant 0 : i32
    return %arg0, %c0_i32 : i32, i32
  }
  func.func @transform_6(%arg0: i32) -> (i32, i32) {
    %c0_i32 = arith.constant 0 : i32
    %c0_i32_0 = arith.constant 0 : i32
    %c0_i32_1 = arith.constant 0 : i32
    return %c0_i32, %c0_i32_0 : i32, i32
  }
  func.func @transform_7(%arg0: i32) -> (i32, i32) {
    %c0_i32 = arith.constant 0 : i32
    %c0_i32_0 = arith.constant 0 : i32
    %c0_i32_1 = arith.constant 0 : i32
    return %c0_i32, %c0_i32_0 : i32, i32
  }
  func.func @transform_8(%arg0: i32) -> (i32, i32) {
    %c0_i32 = arith.constant 0 : i32
    %c0_i32_0 = arith.constant 0 : i32
    %c0_i32_1 = arith.constant 0 : i32
    return %c0_i32, %c0_i32_0 : i32, i32
  }
  func.func @transform_9(%arg0: i32) -> (i32, i32) {
    %c0_i32 = arith.constant 0 : i32
    %c0_i32_0 = arith.constant 0 : i32
    %c0_i32_1 = arith.constant 0 : i32
    return %c0_i32, %c0_i32_0 : i32, i32
  }
  func.func @transform_10(%arg0: i32) -> (i32, i32) {
    %c0_i32 = arith.constant 0 : i32
    %c0_i32_0 = arith.constant 0 : i32
    %c0_i32_1 = arith.constant 0 : i32
    return %c0_i32, %c0_i32_0 : i32, i32
  }
  func.func @transform_11(%arg0: i32) -> (i32, i32) {
    %c0_i32 = arith.constant 0 : i32
    %c0_i32_0 = arith.constant 0 : i32
    %c0_i32_1 = arith.constant 0 : i32
    return %c0_i32, %c0_i32_0 : i32, i32
  }
  func.func @transform_12(%arg0: i32) -> (i32, i32) {
    %c0_i32 = arith.constant 0 : i32
    %c0_i32_0 = arith.constant 0 : i32
    %c0_i32_1 = arith.constant 0 : i32
    return %c0_i32, %c0_i32_0 : i32, i32
  }
  func.func @transform_13(%arg0: i32) -> (i32, i32) {
    %c0_i32 = arith.constant 0 : i32
    %c0_i32_0 = arith.constant 0 : i32
    return %arg0, %c0_i32 : i32, i32
  }
  func.func @transform_14(%arg0: i32) -> (i32, i32) {
    %c0_i32 = arith.constant 0 : i32
    %c0_i32_0 = arith.constant 0 : i32
    return %arg0, %c0_i32 : i32, i32
  }
}

</mosaic_0001>

<sc_bundles>
// kernel: kernel.6.cloned.1.call-start
scs
__scs_entry_jumppad:
0x0: {  	(pc) =	sbr.rel $0x88, $3  }
0x1: {  	(tag) =	ssettag $0x0;
	lr =	simm.s32 $0x1  }
0x2: {  	[smem:$0x3F94] =	sst lr;
	_ =	strace $0xD0000000  }
0x3: {  	_ = 	snop  }
0x4: {  	_ = 	snop  }
0x5: {  	_ = 	snop  }
0x6: {  	_ = 	snop  }
0x7: {  	_ = 	snop  }
__scs_overlays_trampoline_lowered:
0x8: {  	[smem:$0x3FA3] =	sst s0  }
0x9: {  	[smem:$0x3FA4] =	sst s1  }
0xa: {  	[smem:$0x3FA5] =	sst s2  }
0xb: {  	[smem:$0x3FA6] =	sst s3  }
0xc: {  	[smem:$0x3FA7] =	sst s4  }
0xd: {  	[smem:$0x3FA8] =	sst s5  }
0xe: {  	[smem:$0x3FA9] =	sst s6  }
0xf: {  	[smem:$0x3FAA] =	sst s7  }
0x10: {  	[smem:$0x3FAB] =	sst s8  }
0x11: {  	[smem:$0x3FAC] =	sst s9;
	s0 =	simm.s32 @!p0 $0x0  }
0x12: {  	s1 =	sld [smem:$0x3F92];
	s0 =	simm.s32 @p0 $0x1  }
0x13: {  	[smem:$0x3FAD] =	sst s0;
	s0 =	simm.s32 @!p1 $0x0  }
0x14: {  	s2 =	sld [smem:$0x3F91];
	s0 =	simm.s32 @p1 $0x1  }
0x15: {  	[smem:$0x3FAE] =	sst s0;
	s0 =	simm.s32 @!p2 $0x0  }
0x16: {  	s3 =	sld [smem:$0x3FDB];
	s0 =	simm.s32 @p2 $0x1  }
0x17: {  	s4 =	simm.s32 $0x1BF5;
	[smem:$0x3FB0] =	sst s0  }
0x18: {  	s0 =	sld [smem:$0x3F93];
	_ =	swait.ge [sflag:s4], $0x0  }
0x19: {  	s7 =	sld [smem:$0x3F94]  }
0x1a: {  	s8 =	sadd.s32 $0xFFFFE003, lr  }
0x1b: {  	s9 =	sadd.s32 $0xFFFFFEF7, lr;
	s5 =	simm.s32 $0xFFFFFFFF;
	p2 =	slt.u32 s8, $0xFFFFF086  }
0x1c: {  	p1 =	slt.u32 s9, $0xF7A;
	s5 =	simm.s32 @!p2 $0x0  }
0x1d: {  	s5 =	simm.s32 @p1 $0x1;
	p0 =	seq.s32 s7, s2  }
0x1e: {  	s7 =	smul.u32 @!p0 $0xF7A, s2;
	p2 =	seq.s32 @!p0 s5, $0x0  }
0x1f: {  	s9 =	smul.u32 $0xF7A, s1;
	s8 =	simm.s32 @!p0 $0x1BF5;
	p2 =	por !p2, p0  }
0x20: {  	[sflag:s8] =	ssyncset.s32 @!p0 $0xFFFFF086;
	s6 =	sadd.s32 @!p0 s3, s7;
	s7 =	simm.s32 @!p0 $0x108  }
0x21: {  	s3 =	sadd.s32 s3, s9;
	s6 =	sadd.s32 @!p0 $0x88, s6;
	s7 =	simm.s32 @p2 $0x1082  }
0x22: {  	[simem:s7], [sflag:s8] =	dma.local @!p0 [hbm:s6], $0xF7A  }
0x23: {  	s9 =	sor.u32 $0xD0000000, s2;
	s6 =	simm.s32 $0x108;
	_ =	swait.ge @!p0 [sflag:s8], $0x0  }
0x24: {  	s3 =	sadd.s32 $0x88, s3;
	s6 =	simm.s32 @!p1 $0x1082;
	[sflag:s4] =	ssyncset.s32 $0xFFFFF086  }
0x25: {  	[simem:s6], [sflag:s4] =	dma.local [hbm:s3], $0xF7A  }
0x26: {  	[smem:$0x3F94] =	sst s1;
	(tag) =	ssettag s2;
	_ =	strace s9  }
0x27: {  	s1 =	sld [smem:$0x3FA4]  }
0x28: {  	s2 =	sld [smem:$0x3FA5]  }
0x29: {  	s4 =	sld [smem:$0x3FA7]  }
0x2a: {  	p0 =	seq.s32 s5, $0x0;
	s5 =	sld [smem:$0x3FA8]  }
0x2b: {  	s6 =	sld [smem:$0x3FA9]  }
0x2c: {  	s7 =	sld [smem:$0x3FAA]  }
0x2d: {  	s3 =	simm.s32 $0x108;
	s8 =	sld [smem:$0x3FAB]  }
0x2e: {  	s3 =	simm.s32 @!p0 $0x1082;
	s9 =	sld [smem:$0x3FAC]  }
0x2f: {  	lr =	sadd.s32 s0, s3;
	s0 =	sld [smem:$0x3FA3]  }
0x30: {  	s3 =	sld [smem:$0x3FA6]  }
0x31: {  	[smem:$0x3FAF] =	sst s10  }
0x32: {  	s10 =	sld [smem:$0x3FAD];
	_ =	sdelay $0x3  }
0x33: {  	p0 =	seq.s32 s10, $0x1;
	s10 =	sld [smem:$0x3FAF];
	_ =	sdelay $0x3  }
0x34: {  	[smem:$0x3FAF] =	sst s10  }
0x35: {  	s10 =	sld [smem:$0x3FAE];
	_ =	sdelay $0x3  }
0x36: {  	p1 =	seq.s32 s10, $0x1;
	s10 =	sld [smem:$0x3FAF];
	_ =	sdelay $0x3  }
0x37: {  	[smem:$0x3FAF] =	sst s10  }
0x38: {  	s10 =	sld [smem:$0x3FB0]  }
0x39: {  	_ = 	snop;
	(pc) =	sbr.ind lr, $3  }
0x3a: {  	_ = 	snop  }
0x3b: {  	_ = 	snop  }
0x3c: {  	p2 =	seq.s32 s10, $0x1;
	s10 =	sld [smem:$0x3FAF]  }
0x3d: {  	_ =	shalt  }
0x3e: {  	_ =	shalt  }
0x3f: {  	_ =	shalt  }
0x40: {  	_ =	shalt  }
0x41: {  	_ =	shalt  }
0x42: {  	_ =	shalt  }
0x43: {  	_ =	shalt  }
0x44: {  	_ =	shalt  }
0x45: {  	_ =	shalt  }
0x46: {  	_ =	shalt  }
0x47: {  	_ =	shalt  }
0x48: {  	_ =	shalt  }
0x49: {  	_ =	shalt  }
0x4a: {  	_ =	shalt  }
0x4b: {  	_ =	shalt  }
0x4c: {  	_ =	shalt  }
0x4d: {  	_ =	shalt  }
0x4e: {  	_ =	shalt  }
0x4f: {  	_ =	shalt  }
0x50: {  	_ =	shalt  }
0x51: {  	_ =	shalt  }
0x52: {  	_ =	shalt  }
0x53: {  	_ =	shalt  }
0x54: {  	_ =	shalt  }
0x55: {  	_ =	shalt  }
0x56: {  	_ =	shalt  }
0x57: {  	_ =	shalt  }
0x58: {  	_ =	shalt  }
0x59: {  	_ =	shalt  }
0x5a: {  	_ =	shalt  }
0x5b: {  	_ =	shalt  }
0x5c: {  	_ =	shalt  }
0x5d: {  	_ =	shalt  }
0x5e: {  	_ =	shalt  }
0x5f: {  	_ =	shalt  }
0x60: {  	_ =	shalt  }
0x61: {  	_ =	shalt  }
0x62: {  	_ =	shalt  }
0x63: {  	_ =	shalt  }
0x64: {  	_ =	shalt  }
0x65: {  	_ =	shalt  }
0x66: {  	_ =	shalt  }
0x67: {  	_ =	shalt  }
0x68: {  	_ =	shalt  }
0x69: {  	_ =	shalt  }
0x6a: {  	_ =	shalt  }
0x6b: {  	_ =	shalt  }
0x6c: {  	_ =	shalt  }
0x6d: {  	_ =	shalt  }
0x6e: {  	_ =	shalt  }
0x6f: {  	_ =	shalt  }
0x70: {  	_ =	shalt  }
0x71: {  	_ =	shalt  }
0x72: {  	_ =	shalt  }
0x73: {  	_ =	shalt  }
0x74: {  	_ =	shalt  }
0x75: {  	_ =	shalt  }
0x76: {  	_ =	shalt  }
0x77: {  	_ =	shalt  }
0x78: {  	_ =	shalt  }
0x79: {  	_ =	shalt  }
0x7a: {  	_ =	shalt  }
0x7b: {  	_ =	shalt  }
0x7c: {  	_ =	shalt  }
0x7d: {  	_ =	shalt  }
0x7e: {  	_ =	shalt  }
0x7f: {  	_ =	shalt  }
0x80: {  	_ =	shalt  }
0x81: {  	_ =	shalt  }
0x82: {  	_ =	shalt  }
0x83: {  	_ =	shalt  }
0x84: {  	_ =	shalt  }
0x85: {  	_ =	shalt  }
0x86: {  	_ =	shalt  }
0x87: {  	_ =	shalt  }
.Lfunc_end0:
.L_simem_size_0:
called_computation_lowered:
.L_overlay_start_0:
0x88: {  	s2 =	sld [smem:$0x3FD9]  }
0x89: {  	s3 =	sld [smem:$0x3FFE];
	_ =	sdelay $0x1  }
0x8a: {  	s1 =	srdreg.scid  }
0x8b: {  	s0 =	sand.u32 $0x1, s1  }
0x8c: {  	s16 =	sshll.u32 s0, $0xA;
	s2 =	sadd.s32 s3, s2  }
0x8d: {  	s2 =	sadd.s32 s2, s16  }
0x8e: {  	[smem:$0x3FBB] =	sst s2  }
0x8f: {  	_ = 	snop  }
0x90: {  	(tm) =	ssettm $0x1  }
0x91: {  	s17 =	sld [smem:$0x3FFB];
	_ =	sdelay $0x3  }
0x92: {  	_ =	strace s17  }
0x93: {  	s2 =	sld [smem:$0x3FFC];
	_ =	sdelay $0x3  }
0x94: {  	_ =	strace s2  }
0x95: {  	s2 =	sld [smem:$0x3FFD];
	_ =	sdelay $0x3  }
0x96: {  	_ =	strace s2  }
0x97: {  	_ =	strace $0x8FFFFFFF  }
0x98: {  	s18 =	sld [smem:$0x3FDB];
	_ =	sdelay $0x1  }
0x99: {  	s19 =	simm.s32 $_scs_section_size  }
0x9a: {  	s4 =	simm.s32 $_size__tile_overlayer_lowered;
	s5 =	simm.s32 $_tile_overlayer_lowered  }
0x9b: {  	s22 =	simm.s32 $0x1BFF;
	s21 =	sshll.u32 s5, $0x1;
	s2 =	sadd.s32 s19, s18  }
0x9c: {  	s6 =	simm.s32 $0x0;
	s20 =	sshll.u32 s4, $0x1;
	s4 =	sadd.s32 s21, s2  }
0x9d: {  	[timem:s6], [sflag:s22] =	dma.local [hbm:s4], s20  }
0x9e: {  	_ =	swait.ge [sflag:s22], s20  }
0x9f: {  	s3 =	ssub.s32 $0x0, s20;
	[sflag:s22] =	ssyncset.done $0x0  }
0xa0: {  	[sflag:s22] =	ssyncadd.s32 s3;
	_ =	sdelay $0x1  }
0xa1: {  	s23 =	simm.s32 $0x1B8B  }
0xa2: {  	_ =	swait.ge [sflag:s23], $0x1  }
0xa3: {  	[sflag:s23] =	ssyncset.done $0x0  }
0xa4: {  	s25 =	simm.s32 $0x1B8E;
	s24 =	sld [smem:$0x3FFE];
	[sflag:s23] =	ssyncadd.s32 $0xFFFFFFFF  }
0xa5: {  	s26 =	simm.s32 $execute0_lowered;
	[smem:$0x3FD2] =	sst s25  }
0xa6: {  	s4 =	sshll.u32 s26, $0x1;
	_ =	strace $0x80000046;
	[dreg:$0x1] =	wrdreg $0xFFFFFFFF  }
0xa7: {  	s28 =	simm.s32 $_size_execute0_lowered;
	s2 =	sadd.s32 s2, s4;
	[dreg:$0x0] =	wrdreg $0x0  }
0xa8: {  	s4 =	sshll.u32 s28, $0x1;
	[dreg:$0x2] =	wrdreg s2  }
0xa9: {  	[dreg:$0x3] =	wrdreg s4  }
0xaa: {  	[dreg:$0x4] =	wrdreg $0xC0  }
0xab: {  	_ =	task [dreg:s6], $0x5FFFF  }
0xac: {  	[dreg:$0x1] =	wrdreg $0xFFFFFFFF  }
0xad: {  	[dreg:$0x0] =	wrdreg $0x60  }
0xae: {  	[dreg:$0x2] =	wrdreg s24  }
0xaf: {  	[dreg:$0x3] =	wrdreg $0x102000  }
0xb0: {  	[dreg:$0x4] =	wrdreg $0x9  }
0xb1: {  	_ =	task.clear_ibuf [dreg:s6], $0x5FFFF;
	_ =	strace $0x90000046  }
0xb2: {  	s29 =	simm.s32 $0x9;
	_ =	strace $0x80000048  }
0xb3: {  	_ =	swait.ge [sflag:s29], $0x1  }
0xb4: {  	[sflag:s29] =	ssyncadd.s32 $0xFFFFFFFF  }
0xb5: {  	_ =	strace $0x90000048  }
0xb6: {  	_ =	sfence  }
0xb7: {  	s30 =	sld [smem:$0x0];
	_ =	sdelay $0x2  }
0xb8: {  	s31 =	sshll.u32 s1, $0xD;
	s1 =	sshrl.u32 s1, $0x2  }
0xb9: {  	s3 =	sand.u32 $0x4000, s31;
	s1 =	sadd.s32 s1, s30  }
0xba: {  	s0 =	sor.u32 s3, s0;
	s1 =	sshll.u32 s1, $0x11  }
0xbb: {  	s0 =	sor.u32 s1, s0  }
0xbc: {  	s0 =	sadd.s32 $0x8F2B, s0  }
0xbd: {  	[sflag:s0] =	ssyncadd.remote.s32 $0x1  }
0xbe: {  	_ =	sfence.sel $0xFFFF  }
0xbf: {  	[dreg:$0x0] =	wrdreg $0xFFFFFFFF;
	(pc) =	sbr.abs _section_cstart, $3  }
0xc0: {  	[dreg:$0x1] =	wrdreg $0xFFFFFFFF  }
0xc1: {  	_ =	task.clear_ibuf [dreg:s6], $0x2FFFF;
	_ =	strace $0x9FFFFFFF  }
0xc2: {  	(tm) =	ssettm $0x7FFFFFFF  }
0xc3: {  	_ =	shalt  }
tec
execute0_lowered:
.L_overlay_start_1:
0x0: {  	(tag) =	ssettag $0x1  }
0x1: {  	s0 =	rddreg [dreg:$0x0]  }
0x2: {  	s2 =	rddreg [dreg:$0x1]  }
0x3: {  	s31 =	rddreg [dreg:$0x2];
	s1 =	srdreg.scid  }
0x4: {  	s3 =	simm.s32 $0x0;
	s10 =	stileid.u32;
	s26 =	simm.s32 $0x2000  }
0x5: {  	s28 =	simm.s32 $0x40000;
	s30 =	simm.s32 $0x1000;
	s16 =	simm.s32 $0x100  }
0x6: {  	s18 =	simm.s32 $0xC200;
	s13 =	simm.s32 $0x180;
	s15 =	simm.s32 $0xE200  }
0x7: {  	p0 =	por $0x0, $0x0;
	s29 =	simm.s32 $0x2;
	s19 =	simm.s32 $0x1  }
0x8: {  	s20 =	simm.s32 $0x6200;
	s1 =	sand.u32 $0x1, s1;
	[smem:$0x7FF] =	sst s3  }
0x9: {  	s5 =	sshll.u32 s10, $0x7;
	s6 =	sshll.u32 s10, $0xE;
	s12 =	sadd.s32 $0x2200, s0  }
0xa: {  	s8 =	sshll.u32 s10, $0xB;
	s4 =	sshll.u32 s1, $0xB;
	_ =	strace $0x80000047  }
0xb: {  	s7 =	sshll.u32 s1, $0x12;
	s8 =	sadd.s32 s8, s0;
	s1 =	ssub.s32 $0x2, s1  }
0xc: {  	s4 =	sor.u32 s5, s4;
	s7 =	sor.u32 s6, s7;
	s21 =	sadd.s32 $0x2AA00, s8  }
0xd: {  	s22 =	sshrl.u32 s1, $0x1;
	s6 =	sadd.s32 s6, s2;
	s5 =	sshrl.u32 s4, $0x3  }
0xe: {  	s4 =	sshll.u32 s4, $0x3;
	s7 =	sshrl.u32 s7, $0x3;
	[dreg:$0x3] =	wrdreg s21  }
0xf: {  	s1 =	ssub.s32 s1, s22;
	s6 =	sshrl.u32 s6, $0x3;
	s22 =	simm.s32 $0x200  }
0x10: {  	s21 =	simm.s32 $0xA200;
	s5 =	sadd.s32 s5, s0;
	s9 =	sadd.s32 s4, s0  }
0x11: {  	s0 =	sadd.s32 s7, s0;
	s4 =	sshll.u32 s10, $0x6;
	s25 =	smax.u32 s1, $0x1  }
0x12: {  	s10 =	simm.s32 $0x80;
	s7 =	simm.s32 $0x4;
	s1 =	rddreg [dreg:$0x3]  }
0x13: {  	s23 =	sor.u32 $0x1C03, s4;
	s24 =	sadd.s32 $0xA200, s9;
	p1 =	sne.s32 s25, $0x1  }
.Ltmp0:
0x14: {  	s5 =	sadd.s32 $0x2A200, s5;
	s17 =	sadd.s32 $0x42A00, s9;
	(pc) =	sbr.rel @!p1 .LBB2_5-.Ltmp0, $4  }
0x15: {  	s14 =	sadd.s32 $0x4AA00, s9;
	s11 =	sadd.s32 $0x52A00, s9;
	[dreg:$0x4] =	wrdreg s23  }
0x16: {  	s8 =	sadd.s32 $0x5AA00, s9;
	s9 =	simm.s32 $0x3;
	[dreg:$0x5] =	wrdreg s24  }
0x17: {  	[dreg:$0x6] =	wrdreg s5;
	s5 =	sadd.s32 $0x32A00, s0;
	s24 =	simm.s32 $0x8200  }
0x18: {  	s0 =	sadd.s32 $0xFFFFFFFF, s25;
	s25 =	simm.s32 $0x2200;
	s23 =	simm.s32 $0x4200  }
0x19: {  	s31 =	rddreg [dreg:$0x4]  }
0x1a: {  	[spmem:s6], [sflag:s31] =	dma.local [hbm:s1], $0x800  }
0x1b: {  	s1 =	rddreg [dreg:$0x5]  }
0x1c: {  	[tilespmem:s22], [sflag:$0x2] =	stream.strided.gather [hbm4b:s1+s26], $0x8000, s28, s26, $0x38;
	[tilespmem:$0x14200] =	vst v63  }
0x1d: {  	s31 =	rddreg [dreg:$0x6]  }
0x1e: {  	[tilespmem:s3], [sflag:$0x4] =	stream.strided.gather [hbm4b:s31+s10], $0x200, s30, s10, $0x38;
	[tilespmem:$0x14200] =	vst v63  }
0x1f: {  	_ =	swait.ge [sflag:s7], $0x200  }
0x20: {  	[sflag:s7] =	ssyncset.done $0x0  }
0x21: {  	[sflag:s7] =	ssyncadd.s32 $0xFFFFFE00  }
0x22: {  	[tilespmem:s24], [sflag:$0x1] =	stream.indirect.gather [hbm4b:s12+s10], $0x40, s3, s10, $0xb8;
	[tilespmem:$0x14200] =	vst v63  }
0x23: {  	_ = 	snop  }
0x24: {  	[tilespmem:s21], [sflag:$0x1] =	stream.indirect.gather [hbm4b:s12+s10], $0x40, s10, s10, $0xb8;
	[tilespmem:$0x14200] =	vst v63  }
0x25: {  	_ = 	snop  }
0x26: {  	[tilespmem:s18], [sflag:$0x1] =	stream.indirect.gather [hbm4b:s12+s10], $0x40, s16, s10, $0xb8;
	[tilespmem:$0x14200] =	vst v63  }
0x27: {  	_ = 	snop  }
0x28: {  	[tilespmem:s15], [sflag:$0x1] =	stream.indirect.gather [hbm4b:s12+s10], $0x40, s13, s10, $0xb8;
	[tilespmem:$0x14200] =	vst v63  }
0x29: {  	_ =	swait.ge [sflag:s9], $0x800  }
0x2a: {  	[sflag:s9] =	ssyncset.done $0x0  }
0x2b: {  	[sflag:s9] =	ssyncadd.s32 $0xFFFFF800  }
0x2c: {  	_ =	swait.ge [sflag:s29], $0x8000  }
0x2d: {  	[sflag:s29] =	ssyncset.done $0x0  }
0x2e: {  	[sflag:s29] =	ssyncadd.s32 $0xFFFF8000  }
0x2f: {  	[bflag:$0x0] =	sbarrier.arrive $0xFFFF  }
0x30: {  	_ =	swait.ge [sflag:s19], $0x2000  }
0x31: {  	[sflag:s19] =	ssyncset.done $0x0  }
0x32: {  	[sflag:s19] =	ssyncadd.s32 $0xFFFFE000  }
0x33: {  	[hbm4b:s17+s3] =	stream.linear.scatter [tilespmem:s24], [sflag:$0x3], $0x2000, $0x38;
	[tilespmem:$0x14200] =	vst v63  }
0x34: {  	_ = 	snop  }
0x35: {  	[spmem:s2] =	stream.indirect.scatter.add.f32 [tilespmem:s22], [sflag:$0x4], $0x40, s3, s10, $0xb8;
	[tilespmem:$0x14200] =	vst v63  }
0x36: {  	_ =	swait.ge [sflag:s7], $0x2000  }
0x37: {  	[sflag:s7] =	ssyncset.done $0x0  }
0x38: {  	[sflag:s7] =	ssyncadd.s32 $0xFFFFE000  }
0x39: {  	_ =	swait.ge [sflag:s19], $0x2000  }
0x3a: {  	[sflag:s19] =	ssyncset.done $0x0  }
0x3b: {  	[sflag:s19] =	ssyncadd.s32 $0xFFFFE000  }
0x3c: {  	[hbm4b:s14+s3] =	stream.linear.scatter [tilespmem:s21], [sflag:$0x3], $0x2000, $0x38;
	[tilespmem:$0x14200] =	vst v63  }
0x3d: {  	_ = 	snop  }
0x3e: {  	[spmem:s2] =	stream.indirect.scatter.add.f32 [tilespmem:s25], [sflag:$0x4], $0x40, s10, s10, $0xb8;
	[tilespmem:$0x14200] =	vst v63  }
0x3f: {  	_ =	swait.ge [sflag:s7], $0x2000  }
0x40: {  	[sflag:s7] =	ssyncset.done $0x0  }
0x41: {  	[sflag:s7] =	ssyncadd.s32 $0xFFFFE000  }
0x42: {  	_ =	swait.ge [sflag:s19], $0x2000  }
0x43: {  	[sflag:s19] =	ssyncset.done $0x0  }
0x44: {  	[sflag:s19] =	ssyncadd.s32 $0xFFFFE000  }
0x45: {  	[hbm4b:s11+s3] =	stream.linear.scatter [tilespmem:s18], [sflag:$0x3], $0x2000, $0x38;
	[tilespmem:$0x14200] =	vst v63  }
0x46: {  	_ = 	snop  }
0x47: {  	[spmem:s2] =	stream.indirect.scatter.add.f32 [tilespmem:s23], [sflag:$0x4], $0x40, s16, s10, $0xb8;
	[tilespmem:$0x14200] =	vst v63  }
0x48: {  	_ =	swait.ge [sflag:s7], $0x2000  }
0x49: {  	[sflag:s7] =	ssyncset.done $0x0  }
0x4a: {  	[sflag:s7] =	ssyncadd.s32 $0xFFFFE000  }
0x4b: {  	_ =	swait.ge [sflag:s19], $0x2000  }
0x4c: {  	[sflag:s19] =	ssyncset.done $0x0  }
0x4d: {  	[sflag:s19] =	ssyncadd.s32 $0xFFFFE000  }
0x4e: {  	[hbm4b:s8+s3] =	stream.linear.scatter [tilespmem:s15], [sflag:$0x3], $0x2000, $0x38;
	[tilespmem:$0x14200] =	vst v63  }
0x4f: {  	_ = 	snop  }
0x50: {  	[spmem:s2] =	stream.indirect.scatter.add.f32 [tilespmem:s20], [sflag:$0x4], $0x40, s13, s10, $0xb8;
	[tilespmem:$0x14200] =	vst v63  }
0x51: {  	_ =	swait.ge [sflag:s7], $0x2000  }
0x52: {  	[sflag:s7] =	ssyncset.done $0x0  }
0x53: {  	[sflag:s7] =	ssyncadd.s32 $0xFFFFE000  }
0x54: {  	_ =	swait.ge [sflag:s9], $0x2000  }
0x55: {  	[sflag:s9] =	ssyncset.done $0x0  }
0x56: {  	[sflag:s9] =	ssyncadd.s32 $0xFFFFE000  }
0x57: {  	_ =	swait.ge [sflag:s9], $0x2000  }
0x58: {  	[sflag:s9] =	ssyncset.done $0x0  }
0x59: {  	[sflag:s9] =	ssyncadd.s32 $0xFFFFE000  }
0x5a: {  	_ =	swait.ge [sflag:s9], $0x2000  }
0x5b: {  	[sflag:s9] =	ssyncset.done $0x0  }
0x5c: {  	[sflag:s9] =	ssyncadd.s32 $0xFFFFE000  }
0x5d: {  	_ =	swait.ge [sflag:s9], $0x2000  }
0x5e: {  	[sflag:s9] =	ssyncset.done $0x0  }
0x5f: {  	p1 =	sne.s32 s0, $0x1;
	[sflag:s9] =	ssyncadd.s32 $0xFFFFE000  }
.Ltmp1:
0x60: {  	[bflag:$0x0] =	sbarrier.arrive $0xFFFF;
	(pc) =	sbr.rel @!p1 .LBB2_2-.Ltmp1, $4  }
0x61: {  	s31 =	sor.u32 $0x1C04, s4;
	[dreg:$0x7] =	wrdreg s4  }
0x62: {  	[hbm:s5], [sflag:s31] =	dma.local [spmem:s6], $0x800  }
0x63: {  	s0 =	sadd.s32 $0xFFFFFFFF, s0;
	_ =	swait.ge [sflag:s7], $0x800  }
0x64: {  	p0 =	por $0x1, $0x1;
	s1 =	rddreg [dreg:$0x3];
	[sflag:s7] =	ssyncset.done $0x0  }
.LBB2_3:
0x65: {  	s4 =	rddreg [dreg:$0x4];
	[sflag:s7] =	ssyncadd.s32 $0xFFFFF800  }
0x66: {  	[spmem:s6], [sflag:s4] =	dma.local [hbm:s1], $0x800  }
0x67: {  	s1 =	rddreg [dreg:$0x5]  }
0x68: {  	[tilespmem:s22], [sflag:$0x2] =	stream.strided.gather [hbm4b:s1+s26], $0x8000, s28, s26, $0x38;
	[tilespmem:$0x14200] =	vst v63  }
0x69: {  	s4 =	rddreg [dreg:$0x6]  }
0x6a: {  	[tilespmem:s3], [sflag:$0x4] =	stream.strided.gather [hbm4b:s4+s10], $0x200, s30, s10, $0x38;
	[tilespmem:$0x14200] =	vst v63  }
0x6b: {  	_ =	swait.ge [sflag:s7], $0x200  }
0x6c: {  	[sflag:s7] =	ssyncset.done $0x0  }
0x6d: {  	[sflag:s7] =	ssyncadd.s32 $0xFFFFFE00  }
0x6e: {  	[tilespmem:s24], [sflag:$0x1] =	stream.indirect.gather [hbm4b:s12+s10], $0x40, s3, s10, $0xb8;
	[tilespmem:$0x14200] =	vst v63  }
0x6f: {  	_ = 	snop  }
0x70: {  	[tilespmem:s21], [sflag:$0x1] =	stream.indirect.gather [hbm4b:s12+s10], $0x40, s10, s10, $0xb8;
	[tilespmem:$0x14200] =	vst v63  }
0x71: {  	_ = 	snop  }
0x72: {  	[tilespmem:s18], [sflag:$0x1] =	stream.indirect.gather [hbm4b:s12+s10], $0x40, s16, s10, $0xb8;
	[tilespmem:$0x14200] =	vst v63  }
0x73: {  	_ = 	snop  }
0x74: {  	[tilespmem:s15], [sflag:$0x1] =	stream.indirect.gather [hbm4b:s12+s10], $0x40, s13, s10, $0xb8;
	[tilespmem:$0x14200] =	vst v63  }
0x75: {  	_ =	swait.ge [sflag:s9], $0x800  }
0x76: {  	[sflag:s9] =	ssyncset.done $0x0  }
0x77: {  	[sflag:s9] =	ssyncadd.s32 $0xFFFFF800  }
0x78: {  	_ =	swait.ge [sflag:s29], $0x8000  }
0x79: {  	[sflag:s29] =	ssyncset.done $0x0  }
0x7a: {  	[sflag:s29] =	ssyncadd.s32 $0xFFFF8000  }
0x7b: {  	[bflag:$0x0] =	sbarrier.arrive $0xFFFF  }
0x7c: {  	_ =	swait.ge [sflag:s19], $0x2000  }
0x7d: {  	[sflag:s19] =	ssyncset.done $0x0  }
0x7e: {  	[sflag:s19] =	ssyncadd.s32 $0xFFFFE000  }
0x7f: {  	[hbm4b:s17+s3] =	stream.linear.scatter [tilespmem:s24], [sflag:$0x3], $0x2000, $0x38;
	[tilespmem:$0x14200] =	vst v63  }
0x80: {  	_ = 	snop  }
0x81: {  	[spmem:s2] =	stream.indirect.scatter.add.f32 [tilespmem:s22], [sflag:$0x4], $0x40, s3, s10, $0xb8;
	[tilespmem:$0x14200] =	vst v63  }
0x82: {  	_ =	swait.ge [sflag:s7], $0x2000  }
0x83: {  	[sflag:s7] =	ssyncset.done $0x0  }
0x84: {  	[sflag:s7] =	ssyncadd.s32 $0xFFFFE000  }
0x85: {  	_ =	swait.ge [sflag:s19], $0x2000  }
0x86: {  	[sflag:s19] =	ssyncset.done $0x0  }
0x87: {  	[sflag:s19] =	ssyncadd.s32 $0xFFFFE000  }
0x88: {  	[hbm4b:s14+s3] =	stream.linear.scatter [tilespmem:s21], [sflag:$0x3], $0x2000, $0x38;
	[tilespmem:$0x14200] =	vst v63  }
0x89: {  	_ = 	snop  }
0x8a: {  	[spmem:s2] =	stream.indirect.scatter.add.f32 [tilespmem:s25], [sflag:$0x4], $0x40, s10, s10, $0xb8;
	[tilespmem:$0x14200] =	vst v63  }
0x8b: {  	_ =	swait.ge [sflag:s7], $0x2000  }
0x8c: {  	[sflag:s7] =	ssyncset.done $0x0  }
0x8d: {  	[sflag:s7] =	ssyncadd.s32 $0xFFFFE000  }
0x8e: {  	_ =	swait.ge [sflag:s19], $0x2000  }
0x8f: {  	[sflag:s19] =	ssyncset.done $0x0  }
0x90: {  	[sflag:s19] =	ssyncadd.s32 $0xFFFFE000  }
0x91: {  	[hbm4b:s11+s3] =	stream.linear.scatter [tilespmem:s18], [sflag:$0x3], $0x2000, $0x38;
	[tilespmem:$0x14200] =	vst v63  }
0x92: {  	_ = 	snop  }
0x93: {  	[spmem:s2] =	stream.indirect.scatter.add.f32 [tilespmem:s23], [sflag:$0x4], $0x40, s16, s10, $0xb8;
	[tilespmem:$0x14200] =	vst v63  }
0x94: {  	_ =	swait.ge [sflag:s7], $0x2000  }
0x95: {  	[sflag:s7] =	ssyncset.done $0x0  }
0x96: {  	[sflag:s7] =	ssyncadd.s32 $0xFFFFE000  }
0x97: {  	_ =	swait.ge [sflag:s19], $0x2000  }
0x98: {  	[sflag:s19] =	ssyncset.done $0x0  }
0x99: {  	[sflag:s19] =	ssyncadd.s32 $0xFFFFE000  }
0x9a: {  	[hbm4b:s8+s3] =	stream.linear.scatter [tilespmem:s15], [sflag:$0x3], $0x2000, $0x38;
	[tilespmem:$0x14200] =	vst v63  }
0x9b: {  	_ = 	snop  }
0x9c: {  	[spmem:s2] =	stream.indirect.scatter.add.f32 [tilespmem:s20], [sflag:$0x4], $0x40, s13, s10, $0xb8;
	[tilespmem:$0x14200] =	vst v63  }
0x9d: {  	_ =	swait.ge [sflag:s7], $0x2000  }
0x9e: {  	[sflag:s7] =	ssyncset.done $0x0  }
0x9f: {  	[sflag:s7] =	ssyncadd.s32 $0xFFFFE000  }
0xa0: {  	_ =	swait.ge [sflag:s9], $0x2000  }
0xa1: {  	[sflag:s9] =	ssyncset.done $0x0  }
0xa2: {  	[sflag:s9] =	ssyncadd.s32 $0xFFFFE000  }
0xa3: {  	_ =	swait.ge [sflag:s9], $0x2000  }
0xa4: {  	[sflag:s9] =	ssyncset.done $0x0  }
0xa5: {  	[sflag:s9] =	ssyncadd.s32 $0xFFFFE000  }
0xa6: {  	_ =	swait.ge [sflag:s9], $0x2000  }
0xa7: {  	[sflag:s9] =	ssyncset.done $0x0  }
0xa8: {  	[sflag:s9] =	ssyncadd.s32 $0xFFFFE000  }
0xa9: {  	_ =	swait.ge [sflag:s9], $0x2000  }
0xaa: {  	p1 =	sne.s32 s0, $0x1;
	[sflag:s9] =	ssyncset.done $0x0  }
.Ltmp2:
0xab: {  	[sflag:s9] =	ssyncadd.s32 $0xFFFFE000;
	(pc) =	sbr.rel @p1 .LBB2_3-.Ltmp2, $4  }
0xac: {  	[bflag:$0x0] =	sbarrier.arrive $0xFFFF  }
0xad: {  	[hbm:s5], [sflag:s31] =	dma.local [spmem:s6], $0x800  }
0xae: {  	_ =	swait.ge [sflag:s7], $0x800  }
0xaf: {  	s0 =	sadd.s32 $0xFFFFFFFF, s0;
	s1 =	rddreg [dreg:$0x3];
	[sflag:s7] =	ssyncset.done $0x0  }
0xb0: {  	s31 =	rddreg [dreg:$0x2]  }
0xb1: {  	s4 =	rddreg [dreg:$0x7]  }
.LBB2_5:
0xb2: {  	s0 =	rddreg [dreg:$0x4];
	[sflag:s7] =	ssyncadd.s32 @p0 $0xFFFFF800  }
0xb3: {  	[spmem:s6], [sflag:s0] =	dma.local [hbm:s1], $0x800  }
0xb4: {  	s0 =	rddreg [dreg:$0x5]  }
0xb5: {  	[tilespmem:s22], [sflag:$0x2] =	stream.strided.gather [hbm4b:s0+s26], $0x8000, s28, s26, $0x38;
	[tilespmem:$0x14200] =	vst v63  }
0xb6: {  	s1 =	rddreg [dreg:$0x6]  }
0xb7: {  	[tilespmem:s3], [sflag:$0x4] =	stream.strided.gather [hbm4b:s1+s10], $0x200, s30, s10, $0x38;
	[tilespmem:$0x14200] =	vst v63  }
0xb8: {  	_ =	swait.ge [sflag:s7], $0x200  }
0xb9: {  	[sflag:s7] =	ssyncset.done $0x0  }
0xba: {  	[sflag:s7] =	ssyncadd.s32 $0xFFFFFE00  }
0xbb: {  	[tilespmem:s24], [sflag:$0x1] =	stream.indirect.gather [hbm4b:s12+s10], $0x40, s3, s10, $0xb8;
	[tilespmem:$0x14200] =	vst v63  }
0xbc: {  	_ = 	snop  }
0xbd: {  	[tilespmem:s21], [sflag:$0x1] =	stream.indirect.gather [hbm4b:s12+s10], $0x40, s10, s10, $0xb8;
	[tilespmem:$0x14200] =	vst v63  }
0xbe: {  	_ = 	snop  }
0xbf: {  	[tilespmem:s18], [sflag:$0x1] =	stream.indirect.gather [hbm4b:s12+s10], $0x40, s16, s10, $0xb8;
	[tilespmem:$0x14200] =	vst v63  }
0xc0: {  	_ = 	snop  }
0xc1: {  	[tilespmem:s15], [sflag:$0x1] =	stream.indirect.gather [hbm4b:s12+s10], $0x40, s13, s10, $0xb8;
	[tilespmem:$0x14200] =	vst v63  }
0xc2: {  	_ =	swait.ge [sflag:s9], $0x800  }
0xc3: {  	[sflag:s9] =	ssyncset.done $0x0  }
0xc4: {  	[sflag:s9] =	ssyncadd.s32 $0xFFFFF800  }
0xc5: {  	_ =	swait.ge [sflag:s29], $0x8000  }
0xc6: {  	[sflag:s29] =	ssyncset.done $0x0  }
0xc7: {  	[sflag:s29] =	ssyncadd.s32 $0xFFFF8000  }
0xc8: {  	[bflag:$0x0] =	sbarrier.arrive $0xFFFF  }
0xc9: {  	_ =	swait.ge [sflag:s19], $0x2000  }
0xca: {  	[sflag:s19] =	ssyncset.done $0x0  }
0xcb: {  	[sflag:s19] =	ssyncadd.s32 $0xFFFFE000  }
0xcc: {  	[hbm4b:s17+s3] =	stream.linear.scatter [tilespmem:s24], [sflag:$0x3], $0x2000, $0x38;
	[tilespmem:$0x14200] =	vst v63  }
0xcd: {  	_ = 	snop  }
0xce: {  	[spmem:s2] =	stream.indirect.scatter.add.f32 [tilespmem:s22], [sflag:$0x4], $0x40, s3, s10, $0xb8;
	[tilespmem:$0x14200] =	vst v63  }
0xcf: {  	_ =	swait.ge [sflag:s7], $0x2000  }
0xd0: {  	[sflag:s7] =	ssyncset.done $0x0  }
0xd1: {  	[sflag:s7] =	ssyncadd.s32 $0xFFFFE000  }
0xd2: {  	_ =	swait.ge [sflag:s19], $0x2000  }
0xd3: {  	[sflag:s19] =	ssyncset.done $0x0  }
0xd4: {  	[sflag:s19] =	ssyncadd.s32 $0xFFFFE000  }
0xd5: {  	[hbm4b:s14+s3] =	stream.linear.scatter [tilespmem:s21], [sflag:$0x3], $0x2000, $0x38;
	[tilespmem:$0x14200] =	vst v63  }
0xd6: {  	_ = 	snop  }
0xd7: {  	[spmem:s2] =	stream.indirect.scatter.add.f32 [tilespmem:s25], [sflag:$0x4], $0x40, s10, s10, $0xb8;
	[tilespmem:$0x14200] =	vst v63  }
0xd8: {  	_ =	swait.ge [sflag:s7], $0x2000  }
0xd9: {  	[sflag:s7] =	ssyncset.done $0x0  }
0xda: {  	[sflag:s7] =	ssyncadd.s32 $0xFFFFE000  }
0xdb: {  	_ =	swait.ge [sflag:s19], $0x2000  }
0xdc: {  	[sflag:s19] =	ssyncset.done $0x0  }
0xdd: {  	[sflag:s19] =	ssyncadd.s32 $0xFFFFE000  }
0xde: {  	[hbm4b:s11+s3] =	stream.linear.scatter [tilespmem:s18], [sflag:$0x3], $0x2000, $0x38;
	[tilespmem:$0x14200] =	vst v63  }
0xdf: {  	_ = 	snop  }
0xe0: {  	[spmem:s2] =	stream.indirect.scatter.add.f32 [tilespmem:s23], [sflag:$0x4], $0x40, s16, s10, $0xb8;
	[tilespmem:$0x14200] =	vst v63  }
0xe1: {  	_ =	swait.ge [sflag:s7], $0x2000  }
0xe2: {  	[sflag:s7] =	ssyncset.done $0x0  }
0xe3: {  	[sflag:s7] =	ssyncadd.s32 $0xFFFFE000  }
0xe4: {  	_ =	swait.ge [sflag:s19], $0x2000  }
0xe5: {  	[sflag:s19] =	ssyncset.done $0x0  }
0xe6: {  	[sflag:s19] =	ssyncadd.s32 $0xFFFFE000  }
0xe7: {  	[hbm4b:s8+s3] =	stream.linear.scatter [tilespmem:s15], [sflag:$0x3], $0x2000, $0x38;
	[tilespmem:$0x14200] =	vst v63  }
0xe8: {  	_ = 	snop  }
0xe9: {  	[spmem:s2] =	stream.indirect.scatter.add.f32 [tilespmem:s20], [sflag:$0x4], $0x40, s13, s10, $0xb8;
	[tilespmem:$0x14200] =	vst v63  }
0xea: {  	_ =	swait.ge [sflag:s7], $0x2000  }
0xeb: {  	[sflag:s7] =	ssyncset.done $0x0  }
0xec: {  	[sflag:s7] =	ssyncadd.s32 $0xFFFFE000  }
0xed: {  	_ =	swait.ge [sflag:s9], $0x2000  }
0xee: {  	[sflag:s9] =	ssyncset.done $0x0  }
0xef: {  	[sflag:s9] =	ssyncadd.s32 $0xFFFFE000  }
0xf0: {  	_ =	swait.ge [sflag:s9], $0x2000  }
0xf1: {  	[sflag:s9] =	ssyncset.done $0x0  }
0xf2: {  	[sflag:s9] =	ssyncadd.s32 $0xFFFFE000  }
0xf3: {  	_ =	swait.ge [sflag:s9], $0x2000  }
0xf4: {  	[sflag:s9] =	ssyncset.done $0x0  }
0xf5: {  	[sflag:s9] =	ssyncadd.s32 $0xFFFFE000  }
0xf6: {  	_ =	swait.ge [sflag:s9], $0x2000  }
0xf7: {  	[sflag:s9] =	ssyncset.done $0x0  }
0xf8: {  	[sflag:s9] =	ssyncadd.s32 $0xFFFFE000  }
0xf9: {  	s29 =	sor.u32 $0x1C04, s4;
	[bflag:$0x0] =	sbarrier.arrive $0xFFFF  }
0xfa: {  	[hbm:s5], [sflag:s29] =	dma.local [spmem:s6], $0x800  }
0xfb: {  	_ =	swait.ge [sflag:s7], $0x800  }
0xfc: {  	[sflag:s7] =	ssyncset.done $0x0  }
0xfd: {  	[sflag:s7] =	ssyncadd.s32 $0xFFFFF800  }
0xfe: {  	_ =	sfence.sel $0x180000  }
0xff: {  	s30 =	stileid.u32;
	[bflag:$0x0] =	sbarrier.arrive $0xFFFF  }
0x100: {  	p0 =	sne.s32 s30, $0x0;
	_ =	strace $0x90000047  }
0x101: {  	s0 =	sadd.s32 @!p0 $0x100000, s31;
	[bflag:$0x2] =	sbarrier.arrive $0xFFFF  }
0x102: {  	[sflag:s0] =	ssyncadd.tile.s32 @!p0 $0x1;
	_ =	shalt  }
.LBB2_2:
.Ltmp3:
0x103: {  	(pc) =	sbr.rel .LBB2_5-.Ltmp3, $3  }
0x104: {  	_ =	sdelay $0x1  }
0x105: {  	s31 =	rddreg [dreg:$0x2]  }
0x106: {  	s4 =	rddreg [dreg:$0x7]  }
.Lfunc_end2:
_tile_overlayer_lowered:
.L_overlay_start_2:
0x107: {  	(tag) =	ssettag $0x2  }
0x108: {  	s0 =	rddreg [dreg:$0x0];
	s2 =	stileid.u32  }
0x109: {  	s1 =	rddreg [dreg:$0x1];
	p0 =	sne.s32 s2, $0x0  }
0x10a: {  	s3 =	rddreg [dreg:$0x2];
	[bflag:$0x3] =	sbarrier.arrive $0xFFFF;
	s2 =	simm.s32 @!p0 $0x1C04  }
0x10b: {  	[timem:s3], [sflag:s2] =	dma.local @!p0 [hbm:s0], s1  }
0x10c: {  	s0 =	simm.s32 @!p0 $0x4  }
0x10d: {  	_ =	swait.ge @!p0 [sflag:s0], s1  }
0x10e: {  	s1 =	ssub.s32 @!p0 $0x0, s1;
	[sflag:s0] =	ssyncset.done @!p0 $0x0  }
0x10f: {  	[sflag:s0] =	ssyncadd.s32 @!p0 s1  }
0x110: {  	[bflag:$0x3] =	sbarrier.arrive $0xFFFF  }
0x111: {  	_ =	shalt  }

</sc_bundles>
